<compile_context>
chip_gen: v7x
topology: tpu7x:2x2x1
jax: 0.10.2.dev20260603
libtpu: 0.0.44.dev20260713+nightly
codegen_flags: <defaults>
</compile_context>

<pallas_src>
import functools

import jax
import jax.numpy as jnp
from jax import lax
from jax.experimental import pallas as pl
from jax.experimental.pallas import tpu as pltpu
from jax.experimental.pallas import tpu_sc as plsc

D = 9
R = 4
YR = 256
XR = 256
H = YR * D
W = XR * D
C = 3
ROWS = C * H
L = 16

SH = 768
NW = 32
SCROWS = C * SH
RPW = SCROWS // NW
CH = 8
NCH = RPW // CH
NCW = W // L

BR = 48
NB = H // BR
NBT = (H - SH) // BR


def _floor_f32(t):
    mt = t.astype(jnp.int32)
    mtf = mt.astype(jnp.float32)
    return jnp.where(t < mtf, mt - 1, mt)


def _full(val):
    return jnp.full((L,), val, jnp.int32)



def _sc_body(x_hbm, alpha_hbm, out_hbm,
             al_v, c1_v, c2_v, wx1_v, wx2_v,
             ridx_a, ridx_b, rw_a, rw_b, rows_a, rows_b, out_a, out_b,
             gsem_a, gsem_b, osem_a, osem_b):
    wid = lax.axis_index("c") * 16 + lax.axis_index("s")
    pltpu.sync_copy(alpha_hbm, al_v)
    alpha = al_v[...]
    lane = lax.broadcasted_iota(jnp.int32, (L,), 0)

    def col_body(cw, carry):
        w = cw * L + lane
        xg = lax.div(w, jnp.int32(D))
        u = lax.rem(w, jnp.int32(D))
        t = (R - u).astype(jnp.float32) * alpha
        m = _floor_f32(t)
        f = t - m.astype(jnp.float32)
        sl = pl.ds(cw * L, L)
        c1_v[sl] = jnp.clip(xg + m, 0, XR - 1) * D + u
        c2_v[sl] = jnp.clip(xg + m + 1, 0, XR - 1) * D + u
        wx1_v[sl] = 1.0 - f
        wx2_v[sl] = f
        return carry

    lax.fori_loop(0, NCW, col_body, 0)

    def prep(ch, ridx_v, rw_v, rows_v, gsem):

        @pl.when(ch < NCH)
        def _():
            base = wid * RPW + ch * CH
            i8 = lax.rem(lane, jnp.int32(CH))
            tap = lax.div(lane, jnp.int32(CH))
            gl = base + i8
            cc = lax.div(gl, jnp.int32(SH))
            hh = lax.rem(gl, jnp.int32(SH))
            y = lax.div(hh, jnp.int32(D))
            v = lax.rem(hh, jnp.int32(D))
            t = (R - v).astype(jnp.float32) * alpha
            m = _floor_f32(t)
            f = t - m.astype(jnp.float32)
            yy = jnp.clip(y + m + tap, 0, YR - 1)
            ridx_v[...] = cc * H + yy * D + v
            rw_v[...] = jnp.where(tap == 0, 1.0 - f, f)
            pltpu.make_async_copy(x_hbm.at[ridx_v], rows_v, gsem).start()

    def work(ch, ridx_v, rw_v, rows_v, outb_v, gsem, osem,
             n_ridx, n_rw, n_rows, n_gsem):
        prep(ch + 1, n_ridx, n_rw, n_rows, n_gsem)
        base = wid * RPW + ch * CH
        pltpu.make_async_copy(x_hbm.at[ridx_v], rows_v, gsem).wait()

        @pl.when(ch >= 2)
        def _():
            prev = base - 2 * CH
            pltpu.make_async_copy(outb_v, out_hbm.at[pl.ds(prev, CH)], osem).wait()

        rw = rw_v[...]
        w1s = [rw.at[_full(i)].get(mode="promise_in_bounds") for i in range(CH)]
        w2s = [rw.at[_full(CH + i)].get(mode="promise_in_bounds") for i in range(CH)]

        def cw_body(cw, icarry):
            sl = pl.ds(cw * L, L)
            c1 = c1_v[sl]
            c2 = c2_v[sl]
            a1 = wx1_v[sl]
            a2 = wx2_v[sl]
            for i in range(CH):
                g11 = plsc.load_gather(rows_v, [_full(i), c1])
                g12 = plsc.load_gather(rows_v, [_full(i), c2])
                g21 = plsc.load_gather(rows_v, [_full(CH + i), c1])
                g22 = plsc.load_gather(rows_v, [_full(CH + i), c2])
                va = w1s[i] * g11 + w2s[i] * g21
                vb = w1s[i] * g12 + w2s[i] * g22
                outb_v[i, sl] = a1 * va + a2 * vb
            return icarry

        lax.fori_loop(0, NCW, cw_body, 0)
        pltpu.make_async_copy(outb_v, out_hbm.at[pl.ds(base, CH)], osem).start()

    prep(jnp.int32(0), ridx_a, rw_a, rows_a, gsem_a)

    def pair_body(i, carry):
        work(2 * i, ridx_a, rw_a, rows_a, out_a, gsem_a, osem_a,
             ridx_b, rw_b, rows_b, gsem_b)

        @pl.when(2 * i + 1 < NCH)
        def _():
            work(2 * i + 1, ridx_b, rw_b, rows_b, out_b, gsem_b, osem_b,
                 ridx_a, rw_a, rows_a, gsem_a)

        return carry

    lax.fori_loop(0, (NCH + 1) // 2, pair_body, 0)

    last_a = wid * RPW + (NCH - 1) * CH
    last_b = wid * RPW + (NCH - 2) * CH
    pltpu.make_async_copy(out_a, out_hbm.at[pl.ds(last_a, CH)], osem_a).wait()
    pltpu.make_async_copy(out_b, out_hbm.at[pl.ds(last_b, CH)], osem_b).wait()


def _sc_run(x2, alpha_vec):
    run = functools.partial(
        pl.kernel,
        mesh=plsc.VectorSubcoreMesh(core_axis_name="c", subcore_axis_name="s"),
        compiler_params=pltpu.CompilerParams(needs_layout_passes=False),
        out_type=jax.ShapeDtypeStruct((SCROWS, W), jnp.float32),
        scratch_types=[
            pltpu.VMEM((L,), jnp.float32),
            pltpu.VMEM((W,), jnp.int32),
            pltpu.VMEM((W,), jnp.int32),
            pltpu.VMEM((W,), jnp.float32),
            pltpu.VMEM((W,), jnp.float32),
            pltpu.VMEM((L,), jnp.int32),
            pltpu.VMEM((L,), jnp.int32),
            pltpu.VMEM((L,), jnp.float32),
            pltpu.VMEM((L,), jnp.float32),
            pltpu.VMEM((2 * CH, W), jnp.float32),
            pltpu.VMEM((2 * CH, W), jnp.float32),
            pltpu.VMEM((CH, W), jnp.float32),
            pltpu.VMEM((CH, W), jnp.float32),
            pltpu.SemaphoreType.DMA,
            pltpu.SemaphoreType.DMA,
            pltpu.SemaphoreType.DMA,
            pltpu.SemaphoreType.DMA,
        ],
    )(_sc_body)
    return run(x2, alpha_vec)



def _tc_tap_weights(idx_i32, alpha, n_res, off):
    v = idx_i32 % D
    y = idx_i32 // D
    t = -alpha * (v - R).astype(jnp.float32)
    m = jnp.floor(t)
    f = t - m
    mi = m.astype(jnp.int32)
    j1 = jnp.clip(y + mi, 0, n_res - 1) - y
    j2 = jnp.clip(y + mi + 1, 0, n_res - 1) - y
    return jnp.where(j1 == off, 1.0 - f, 0.0) + jnp.where(j2 == off, f, 0.0)


def _tc_body(alpha_ref, prev_ref, cur_ref, next_ref, out_ref, win_ref, pad_ref):
    rb = pl.program_id(1)
    alpha = alpha_ref[0]

    win_ref[0:BR, :] = prev_ref[0, 0]
    win_ref[BR:2 * BR, :] = cur_ref[0, 0]
    win_ref[2 * BR:3 * BR, :] = next_ref[0, 0]

    row = lax.broadcasted_iota(jnp.int32, (BR, 1), 0) + SH + rb * BR
    col = lax.broadcasted_iota(jnp.int32, (1, W), 1)

    tmp = jnp.zeros((BR, W), jnp.float32)
    for off in range(-2, 4):
        b = _tc_tap_weights(row, alpha, YR, off)
        tmp = tmp + b * win_ref[BR + D * off:BR + D * off + BR, :]

    pad_ref[:, 0:BR] = jnp.zeros((BR, BR), jnp.float32)
    pad_ref[:, BR:BR + W] = tmp
    pad_ref[:, BR + W:] = jnp.zeros((BR, BR), jnp.float32)

    out = jnp.zeros((BR, W), jnp.float32)
    for off in range(-2, 4):
        a = _tc_tap_weights(col, alpha, XR, off)
        out = out + a * pad_ref[:, BR + D * off:BR + D * off + W]
    out_ref[0, 0] = out


def _tc_run(x, alpha_arr):
    blk = (1, 1, BR, W)
    rb0 = SH // BR

    def im_prev(c, rb):
        return (0, c, jnp.maximum(rb0 + rb - 1, 0), 0)

    def im_cur(c, rb):
        return (0, c, rb0 + rb, 0)

    def im_next(c, rb):
        return (0, c, jnp.minimum(rb0 + rb + 1, NB - 1), 0)

    return pl.pallas_call(
        _tc_body,
        grid=(C, NBT),
        in_specs=[
            pl.BlockSpec(memory_space=pltpu.SMEM),
            pl.BlockSpec(blk, im_prev),
            pl.BlockSpec(blk, im_cur),
            pl.BlockSpec(blk, im_next),
        ],
        out_specs=pl.BlockSpec(blk, im_cur),
        out_shape=jax.ShapeDtypeStruct((1, C, H, W), jnp.float32),
        scratch_shapes=[
            pltpu.VMEM((3 * BR, W), jnp.float32),
            pltpu.VMEM((BR, W + 2 * BR), jnp.float32),
        ],
    )(alpha_arr, x, x, x)


@jax.jit
def kernel(x, alpha):
    alpha32 = alpha.astype(jnp.float32)
    sc_out = _sc_run(x.reshape(ROWS, W), jnp.full((L,), alpha32, jnp.float32))
    tc_out = _tc_run(x, jnp.reshape(alpha32, (1,)))
    return lax.dynamic_update_slice(
        tc_out, sc_out.reshape(1, C, SH, W), (0, 0, 0, 0))

# --- scband reference (transcript-rebuilt; emitter-appended) ---
"""Pipeline reference for scband-lfreparam-31808527794661 (READ-ONLY COPY).

The authoritative reference and input builder live on the scoring server;
editing this copy changes nothing except your own understanding.
"""

import jax, jax.numpy as jnp
import numpy as np

UV_DIAMETER = 9
UV_RADIUS = 4
Y_RES = 256
X_RES = 256


def setup_inputs(seed: int = 0) -> dict:
    key = jax.random.key(seed)
    k1, k2 = jax.random.split(key)
    x = jax.random.normal(k1, (1, 3, Y_RES * UV_DIAMETER, X_RES * UV_DIAMETER), dtype=jnp.float32)
    alpha = jnp.float32(0.5)
    return {"x": x, "alpha": alpha}


def reference(x, alpha):
    D = UV_DIAMETER
    R = UV_RADIUS
    H = Y_RES * D
    W = X_RES * D
    v = jnp.arange(D)
    u = jnp.arange(D)
    y = jnp.arange(Y_RES)
    xg = jnp.arange(X_RES)
    vgrid, ugrid, ygrid, xgrid = jnp.meshgrid(v, u, y, xg, indexing='ij')
    vgrid = jnp.transpose(vgrid, (2, 0, 3, 1)).reshape(H, W) - R
    ugrid = jnp.transpose(ugrid, (2, 0, 3, 1)).reshape(H, W) - R
    ygrid = jnp.transpose(ygrid, (2, 0, 3, 1)).reshape(H, W)
    xgrid = jnp.transpose(xgrid, (2, 0, 3, 1)).reshape(H, W)

    x_ind = ugrid.astype(jnp.float32) * (-alpha) + xgrid.astype(jnp.float32)
    y_ind = vgrid.astype(jnp.float32) * (-alpha) + ygrid.astype(jnp.float32)
    x_floor = jnp.floor(x_ind)
    y_floor = jnp.floor(y_ind)
    x_1 = jnp.clip(x_floor, 0, X_RES - 1)
    y_1 = jnp.clip(y_floor, 0, Y_RES - 1)
    x_2 = jnp.clip(x_floor + 1.0, 0, X_RES - 1)
    y_2 = jnp.clip(y_floor + 1.0, 0, Y_RES - 1)
    x_1_w = 1.0 - (x_ind - x_floor)
    x_2_w = 1.0 - x_1_w
    y_1_w = 1.0 - (y_ind - y_floor)
    y_2_w = 1.0 - y_1_w

    x_1_index = ugrid + R + x_1.astype(jnp.int32) * D
    y_1_index = vgrid + R + y_1.astype(jnp.int32) * D
    x_2_index = ugrid + R + x_2.astype(jnp.int32) * D
    y_2_index = vgrid + R + y_2.astype(jnp.int32) * D
    x_r_index = ugrid + R + xgrid * D
    y_r_index = vgrid + R + ygrid * D

    val = (y_1_w * x_1_w) * x[:, :, y_1_index, x_1_index]
    val = val + (y_1_w * x_2_w) * x[:, :, y_1_index, x_2_index]
    val = val + (y_2_w * x_1_w) * x[:, :, y_2_index, x_1_index]
    val = val + (y_2_w * x_2_w) * x[:, :, y_2_index, x_2_index]

    img_reparam = jnp.zeros_like(x).at[:, :, y_r_index, x_r_index].set(val)
    return img_reparam

if __name__ == "__main__":
    import jax
    _d = setup_inputs()
    print(jax.jit(kernel)(*tuple(_d.values())))

</pallas_src>

<mosaic_0001>
#map = affine_map<(d0, d1) -> (0, 0)>
#map1 = affine_map<(d0, d1) -> (0)>
module attributes {stable_mosaic.version = 14 : i64} {
  func.func @_sc_body(%arg0: i32, %arg1: i32, %arg2: memref<6912x2304xf32, #tpu.memory_space<hbm>>, %arg3: memref<16xf32, #tpu.memory_space<hbm>>, %arg4: memref<2304x2304xf32, #tpu.memory_space<hbm>>, %arg5: memref<16xf32, #tpu.memory_space<vmem>>, %arg6: memref<2304xi32, #tpu.memory_space<vmem>>, %arg7: memref<2304xi32, #tpu.memory_space<vmem>>, %arg8: memref<2304xf32, #tpu.memory_space<vmem>>, %arg9: memref<2304xf32, #tpu.memory_space<vmem>>, %arg10: memref<16xi32, #tpu.memory_space<vmem>>, %arg11: memref<16xi32, #tpu.memory_space<vmem>>, %arg12: memref<16xf32, #tpu.memory_space<vmem>>, %arg13: memref<16xf32, #tpu.memory_space<vmem>>, %arg14: memref<16x2304xf32, #tpu.memory_space<vmem>>, %arg15: memref<16x2304xf32, #tpu.memory_space<vmem>>, %arg16: memref<8x2304xf32, #tpu.memory_space<vmem>>, %arg17: memref<8x2304xf32, #tpu.memory_space<vmem>>, %arg18: memref<!tpu.dma_semaphore, #tpu.memory_space<semaphore_mem>>, %arg19: memref<!tpu.dma_semaphore, #tpu.memory_space<semaphore_mem>>, %arg20: memref<!tpu.dma_semaphore, #tpu.memory_space<semaphore_mem>>, %arg21: memref<!tpu.dma_semaphore, #tpu.memory_space<semaphore_mem>>) attributes {dimension_semantics = [#tpu.dimension_semantics<core_parallel>, #tpu.dimension_semantics<subcore_parallel>], iteration_bounds = array<i64: 2, 16>, scalar_prefetch = 0 : i64, scratch_operands = 17 : i64, tpu.core_type = #tpu.core_type<sc_vector_subcore>, window_params = [{transform_indices = #map}, {transform_indices = #map1}, {transform_indices = #map}]} {
    %mul3A = arith.constant 16 : i32
    %mul3A_0 = arith.muli %arg0, %mul3A : i32
    %add3A = arith.addi %mul3A_0, %arg1 : i32
    "tpu.region"() ({
      %run_scoped3A = tpu.sem_alloc : memref<!tpu.dma_semaphore, #tpu.memory_space<semaphore_mem>>
      tpu.enqueue_dma source(%arg3 : memref<16xf32, #tpu.memory_space<hbm>>) target(%arg5 : memref<16xf32, #tpu.memory_space<vmem>>) target_semaphore(%run_scoped3A : memref<!tpu.dma_semaphore, #tpu.memory_space<semaphore_mem>>)
      tpu.wait_dma2 semaphore(%run_scoped3A : memref<!tpu.dma_semaphore, #tpu.memory_space<semaphore_mem>>) src(%arg3 : memref<16xf32, #tpu.memory_space<hbm>>) dst(%arg5 : memref<16xf32, #tpu.memory_space<vmem>>)
      tpu.yield
    }) : () -> ()
    %get3A = arith.constant 0 : index
    %get3A_1 = tpu.vector_load %arg5[%get3A] {strides = array<i32>} : memref<16xf32, #tpu.memory_space<vmem>>, vector<16xf32>,
    %iota3A = tpu.iota {dimensions = array<i32: 0>} : vector<16xi32>
    %scan3A = arith.constant 0 : i32
    %scan3A_2 = arith.constant 0 : i32
    %scan3A_3 = arith.constant 144 : i32
    %scan3A_4 = arith.addi %scan3A_2, %scan3A_3 : i32
    %scan3A_5 = arith.constant 1 : i32
    scf.for %scan3A_32 = %scan3A_2 to %scan3A_4 step %scan3A_5  : i32 {
      %mul3A_33 = arith.constant 16 : i32
      %mul3A_34 = arith.muli %scan3A_32, %mul3A_33 : i32
      %add3A_35 = vector.broadcast %mul3A_34 : i32 to vector<16xi32>
      %add3A_36 = arith.addi %add3A_35, %iota3A : vector<16xi32>
      %div3A = arith.constant 9 : i32
      %div3A_37 = vector.broadcast %div3A : i32 to vector<16xi32>
      %div3A_38 = arith.divsi %add3A_36, %div3A_37 : vector<16xi32>
      %rem3A = arith.constant 9 : i32
      %rem3A_39 = vector.broadcast %rem3A : i32 to vector<16xi32>
      %rem3A_40 = arith.remsi %add3A_36, %rem3A_39 : vector<16xi32>
      %sub3A = arith.constant 4 : i32
      %sub3A_41 = vector.broadcast %sub3A : i32 to vector<16xi32>
      %sub3A_42 = arith.subi %sub3A_41, %rem3A_40 : vector<16xi32>
      %convert_element_type3A_43 = arith.sitofp %sub3A_42 : vector<16xi32> to vector<16xf32>
      %mul3A_44 = arith.mulf %convert_element_type3A_43, %get3A_1 : vector<16xf32>
      %convert_element_type3A_45 = arith.fptosi %mul3A_44 : vector<16xf32> to vector<16xi32>
      %convert_element_type3A_46 = arith.sitofp %convert_element_type3A_45 : vector<16xi32> to vector<16xf32>
      %lt3A_47 = arith.cmpf olt, %mul3A_44, %convert_element_type3A_46 : vector<16xf32>
      %sub3A_48 = arith.constant 1 : i32
      %sub3A_49 = vector.broadcast %sub3A_48 : i32 to vector<16xi32>
      %sub3A_50 = arith.subi %convert_element_type3A_45, %sub3A_49 : vector<16xi32>
      %select_n3A = arith.select %lt3A_47, %sub3A_50, %convert_element_type3A_45 : vector<16xi1>, vector<16xi32>
      %convert_element_type3A_51 = arith.sitofp %select_n3A : vector<16xi32> to vector<16xf32>
      %sub3A_52 = arith.subf %mul3A_44, %convert_element_type3A_51 : vector<16xf32>
      %mul3A_53 = arith.constant 16 : i32
      %mul3A_54 = arith.muli %scan3A_32, %mul3A_53 : i32
      %add3A_55 = arith.addi %div3A_38, %select_n3A : vector<16xi32>
      %jit3A = arith.constant 0 : i32
      %jit3A_56 = arith.constant 255 : i32
      %max3A = vector.broadcast %jit3A : i32 to vector<16xi32>
      %max3A_57 = arith.maxsi %max3A, %add3A_55 : vector<16xi32>
      %min3A = vector.broadcast %jit3A_56 : i32 to vector<16xi32>
      %min3A_58 = arith.minsi %min3A, %max3A_57 : vector<16xi32>
      %mul3A_59 = arith.constant 9 : i32
      %mul3A_60 = vector.broadcast %mul3A_59 : i32 to vector<16xi32>
      %mul3A_61 = arith.muli %min3A_58, %mul3A_60 : vector<16xi32>
      %add3A_62 = arith.addi %mul3A_61, %rem3A_40 : vector<16xi32>
      %swap3A = arith.index_cast %mul3A_54 : i32 to index
      %swap3A_63 = tpu.vector_load %arg6[%swap3A] {strides = array<i32>} : memref<2304xi32, #tpu.memory_space<vmem>>, vector<16xi32>,
      tpu.vector_store %arg6[%swap3A], %add3A_62 {strides = array<i32>} : memref<2304xi32, #tpu.memory_space<vmem>>, vector<16xi32>,
      %add3A_64 = arith.addi %div3A_38, %select_n3A : vector<16xi32>
      %add3A_65 = arith.constant 1 : i32
      %add3A_66 = vector.broadcast %add3A_65 : i32 to vector<16xi32>
      %add3A_67 = arith.addi %add3A_64, %add3A_66 : vector<16xi32>
      %jit3A_68 = arith.constant 0 : i32
      %jit3A_69 = arith.constant 255 : i32
      %max3A_70 = vector.broadcast %jit3A_68 : i32 to vector<16xi32>
      %max3A_71 = arith.maxsi %max3A_70, %add3A_67 : vector<16xi32>
      %min3A_72 = vector.broadcast %jit3A_69 : i32 to vector<16xi32>
      %min3A_73 = arith.minsi %min3A_72, %max3A_71 : vector<16xi32>
      %mul3A_74 = arith.constant 9 : i32
      %mul3A_75 = vector.broadcast %mul3A_74 : i32 to vector<16xi32>
      %mul3A_76 = arith.muli %min3A_73, %mul3A_75 : vector<16xi32>
      %add3A_77 = arith.addi %mul3A_76, %rem3A_40 : vector<16xi32>
      %swap3A_78 = arith.index_cast %mul3A_54 : i32 to index
      %swap3A_79 = tpu.vector_load %arg7[%swap3A_78] {strides = array<i32>} : memref<2304xi32, #tpu.memory_space<vmem>>, vector<16xi32>,
      tpu.vector_store %arg7[%swap3A_78], %add3A_77 {strides = array<i32>} : memref<2304xi32, #tpu.memory_space<vmem>>, vector<16xi32>,
      %sub3A_80 = arith.constant 1.000000e+00 : f32
      %sub3A_81 = vector.broadcast %sub3A_80 : f32 to vector<16xf32>
      %sub3A_82 = arith.subf %sub3A_81, %sub3A_52 : vector<16xf32>
      %swap3A_83 = arith.index_cast %mul3A_54 : i32 to index
      %swap3A_84 = tpu.vector_load %arg8[%swap3A_83] {strides = array<i32>} : memref<2304xf32, #tpu.memory_space<vmem>>, vector<16xf32>,
      tpu.vector_store %arg8[%swap3A_83], %sub3A_82 {strides = array<i32>} : memref<2304xf32, #tpu.memory_space<vmem>>, vector<16xf32>,
      %swap3A_85 = arith.index_cast %mul3A_54 : i32 to index
      %swap3A_86 = tpu.vector_load %arg9[%swap3A_85] {strides = array<i32>} : memref<2304xf32, #tpu.memory_space<vmem>>, vector<16xf32>,
      tpu.vector_store %arg9[%swap3A_85], %sub3A_52 {strides = array<i32>} : memref<2304xf32, #tpu.memory_space<vmem>>, vector<16xf32>,
    }
    %scan3A_6 = arith.constant 144 : i32
    %lt3A = arith.constant 0 : i32
    %lt3A_7 = arith.constant 9 : i32
    %lt3A_8 = arith.cmpi slt, %lt3A, %lt3A_7 : i32
    %convert_element_type3A = arith.extui %lt3A_8 : i1 to i32
    %cond3A = arith.constant 0 : i32
    %cond3A_9 = arith.constant 0 : i32
    %cond3A_10 = arith.cmpi ne, %convert_element_type3A, %cond3A_9 : i32
    scf.if %cond3A_10 {
      %mul3A_32 = arith.constant 72 : i32
      %mul3A_33 = arith.muli %add3A, %mul3A_32 : i32
      %mul3A_34 = arith.constant 8 : i32
      %mul3A_35 = arith.muli %cond3A, %mul3A_34 : i32
      %add3A_36 = arith.addi %mul3A_33, %mul3A_35 : i32
      %rem3A = arith.constant 8 : i32
      %rem3A_37 = vector.broadcast %rem3A : i32 to vector<16xi32>
      %rem3A_38 = arith.remsi %iota3A, %rem3A_37 : vector<16xi32>
      %div3A = arith.constant 8 : i32
      %div3A_39 = vector.broadcast %div3A : i32 to vector<16xi32>
      %div3A_40 = arith.divsi %iota3A, %div3A_39 : vector<16xi32>
      %add3A_41 = vector.broadcast %add3A_36 : i32 to vector<16xi32>
      %add3A_42 = arith.addi %add3A_41, %rem3A_38 : vector<16xi32>
      %div3A_43 = arith.constant 768 : i32
      %div3A_44 = vector.broadcast %div3A_43 : i32 to vector<16xi32>
      %div3A_45 = arith.divsi %add3A_42, %div3A_44 : vector<16xi32>
      %rem3A_46 = arith.constant 768 : i32
      %rem3A_47 = vector.broadcast %rem3A_46 : i32 to vector<16xi32>
      %rem3A_48 = arith.remsi %add3A_42, %rem3A_47 : vector<16xi32>
      %div3A_49 = arith.constant 9 : i32
      %div3A_50 = vector.broadcast %div3A_49 : i32 to vector<16xi32>
      %div3A_51 = arith.divsi %rem3A_48, %div3A_50 : vector<16xi32>
      %rem3A_52 = arith.constant 9 : i32
      %rem3A_53 = vector.broadcast %rem3A_52 : i32 to vector<16xi32>
      %rem3A_54 = arith.remsi %rem3A_48, %rem3A_53 : vector<16xi32>
      %sub3A = arith.constant 4 : i32
      %sub3A_55 = vector.broadcast %sub3A : i32 to vector<16xi32>
      %sub3A_56 = arith.subi %sub3A_55, %rem3A_54 : vector<16xi32>
      %convert_element_type3A_57 = arith.sitofp %sub3A_56 : vector<16xi32> to vector<16xf32>
      %mul3A_58 = arith.mulf %convert_element_type3A_57, %get3A_1 : vector<16xf32>
      %convert_element_type3A_59 = arith.fptosi %mul3A_58 : vector<16xf32> to vector<16xi32>
      %convert_element_type3A_60 = arith.sitofp %convert_element_type3A_59 : vector<16xi32> to vector<16xf32>
      %lt3A_61 = arith.cmpf olt, %mul3A_58, %convert_element_type3A_60 : vector<16xf32>
      %sub3A_62 = arith.constant 1 : i32
      %sub3A_63 = vector.broadcast %sub3A_62 : i32 to vector<16xi32>
      %sub3A_64 = arith.subi %convert_element_type3A_59, %sub3A_63 : vector<16xi32>
      %select_n3A = arith.select %lt3A_61, %sub3A_64, %convert_element_type3A_59 : vector<16xi1>, vector<16xi32>
      %convert_element_type3A_65 = arith.sitofp %select_n3A : vector<16xi32> to vector<16xf32>
      %sub3A_66 = arith.subf %mul3A_58, %convert_element_type3A_65 : vector<16xf32>
      %add3A_67 = arith.addi %div3A_51, %select_n3A : vector<16xi32>
      %add3A_68 = arith.addi %add3A_67, %div3A_40 : vector<16xi32>
      %jit3A = arith.constant 0 : i32
      %jit3A_69 = arith.constant 255 : i32
      %max3A = vector.broadcast %jit3A : i32 to vector<16xi32>
      %max3A_70 = arith.maxsi %max3A, %add3A_68 : vector<16xi32>
      %min3A = vector.broadcast %jit3A_69 : i32 to vector<16xi32>
      %min3A_71 = arith.minsi %min3A, %max3A_70 : vector<16xi32>
      %mul3A_72 = arith.constant 2304 : i32
      %mul3A_73 = vector.broadcast %mul3A_72 : i32 to vector<16xi32>
      %mul3A_74 = arith.muli %div3A_45, %mul3A_73 : vector<16xi32>
      %mul3A_75 = arith.constant 9 : i32
      %mul3A_76 = vector.broadcast %mul3A_75 : i32 to vector<16xi32>
      %mul3A_77 = arith.muli %min3A_71, %mul3A_76 : vector<16xi32>
      %add3A_78 = arith.addi %mul3A_74, %mul3A_77 : vector<16xi32>
      %add3A_79 = arith.addi %add3A_78, %rem3A_54 : vector<16xi32>
      %swap3A = arith.constant 0 : index
      %swap3A_80 = tpu.vector_load %arg10[%swap3A] {strides = array<i32>} : memref<16xi32, #tpu.memory_space<vmem>>, vector<16xi32>,
      tpu.vector_store %arg10[%swap3A], %add3A_79 {strides = array<i32>} : memref<16xi32, #tpu.memory_space<vmem>>, vector<16xi32>,
      %eq3A = arith.constant 0 : i32
      %eq3A_81 = vector.broadcast %eq3A : i32 to vector<16xi32>
      %eq3A_82 = arith.cmpi eq, %div3A_40, %eq3A_81 : vector<16xi32>
      %sub3A_83 = arith.constant 1.000000e+00 : f32
      %sub3A_84 = vector.broadcast %sub3A_83 : f32 to vector<16xf32>
      %sub3A_85 = arith.subf %sub3A_84, %sub3A_66 : vector<16xf32>
      %select_n3A_86 = arith.select %eq3A_82, %sub3A_85, %sub3A_66 : vector<16xi1>, vector<16xf32>
      %swap3A_87 = arith.constant 0 : index
      %swap3A_88 = tpu.vector_load %arg12[%swap3A_87] {strides = array<i32>} : memref<16xf32, #tpu.memory_space<vmem>>, vector<16xf32>,
      tpu.vector_store %arg12[%swap3A_87], %select_n3A_86 {strides = array<i32>} : memref<16xf32, #tpu.memory_space<vmem>>, vector<16xf32>,
      %dma_start3A = arith.constant 0 : i32
      %dma_start3A_89 = arith.constant 0 : i32
      %dma_start3A_90 = tpu.memref_slice %arg2[%dma_start3A, %dma_start3A_89] : memref<6912x2304xf32, #tpu.memory_space<hbm>> -> memref<6912x2304xf32, #tpu.memory_space<hbm>>
      tpu.enqueue_indirect_dma source(%dma_start3A_90 : memref<6912x2304xf32, #tpu.memory_space<hbm>>) target(%arg14 : memref<16x2304xf32, #tpu.memory_space<vmem>>) offsets(%arg10 : memref<16xi32, #tpu.memory_space<vmem>>) semaphore(%arg18 : memref<!tpu.dma_semaphore, #tpu.memory_space<semaphore_mem>>)
    } else {
    }
    %scan3A_11 = arith.constant 0 : i32
    %scan3A_12 = arith.constant 0 : i32
    %scan3A_13 = arith.constant 5 : i32
    %scan3A_14 = arith.addi %scan3A_12, %scan3A_13 : i32
    %scan3A_15 = arith.constant 1 : i32
    scf.for %scan3A_32 = %scan3A_12 to %scan3A_14 step %scan3A_15  : i32 {
      %mul3A_33 = arith.constant 2 : i32
      %mul3A_34 = arith.muli %mul3A_33, %scan3A_32 : i32
      %add3A_35 = arith.constant 1 : i32
      %add3A_36 = arith.addi %mul3A_34, %add3A_35 : i32
      %lt3A_37 = arith.constant 9 : i32
      %lt3A_38 = arith.cmpi slt, %add3A_36, %lt3A_37 : i32
      %convert_element_type3A_39 = arith.extui %lt3A_38 : i1 to i32
      %cond3A_40 = arith.constant 0 : i32
      %cond3A_41 = arith.cmpi ne, %convert_element_type3A_39, %cond3A_40 : i32
      scf.if %cond3A_41 {
        %mul3A_263 = arith.constant 72 : i32
        %mul3A_264 = arith.muli %add3A, %mul3A_263 : i32
        %mul3A_265 = arith.constant 8 : i32
        %mul3A_266 = arith.muli %add3A_36, %mul3A_265 : i32
        %add3A_267 = arith.addi %mul3A_264, %mul3A_266 : i32
        %rem3A = arith.constant 8 : i32
        %rem3A_268 = vector.broadcast %rem3A : i32 to vector<16xi32>
        %rem3A_269 = arith.remsi %iota3A, %rem3A_268 : vector<16xi32>
        %div3A = arith.constant 8 : i32
        %div3A_270 = vector.broadcast %div3A : i32 to vector<16xi32>
        %div3A_271 = arith.divsi %iota3A, %div3A_270 : vector<16xi32>
        %add3A_272 = vector.broadcast %add3A_267 : i32 to vector<16xi32>
        %add3A_273 = arith.addi %add3A_272, %rem3A_269 : vector<16xi32>
        %div3A_274 = arith.constant 768 : i32
        %div3A_275 = vector.broadcast %div3A_274 : i32 to vector<16xi32>
        %div3A_276 = arith.divsi %add3A_273, %div3A_275 : vector<16xi32>
        %rem3A_277 = arith.constant 768 : i32
        %rem3A_278 = vector.broadcast %rem3A_277 : i32 to vector<16xi32>
        %rem3A_279 = arith.remsi %add3A_273, %rem3A_278 : vector<16xi32>
        %div3A_280 = arith.constant 9 : i32
        %div3A_281 = vector.broadcast %div3A_280 : i32 to vector<16xi32>
        %div3A_282 = arith.divsi %rem3A_279, %div3A_281 : vector<16xi32>
        %rem3A_283 = arith.constant 9 : i32
        %rem3A_284 = vector.broadcast %rem3A_283 : i32 to vector<16xi32>
        %rem3A_285 = arith.remsi %rem3A_279, %rem3A_284 : vector<16xi32>
        %sub3A = arith.constant 4 : i32
        %sub3A_286 = vector.broadcast %sub3A : i32 to vector<16xi32>
        %sub3A_287 = arith.subi %sub3A_286, %rem3A_285 : vector<16xi32>
        %convert_element_type3A_288 = arith.sitofp %sub3A_287 : vector<16xi32> to vector<16xf32>
        %mul3A_289 = arith.mulf %convert_element_type3A_288, %get3A_1 : vector<16xf32>
        %convert_element_type3A_290 = arith.fptosi %mul3A_289 : vector<16xf32> to vector<16xi32>
        %convert_element_type3A_291 = arith.sitofp %convert_element_type3A_290 : vector<16xi32> to vector<16xf32>
        %lt3A_292 = arith.cmpf olt, %mul3A_289, %convert_element_type3A_291 : vector<16xf32>
        %sub3A_293 = arith.constant 1 : i32
        %sub3A_294 = vector.broadcast %sub3A_293 : i32 to vector<16xi32>
        %sub3A_295 = arith.subi %convert_element_type3A_290, %sub3A_294 : vector<16xi32>
        %select_n3A_296 = arith.select %lt3A_292, %sub3A_295, %convert_element_type3A_290 : vector<16xi1>, vector<16xi32>
        %convert_element_type3A_297 = arith.sitofp %select_n3A_296 : vector<16xi32> to vector<16xf32>
        %sub3A_298 = arith.subf %mul3A_289, %convert_element_type3A_297 : vector<16xf32>
        %add3A_299 = arith.addi %div3A_282, %select_n3A_296 : vector<16xi32>
        %add3A_300 = arith.addi %add3A_299, %div3A_271 : vector<16xi32>
        %jit3A = arith.constant 0 : i32
        %jit3A_301 = arith.constant 255 : i32
        %max3A = vector.broadcast %jit3A : i32 to vector<16xi32>
        %max3A_302 = arith.maxsi %max3A, %add3A_300 : vector<16xi32>
        %min3A = vector.broadcast %jit3A_301 : i32 to vector<16xi32>
        %min3A_303 = arith.minsi %min3A, %max3A_302 : vector<16xi32>
        %mul3A_304 = arith.constant 2304 : i32
        %mul3A_305 = vector.broadcast %mul3A_304 : i32 to vector<16xi32>
        %mul3A_306 = arith.muli %div3A_276, %mul3A_305 : vector<16xi32>
        %mul3A_307 = arith.constant 9 : i32
        %mul3A_308 = vector.broadcast %mul3A_307 : i32 to vector<16xi32>
        %mul3A_309 = arith.muli %min3A_303, %mul3A_308 : vector<16xi32>
        %add3A_310 = arith.addi %mul3A_306, %mul3A_309 : vector<16xi32>
        %add3A_311 = arith.addi %add3A_310, %rem3A_285 : vector<16xi32>
        %swap3A = arith.constant 0 : index
        %swap3A_312 = tpu.vector_load %arg11[%swap3A] {strides = array<i32>} : memref<16xi32, #tpu.memory_space<vmem>>, vector<16xi32>,
        tpu.vector_store %arg11[%swap3A], %add3A_311 {strides = array<i32>} : memref<16xi32, #tpu.memory_space<vmem>>, vector<16xi32>,
        %eq3A = arith.constant 0 : i32
        %eq3A_313 = vector.broadcast %eq3A : i32 to vector<16xi32>
        %eq3A_314 = arith.cmpi eq, %div3A_271, %eq3A_313 : vector<16xi32>
        %sub3A_315 = arith.constant 1.000000e+00 : f32
        %sub3A_316 = vector.broadcast %sub3A_315 : f32 to vector<16xf32>
        %sub3A_317 = arith.subf %sub3A_316, %sub3A_298 : vector<16xf32>
        %select_n3A_318 = arith.select %eq3A_314, %sub3A_317, %sub3A_298 : vector<16xi1>, vector<16xf32>
        %swap3A_319 = arith.constant 0 : index
        %swap3A_320 = tpu.vector_load %arg13[%swap3A_319] {strides = array<i32>} : memref<16xf32, #tpu.memory_space<vmem>>, vector<16xf32>,
        tpu.vector_store %arg13[%swap3A_319], %select_n3A_318 {strides = array<i32>} : memref<16xf32, #tpu.memory_space<vmem>>, vector<16xf32>,
        %dma_start3A_321 = arith.constant 0 : i32
        %dma_start3A_322 = arith.constant 0 : i32
        %dma_start3A_323 = tpu.memref_slice %arg2[%dma_start3A_321, %dma_start3A_322] : memref<6912x2304xf32, #tpu.memory_space<hbm>> -> memref<6912x2304xf32, #tpu.memory_space<hbm>>
        tpu.enqueue_indirect_dma source(%dma_start3A_323 : memref<6912x2304xf32, #tpu.memory_space<hbm>>) target(%arg15 : memref<16x2304xf32, #tpu.memory_space<vmem>>) offsets(%arg11 : memref<16xi32, #tpu.memory_space<vmem>>) semaphore(%arg19 : memref<!tpu.dma_semaphore, #tpu.memory_space<semaphore_mem>>)
      } else {
      }
      %mul3A_42 = arith.constant 72 : i32
      %mul3A_43 = arith.muli %add3A, %mul3A_42 : i32
      %mul3A_44 = arith.constant 8 : i32
      %mul3A_45 = arith.muli %mul3A_34, %mul3A_44 : i32
      %add3A_46 = arith.addi %mul3A_43, %mul3A_45 : i32
      %dma_wait3A_47 = arith.constant 0 : i32
      %dma_wait3A_48 = arith.constant 0 : i32
      %dma_wait3A_49 = tpu.memref_slice %arg2[%dma_wait3A_47, %dma_wait3A_48] : memref<6912x2304xf32, #tpu.memory_space<hbm>> -> memref<6912x2304xf32, #tpu.memory_space<hbm>>
      tpu.wait_indirect_dma semaphore(%arg18 : memref<!tpu.dma_semaphore, #tpu.memory_space<semaphore_mem>>) src(%dma_wait3A_49 : memref<6912x2304xf32, #tpu.memory_space<hbm>>) dst(%arg14 : memref<16x2304xf32, #tpu.memory_space<vmem>>)
      %ge3A = arith.constant 2 : i32
      %ge3A_50 = arith.cmpi sge, %mul3A_34, %ge3A : i32
      %convert_element_type3A_51 = arith.extui %ge3A_50 : i1 to i32
      %cond3A_52 = arith.constant 0 : i32
      %cond3A_53 = arith.cmpi ne, %convert_element_type3A_51, %cond3A_52 : i32
      scf.if %cond3A_53 {
        %sub3A = arith.constant 16 : i32
        %sub3A_263 = arith.subi %add3A_46, %sub3A : i32
        %dma_wait3A_264 = arith.constant 0 : i32
        %dma_wait3A_265 = tpu.memref_slice %arg4[%sub3A_263, %dma_wait3A_264] : memref<2304x2304xf32, #tpu.memory_space<hbm>> -> memref<8x2304xf32, #tpu.memory_space<hbm>>
        %dma_wait3A_266 = arith.constant 0 : i32
        %dma_wait3A_267 = tpu.memref_slice %arg4[%sub3A_263, %dma_wait3A_266] : memref<2304x2304xf32, #tpu.memory_space<hbm>> -> memref<8x2304xf32, #tpu.memory_space<hbm>>
        tpu.wait_dma2 semaphore(%arg20 : memref<!tpu.dma_semaphore, #tpu.memory_space<semaphore_mem>>) src(%arg16 : memref<8x2304xf32, #tpu.memory_space<vmem>>) dst(%dma_wait3A_267 : memref<8x2304xf32, #tpu.memory_space<hbm>>)
      } else {
      }
      %get3A_54 = arith.constant 0 : index
      %get3A_55 = tpu.vector_load %arg12[%get3A_54] {strides = array<i32>} : memref<16xf32, #tpu.memory_space<vmem>>, vector<16xf32>,
      %broadcast_in_dim3A = arith.constant 0 : i32
      %broadcast_in_dim3A_56 = vector.broadcast %broadcast_in_dim3A : i32 to vector<16xi32>
      %lt3A_57 = arith.constant 0 : i32
      %lt3A_58 = vector.broadcast %lt3A_57 : i32 to vector<16xi32>
      %lt3A_59 = arith.cmpi slt, %broadcast_in_dim3A_56, %lt3A_58 : vector<16xi32>
      %add3A_60 = arith.constant 16 : i32
      %add3A_61 = vector.broadcast %add3A_60 : i32 to vector<16xi32>
      %add3A_62 = arith.addi %broadcast_in_dim3A_56, %add3A_61 : vector<16xi32>
      %select_n3A = arith.select %lt3A_59, %add3A_62, %broadcast_in_dim3A_56 : vector<16xi1>, vector<16xi32>
      %broadcast_in_dim3A_63 = vector.shape_cast %select_n3A : vector<16xi32> to vector<16x1xi32>
      %gather3A = vector.shape_cast %broadcast_in_dim3A_63 : vector<16x1xi32> to vector<16xi32>
      %gather3A_64 = tpu.dynamic_gather %get3A_55[%gather3A] in [0] : vector<16xf32>, vector<16xi32> -> vector<16xf32>
      %broadcast_in_dim3A_65 = arith.constant 1 : i32
      %broadcast_in_dim3A_66 = vector.broadcast %broadcast_in_dim3A_65 : i32 to vector<16xi32>
      %lt3A_67 = arith.constant 0 : i32
      %lt3A_68 = vector.broadcast %lt3A_67 : i32 to vector<16xi32>
      %lt3A_69 = arith.cmpi slt, %broadcast_in_dim3A_66, %lt3A_68 : vector<16xi32>
      %add3A_70 = arith.constant 16 : i32
      %add3A_71 = vector.broadcast %add3A_70 : i32 to vector<16xi32>
      %add3A_72 = arith.addi %broadcast_in_dim3A_66, %add3A_71 : vector<16xi32>
      %select_n3A_73 = arith.select %lt3A_69, %add3A_72, %broadcast_in_dim3A_66 : vector<16xi1>, vector<16xi32>
      %broadcast_in_dim3A_74 = vector.shape_cast %select_n3A_73 : vector<16xi32> to vector<16x1xi32>
      %gather3A_75 = vector.shape_cast %broadcast_in_dim3A_74 : vector<16x1xi32> to vector<16xi32>
      %gather3A_76 = tpu.dynamic_gather %get3A_55[%gather3A_75] in [0] : vector<16xf32>, vector<16xi32> -> vector<16xf32>
      %broadcast_in_dim3A_77 = arith.constant 2 : i32
      %broadcast_in_dim3A_78 = vector.broadcast %broadcast_in_dim3A_77 : i32 to vector<16xi32>
      %lt3A_79 = arith.constant 0 : i32
      %lt3A_80 = vector.broadcast %lt3A_79 : i32 to vector<16xi32>
      %lt3A_81 = arith.cmpi slt, %broadcast_in_dim3A_78, %lt3A_80 : vector<16xi32>
      %add3A_82 = arith.constant 16 : i32
      %add3A_83 = vector.broadcast %add3A_82 : i32 to vector<16xi32>
      %add3A_84 = arith.addi %broadcast_in_dim3A_78, %add3A_83 : vector<16xi32>
      %select_n3A_85 = arith.select %lt3A_81, %add3A_84, %broadcast_in_dim3A_78 : vector<16xi1>, vector<16xi32>
      %broadcast_in_dim3A_86 = vector.shape_cast %select_n3A_85 : vector<16xi32> to vector<16x1xi32>
      %gather3A_87 = vector.shape_cast %broadcast_in_dim3A_86 : vector<16x1xi32> to vector<16xi32>
      %gather3A_88 = tpu.dynamic_gather %get3A_55[%gather3A_87] in [0] : vector<16xf32>, vector<16xi32> -> vector<16xf32>
      %broadcast_in_dim3A_89 = arith.constant 3 : i32
      %broadcast_in_dim3A_90 = vector.broadcast %broadcast_in_dim3A_89 : i32 to vector<16xi32>
      %lt3A_91 = arith.constant 0 : i32
      %lt3A_92 = vector.broadcast %lt3A_91 : i32 to vector<16xi32>
      %lt3A_93 = arith.cmpi slt, %broadcast_in_dim3A_90, %lt3A_92 : vector<16xi32>
      %add3A_94 = arith.constant 16 : i32
      %add3A_95 = vector.broadcast %add3A_94 : i32 to vector<16xi32>
      %add3A_96 = arith.addi %broadcast_in_dim3A_90, %add3A_95 : vector<16xi32>
      %select_n3A_97 = arith.select %lt3A_93, %add3A_96, %broadcast_in_dim3A_90 : vector<16xi1>, vector<16xi32>
      %broadcast_in_dim3A_98 = vector.shape_cast %select_n3A_97 : vector<16xi32> to vector<16x1xi32>
      %gather3A_99 = vector.shape_cast %broadcast_in_dim3A_98 : vector<16x1xi32> to vector<16xi32>
      %gather3A_100 = tpu.dynamic_gather %get3A_55[%gather3A_99] in [0] : vector<16xf32>, vector<16xi32> -> vector<16xf32>
      %broadcast_in_dim3A_101 = arith.constant 4 : i32
      %broadcast_in_dim3A_102 = vector.broadcast %broadcast_in_dim3A_101 : i32 to vector<16xi32>
      %lt3A_103 = arith.constant 0 : i32
      %lt3A_104 = vector.broadcast %lt3A_103 : i32 to vector<16xi32>
      %lt3A_105 = arith.cmpi slt, %broadcast_in_dim3A_102, %lt3A_104 : vector<16xi32>
      %add3A_106 = arith.constant 16 : i32
      %add3A_107 = vector.broadcast %add3A_106 : i32 to vector<16xi32>
      %add3A_108 = arith.addi %broadcast_in_dim3A_102, %add3A_107 : vector<16xi32>
      %select_n3A_109 = arith.select %lt3A_105, %add3A_108, %broadcast_in_dim3A_102 : vector<16xi1>, vector<16xi32>
      %broadcast_in_dim3A_110 = vector.shape_cast %select_n3A_109 : vector<16xi32> to vector<16x1xi32>
      %gather3A_111 = vector.shape_cast %broadcast_in_dim3A_110 : vector<16x1xi32> to vector<16xi32>
      %gather3A_112 = tpu.dynamic_gather %get3A_55[%gather3A_111] in [0] : vector<16xf32>, vector<16xi32> -> vector<16xf32>
      %broadcast_in_dim3A_113 = arith.constant 5 : i32
      %broadcast_in_dim3A_114 = vector.broadcast %broadcast_in_dim3A_113 : i32 to vector<16xi32>
      %lt3A_115 = arith.constant 0 : i32
      %lt3A_116 = vector.broadcast %lt3A_115 : i32 to vector<16xi32>
      %lt3A_117 = arith.cmpi slt, %broadcast_in_dim3A_114, %lt3A_116 : vector<16xi32>
      %add3A_118 = arith.constant 16 : i32
      %add3A_119 = vector.broadcast %add3A_118 : i32 to vector<16xi32>
      %add3A_120 = arith.addi %broadcast_in_dim3A_114, %add3A_119 : vector<16xi32>
      %select_n3A_121 = arith.select %lt3A_117, %add3A_120, %broadcast_in_dim3A_114 : vector<16xi1>, vector<16xi32>
      %broadcast_in_dim3A_122 = vector.shape_cast %select_n3A_121 : vector<16xi32> to vector<16x1xi32>
      %gather3A_123 = vector.shape_cast %broadcast_in_dim3A_122 : vector<16x1xi32> to vector<16xi32>
      %gather3A_124 = tpu.dynamic_gather %get3A_55[%gather3A_123] in [0] : vector<16xf32>, vector<16xi32> -> vector<16xf32>
      %broadcast_in_dim3A_125 = arith.constant 6 : i32
      %broadcast_in_dim3A_126 = vector.broadcast %broadcast_in_dim3A_125 : i32 to vector<16xi32>
      %lt3A_127 = arith.constant 0 : i32
      %lt3A_128 = vector.broadcast %lt3A_127 : i32 to vector<16xi32>
      %lt3A_129 = arith.cmpi slt, %broadcast_in_dim3A_126, %lt3A_128 : vector<16xi32>
      %add3A_130 = arith.constant 16 : i32
      %add3A_131 = vector.broadcast %add3A_130 : i32 to vector<16xi32>
      %add3A_132 = arith.addi %broadcast_in_dim3A_126, %add3A_131 : vector<16xi32>
      %select_n3A_133 = arith.select %lt3A_129, %add3A_132, %broadcast_in_dim3A_126 : vector<16xi1>, vector<16xi32>
      %broadcast_in_dim3A_134 = vector.shape_cast %select_n3A_133 : vector<16xi32> to vector<16x1xi32>
      %gather3A_135 = vector.shape_cast %broadcast_in_dim3A_134 : vector<16x1xi32> to vector<16xi32>
      %gather3A_136 = tpu.dynamic_gather %get3A_55[%gather3A_135] in [0] : vector<16xf32>, vector<16xi32> -> vector<16xf32>
      %broadcast_in_dim3A_137 = arith.constant 7 : i32
      %broadcast_in_dim3A_138 = vector.broadcast %broadcast_in_dim3A_137 : i32 to vector<16xi32>
      %lt3A_139 = arith.constant 0 : i32
      %lt3A_140 = vector.broadcast %lt3A_139 : i32 to vector<16xi32>
      %lt3A_141 = arith.cmpi slt, %broadcast_in_dim3A_138, %lt3A_140 : vector<16xi32>
      %add3A_142 = arith.constant 16 : i32
      %add3A_143 = vector.broadcast %add3A_142 : i32 to vector<16xi32>
      %add3A_144 = arith.addi %broadcast_in_dim3A_138, %add3A_143 : vector<16xi32>
      %select_n3A_145 = arith.select %lt3A_141, %add3A_144, %broadcast_in_dim3A_138 : vector<16xi1>, vector<16xi32>
      %broadcast_in_dim3A_146 = vector.shape_cast %select_n3A_145 : vector<16xi32> to vector<16x1xi32>
      %gather3A_147 = vector.shape_cast %broadcast_in_dim3A_146 : vector<16x1xi32> to vector<16xi32>
      %gather3A_148 = tpu.dynamic_gather %get3A_55[%gather3A_147] in [0] : vector<16xf32>, vector<16xi32> -> vector<16xf32>
      %broadcast_in_dim3A_149 = arith.constant 8 : i32
      %broadcast_in_dim3A_150 = vector.broadcast %broadcast_in_dim3A_149 : i32 to vector<16xi32>
      %lt3A_151 = arith.constant 0 : i32
      %lt3A_152 = vector.broadcast %lt3A_151 : i32 to vector<16xi32>
      %lt3A_153 = arith.cmpi slt, %broadcast_in_dim3A_150, %lt3A_152 : vector<16xi32>
      %add3A_154 = arith.constant 16 : i32
      %add3A_155 = vector.broadcast %add3A_154 : i32 to vector<16xi32>
      %add3A_156 = arith.addi %broadcast_in_dim3A_150, %add3A_155 : vector<16xi32>
      %select_n3A_157 = arith.select %lt3A_153, %add3A_156, %broadcast_in_dim3A_150 : vector<16xi1>, vector<16xi32>
      %broadcast_in_dim3A_158 = vector.shape_cast %select_n3A_157 : vector<16xi32> to vector<16x1xi32>
      %gather3A_159 = vector.shape_cast %broadcast_in_dim3A_158 : vector<16x1xi32> to vector<16xi32>
      %gather3A_160 = tpu.dynamic_gather %get3A_55[%gather3A_159] in [0] : vector<16xf32>, vector<16xi32> -> vector<16xf32>
      %broadcast_in_dim3A_161 = arith.constant 9 : i32
      %broadcast_in_dim3A_162 = vector.broadcast %broadcast_in_dim3A_161 : i32 to vector<16xi32>
      %lt3A_163 = arith.constant 0 : i32
      %lt3A_164 = vector.broadcast %lt3A_163 : i32 to vector<16xi32>
      %lt3A_165 = arith.cmpi slt, %broadcast_in_dim3A_162, %lt3A_164 : vector<16xi32>
      %add3A_166 = arith.constant 16 : i32
      %add3A_167 = vector.broadcast %add3A_166 : i32 to vector<16xi32>
      %add3A_168 = arith.addi %broadcast_in_dim3A_162, %add3A_167 : vector<16xi32>
      %select_n3A_169 = arith.select %lt3A_165, %add3A_168, %broadcast_in_dim3A_162 : vector<16xi1>, vector<16xi32>
      %broadcast_in_dim3A_170 = vector.shape_cast %select_n3A_169 : vector<16xi32> to vector<16x1xi32>
      %gather3A_171 = vector.shape_cast %broadcast_in_dim3A_170 : vector<16x1xi32> to vector<16xi32>
      %gather3A_172 = tpu.dynamic_gather %get3A_55[%gather3A_171] in [0] : vector<16xf32>, vector<16xi32> -> vector<16xf32>
      %broadcast_in_dim3A_173 = arith.constant 10 : i32
      %broadcast_in_dim3A_174 = vector.broadcast %broadcast_in_dim3A_173 : i32 to vector<16xi32>
      %lt3A_175 = arith.constant 0 : i32
      %lt3A_176 = vector.broadcast %lt3A_175 : i32 to vector<16xi32>
      %lt3A_177 = arith.cmpi slt, %broadcast_in_dim3A_174, %lt3A_176 : vector<16xi32>
      %add3A_178 = arith.constant 16 : i32
      %add3A_179 = vector.broadcast %add3A_178 : i32 to vector<16xi32>
      %add3A_180 = arith.addi %broadcast_in_dim3A_174, %add3A_179 : vector<16xi32>
      %select_n3A_181 = arith.select %lt3A_177, %add3A_180, %broadcast_in_dim3A_174 : vector<16xi1>, vector<16xi32>
      %broadcast_in_dim3A_182 = vector.shape_cast %select_n3A_181 : vector<16xi32> to vector<16x1xi32>
      %gather3A_183 = vector.shape_cast %broadcast_in_dim3A_182 : vector<16x1xi32> to vector<16xi32>
      %gather3A_184 = tpu.dynamic_gather %get3A_55[%gather3A_183] in [0] : vector<16xf32>, vector<16xi32> -> vector<16xf32>
      %broadcast_in_dim3A_185 = arith.constant 11 : i32
      %broadcast_in_dim3A_186 = vector.broadcast %broadcast_in_dim3A_185 : i32 to vector<16xi32>
      %lt3A_187 = arith.constant 0 : i32
      %lt3A_188 = vector.broadcast %lt3A_187 : i32 to vector<16xi32>
      %lt3A_189 = arith.cmpi slt, %broadcast_in_dim3A_186, %lt3A_188 : vector<16xi32>
      %add3A_190 = arith.constant 16 : i32
      %add3A_191 = vector.broadcast %add3A_190 : i32 to vector<16xi32>
      %add3A_192 = arith.addi %broadcast_in_dim3A_186, %add3A_191 : vector<16xi32>
      %select_n3A_193 = arith.select %lt3A_189, %add3A_192, %broadcast_in_dim3A_186 : vector<16xi1>, vector<16xi32>
      %broadcast_in_dim3A_194 = vector.shape_cast %select_n3A_193 : vector<16xi32> to vector<16x1xi32>
      %gather3A_195 = vector.shape_cast %broadcast_in_dim3A_194 : vector<16x1xi32> to vector<16xi32>
      %gather3A_196 = tpu.dynamic_gather %get3A_55[%gather3A_195] in [0] : vector<16xf32>, vector<16xi32> -> vector<16xf32>
      %broadcast_in_dim3A_197 = arith.constant 12 : i32
      %broadcast_in_dim3A_198 = vector.broadcast %broadcast_in_dim3A_197 : i32 to vector<16xi32>
      %lt3A_199 = arith.constant 0 : i32
      %lt3A_200 = vector.broadcast %lt3A_199 : i32 to vector<16xi32>
      %lt3A_201 = arith.cmpi slt, %broadcast_in_dim3A_198, %lt3A_200 : vector<16xi32>
      %add3A_202 = arith.constant 16 : i32
      %add3A_203 = vector.broadcast %add3A_202 : i32 to vector<16xi32>
      %add3A_204 = arith.addi %broadcast_in_dim3A_198, %add3A_203 : vector<16xi32>
      %select_n3A_205 = arith.select %lt3A_201, %add3A_204, %broadcast_in_dim3A_198 : vector<16xi1>, vector<16xi32>
      %broadcast_in_dim3A_206 = vector.shape_cast %select_n3A_205 : vector<16xi32> to vector<16x1xi32>
      %gather3A_207 = vector.shape_cast %broadcast_in_dim3A_206 : vector<16x1xi32> to vector<16xi32>
      %gather3A_208 = tpu.dynamic_gather %get3A_55[%gather3A_207] in [0] : vector<16xf32>, vector<16xi32> -> vector<16xf32>
      %broadcast_in_dim3A_209 = arith.constant 13 : i32
      %broadcast_in_dim3A_210 = vector.broadcast %broadcast_in_dim3A_209 : i32 to vector<16xi32>
      %lt3A_211 = arith.constant 0 : i32
      %lt3A_212 = vector.broadcast %lt3A_211 : i32 to vector<16xi32>
      %lt3A_213 = arith.cmpi slt, %broadcast_in_dim3A_210, %lt3A_212 : vector<16xi32>
      %add3A_214 = arith.constant 16 : i32
      %add3A_215 = vector.broadcast %add3A_214 : i32 to vector<16xi32>
      %add3A_216 = arith.addi %broadcast_in_dim3A_210, %add3A_215 : vector<16xi32>
      %select_n3A_217 = arith.select %lt3A_213, %add3A_216, %broadcast_in_dim3A_210 : vector<16xi1>, vector<16xi32>
      %broadcast_in_dim3A_218 = vector.shape_cast %select_n3A_217 : vector<16xi32> to vector<16x1xi32>
      %gather3A_219 = vector.shape_cast %broadcast_in_dim3A_218 : vector<16x1xi32> to vector<16xi32>
      %gather3A_220 = tpu.dynamic_gather %get3A_55[%gather3A_219] in [0] : vector<16xf32>, vector<16xi32> -> vector<16xf32>
      %broadcast_in_dim3A_221 = arith.constant 14 : i32
      %broadcast_in_dim3A_222 = vector.broadcast %broadcast_in_dim3A_221 : i32 to vector<16xi32>
      %lt3A_223 = arith.constant 0 : i32
      %lt3A_224 = vector.broadcast %lt3A_223 : i32 to vector<16xi32>
      %lt3A_225 = arith.cmpi slt, %broadcast_in_dim3A_222, %lt3A_224 : vector<16xi32>
      %add3A_226 = arith.constant 16 : i32
      %add3A_227 = vector.broadcast %add3A_226 : i32 to vector<16xi32>
      %add3A_228 = arith.addi %broadcast_in_dim3A_222, %add3A_227 : vector<16xi32>
      %select_n3A_229 = arith.select %lt3A_225, %add3A_228, %broadcast_in_dim3A_222 : vector<16xi1>, vector<16xi32>
      %broadcast_in_dim3A_230 = vector.shape_cast %select_n3A_229 : vector<16xi32> to vector<16x1xi32>
      %gather3A_231 = vector.shape_cast %broadcast_in_dim3A_230 : vector<16x1xi32> to vector<16xi32>
      %gather3A_232 = tpu.dynamic_gather %get3A_55[%gather3A_231] in [0] : vector<16xf32>, vector<16xi32> -> vector<16xf32>
      %broadcast_in_dim3A_233 = arith.constant 15 : i32
      %broadcast_in_dim3A_234 = vector.broadcast %broadcast_in_dim3A_233 : i32 to vector<16xi32>
      %lt3A_235 = arith.constant 0 : i32
      %lt3A_236 = vector.broadcast %lt3A_235 : i32 to vector<16xi32>
      %lt3A_237 = arith.cmpi slt, %broadcast_in_dim3A_234, %lt3A_236 : vector<16xi32>
      %add3A_238 = arith.constant 16 : i32
      %add3A_239 = vector.broadcast %add3A_238 : i32 to vector<16xi32>
      %add3A_240 = arith.addi %broadcast_in_dim3A_234, %add3A_239 : vector<16xi32>
      %select_n3A_241 = arith.select %lt3A_237, %add3A_240, %broadcast_in_dim3A_234 : vector<16xi1>, vector<16xi32>
      %broadcast_in_dim3A_242 = vector.shape_cast %select_n3A_241 : vector<16xi32> to vector<16x1xi32>
      %gather3A_243 = vector.shape_cast %broadcast_in_dim3A_242 : vector<16x1xi32> to vector<16xi32>
      %gather3A_244 = tpu.dynamic_gather %get3A_55[%gather3A_243] in [0] : vector<16xf32>, vector<16xi32> -> vector<16xf32>
      %scan3A_245 = arith.constant 0 : i32
      %scan3A_246 = arith.constant 0 : i32
      %scan3A_247 = arith.constant 144 : i32
      %scan3A_248 = arith.addi %scan3A_246, %scan3A_247 : i32
      %scan3A_249 = arith.constant 1 : i32
      scf.for %scan3A_263 = %scan3A_246 to %scan3A_248 step %scan3A_249  : i32 {
        %mul3A_264 = arith.constant 16 : i32
        %mul3A_265 = arith.muli %scan3A_263, %mul3A_264 : i32
        %get3A_266 = arith.index_cast %mul3A_265 : i32 to index
        %get3A_267 = tpu.vector_load %arg6[%get3A_266] {strides = array<i32>} : memref<2304xi32, #tpu.memory_space<vmem>>, vector<16xi32>,
        %get3A_268 = arith.index_cast %mul3A_265 : i32 to index
        %get3A_269 = tpu.vector_load %arg7[%get3A_268] {strides = array<i32>} : memref<2304xi32, #tpu.memory_space<vmem>>, vector<16xi32>,
        %get3A_270 = arith.index_cast %mul3A_265 : i32 to index
        %get3A_271 = tpu.vector_load %arg8[%get3A_270] {strides = array<i32>} : memref<2304xf32, #tpu.memory_space<vmem>>, vector<16xf32>,
        %get3A_272 = arith.index_cast %mul3A_265 : i32 to index
        %get3A_273 = tpu.vector_load %arg9[%get3A_272] {strides = array<i32>} : memref<2304xf32, #tpu.memory_space<vmem>>, vector<16xf32>,
        %broadcast_in_dim3A_274 = arith.constant 0 : i32
        %broadcast_in_dim3A_275 = vector.broadcast %broadcast_in_dim3A_274 : i32 to vector<16xi32>
        %gather3A_276 = tpu.vector_load_idx %arg14[%broadcast_in_dim3A_275, %get3A_267] : memref<16x2304xf32, #tpu.memory_space<vmem>>[vector<16xi32>, vector<16xi32>], vector<16xf32>,
        %broadcast_in_dim3A_277 = arith.constant 0 : i32
        %broadcast_in_dim3A_278 = vector.broadcast %broadcast_in_dim3A_277 : i32 to vector<16xi32>
        %gather3A_279 = tpu.vector_load_idx %arg14[%broadcast_in_dim3A_278, %get3A_269] : memref<16x2304xf32, #tpu.memory_space<vmem>>[vector<16xi32>, vector<16xi32>], vector<16xf32>,
        %broadcast_in_dim3A_280 = arith.constant 8 : i32
        %broadcast_in_dim3A_281 = vector.broadcast %broadcast_in_dim3A_280 : i32 to vector<16xi32>
        %gather3A_282 = tpu.vector_load_idx %arg14[%broadcast_in_dim3A_281, %get3A_267] : memref<16x2304xf32, #tpu.memory_space<vmem>>[vector<16xi32>, vector<16xi32>], vector<16xf32>,
        %broadcast_in_dim3A_283 = arith.constant 8 : i32
        %broadcast_in_dim3A_284 = vector.broadcast %broadcast_in_dim3A_283 : i32 to vector<16xi32>
        %gather3A_285 = tpu.vector_load_idx %arg14[%broadcast_in_dim3A_284, %get3A_269] : memref<16x2304xf32, #tpu.memory_space<vmem>>[vector<16xi32>, vector<16xi32>], vector<16xf32>,
        %mul3A_286 = arith.mulf %gather3A_64, %gather3A_276 : vector<16xf32>
        %mul3A_287 = arith.mulf %gather3A_160, %gather3A_282 : vector<16xf32>
        %add3A_288 = arith.addf %mul3A_286, %mul3A_287 : vector<16xf32>
        %mul3A_289 = arith.mulf %gather3A_64, %gather3A_279 : vector<16xf32>
        %mul3A_290 = arith.mulf %gather3A_160, %gather3A_285 : vector<16xf32>
        %add3A_291 = arith.addf %mul3A_289, %mul3A_290 : vector<16xf32>
        %mul3A_292 = arith.mulf %get3A_271, %add3A_288 : vector<16xf32>
        %mul3A_293 = arith.mulf %get3A_273, %add3A_291 : vector<16xf32>
        %add3A_294 = arith.addf %mul3A_292, %mul3A_293 : vector<16xf32>
        %swap3A = arith.constant 0 : i32
        %swap3A_295 = arith.index_cast %swap3A : i32 to index
        %swap3A_296 = arith.index_cast %mul3A_265 : i32 to index
        %swap3A_297 = tpu.vector_load %arg16[%swap3A_295, %swap3A_296] {strides = array<i32>} : memref<8x2304xf32, #tpu.memory_space<vmem>>, vector<16xf32>,
        tpu.vector_store %arg16[%swap3A_295, %swap3A_296], %add3A_294 {strides = array<i32>} : memref<8x2304xf32, #tpu.memory_space<vmem>>, vector<16xf32>,
        %broadcast_in_dim3A_298 = arith.constant 1 : i32
        %broadcast_in_dim3A_299 = vector.broadcast %broadcast_in_dim3A_298 : i32 to vector<16xi32>
        %gather3A_300 = tpu.vector_load_idx %arg14[%broadcast_in_dim3A_299, %get3A_267] : memref<16x2304xf32, #tpu.memory_space<vmem>>[vector<16xi32>, vector<16xi32>], vector<16xf32>,
        %broadcast_in_dim3A_301 = arith.constant 1 : i32
        %broadcast_in_dim3A_302 = vector.broadcast %broadcast_in_dim3A_301 : i32 to vector<16xi32>
        %gather3A_303 = tpu.vector_load_idx %arg14[%broadcast_in_dim3A_302, %get3A_269] : memref<16x2304xf32, #tpu.memory_space<vmem>>[vector<16xi32>, vector<16xi32>], vector<16xf32>,
        %broadcast_in_dim3A_304 = arith.constant 9 : i32
        %broadcast_in_dim3A_305 = vector.broadcast %broadcast_in_dim3A_304 : i32 to vector<16xi32>
        %gather3A_306 = tpu.vector_load_idx %arg14[%broadcast_in_dim3A_305, %get3A_267] : memref<16x2304xf32, #tpu.memory_space<vmem>>[vector<16xi32>, vector<16xi32>], vector<16xf32>,
        %broadcast_in_dim3A_307 = arith.constant 9 : i32
        %broadcast_in_dim3A_308 = vector.broadcast %broadcast_in_dim3A_307 : i32 to vector<16xi32>
        %gather3A_309 = tpu.vector_load_idx %arg14[%broadcast_in_dim3A_308, %get3A_269] : memref<16x2304xf32, #tpu.memory_space<vmem>>[vector<16xi32>, vector<16xi32>], vector<16xf32>,
        %mul3A_310 = arith.mulf %gather3A_76, %gather3A_300 : vector<16xf32>
        %mul3A_311 = arith.mulf %gather3A_172, %gather3A_306 : vector<16xf32>
        %add3A_312 = arith.addf %mul3A_310, %mul3A_311 : vector<16xf32>
        %mul3A_313 = arith.mulf %gather3A_76, %gather3A_303 : vector<16xf32>
        %mul3A_314 = arith.mulf %gather3A_172, %gather3A_309 : vector<16xf32>
        %add3A_315 = arith.addf %mul3A_313, %mul3A_314 : vector<16xf32>
        %mul3A_316 = arith.mulf %get3A_271, %add3A_312 : vector<16xf32>
        %mul3A_317 = arith.mulf %get3A_273, %add3A_315 : vector<16xf32>
        %add3A_318 = arith.addf %mul3A_316, %mul3A_317 : vector<16xf32>
        %swap3A_319 = arith.constant 1 : i32
        %swap3A_320 = arith.index_cast %swap3A_319 : i32 to index
        %swap3A_321 = arith.index_cast %mul3A_265 : i32 to index
        %swap3A_322 = tpu.vector_load %arg16[%swap3A_320, %swap3A_321] {strides = array<i32>} : memref<8x2304xf32, #tpu.memory_space<vmem>>, vector<16xf32>,
        tpu.vector_store %arg16[%swap3A_320, %swap3A_321], %add3A_318 {strides = array<i32>} : memref<8x2304xf32, #tpu.memory_space<vmem>>, vector<16xf32>,
        %broadcast_in_dim3A_323 = arith.constant 2 : i32
        %broadcast_in_dim3A_324 = vector.broadcast %broadcast_in_dim3A_323 : i32 to vector<16xi32>
        %gather3A_325 = tpu.vector_load_idx %arg14[%broadcast_in_dim3A_324, %get3A_267] : memref<16x2304xf32, #tpu.memory_space<vmem>>[vector<16xi32>, vector<16xi32>], vector<16xf32>,
        %broadcast_in_dim3A_326 = arith.constant 2 : i32
        %broadcast_in_dim3A_327 = vector.broadcast %broadcast_in_dim3A_326 : i32 to vector<16xi32>
        %gather3A_328 = tpu.vector_load_idx %arg14[%broadcast_in_dim3A_327, %get3A_269] : memref<16x2304xf32, #tpu.memory_space<vmem>>[vector<16xi32>, vector<16xi32>], vector<16xf32>,
        %broadcast_in_dim3A_329 = arith.constant 10 : i32
        %broadcast_in_dim3A_330 = vector.broadcast %broadcast_in_dim3A_329 : i32 to vector<16xi32>
        %gather3A_331 = tpu.vector_load_idx %arg14[%broadcast_in_dim3A_330, %get3A_267] : memref<16x2304xf32, #tpu.memory_space<vmem>>[vector<16xi32>, vector<16xi32>], vector<16xf32>,
        %broadcast_in_dim3A_332 = arith.constant 10 : i32
        %broadcast_in_dim3A_333 = vector.broadcast %broadcast_in_dim3A_332 : i32 to vector<16xi32>
        %gather3A_334 = tpu.vector_load_idx %arg14[%broadcast_in_dim3A_333, %get3A_269] : memref<16x2304xf32, #tpu.memory_space<vmem>>[vector<16xi32>, vector<16xi32>], vector<16xf32>,
        %mul3A_335 = arith.mulf %gather3A_88, %gather3A_325 : vector<16xf32>
        %mul3A_336 = arith.mulf %gather3A_184, %gather3A_331 : vector<16xf32>
        %add3A_337 = arith.addf %mul3A_335, %mul3A_336 : vector<16xf32>
        %mul3A_338 = arith.mulf %gather3A_88, %gather3A_328 : vector<16xf32>
        %mul3A_339 = arith.mulf %gather3A_184, %gather3A_334 : vector<16xf32>
        %add3A_340 = arith.addf %mul3A_338, %mul3A_339 : vector<16xf32>
        %mul3A_341 = arith.mulf %get3A_271, %add3A_337 : vector<16xf32>
        %mul3A_342 = arith.mulf %get3A_273, %add3A_340 : vector<16xf32>
        %add3A_343 = arith.addf %mul3A_341, %mul3A_342 : vector<16xf32>
        %swap3A_344 = arith.constant 2 : i32
        %swap3A_345 = arith.index_cast %swap3A_344 : i32 to index
        %swap3A_346 = arith.index_cast %mul3A_265 : i32 to index
        %swap3A_347 = tpu.vector_load %arg16[%swap3A_345, %swap3A_346] {strides = array<i32>} : memref<8x2304xf32, #tpu.memory_space<vmem>>, vector<16xf32>,
        tpu.vector_store %arg16[%swap3A_345, %swap3A_346], %add3A_343 {strides = array<i32>} : memref<8x2304xf32, #tpu.memory_space<vmem>>, vector<16xf32>,
        %broadcast_in_dim3A_348 = arith.constant 3 : i32
        %broadcast_in_dim3A_349 = vector.broadcast %broadcast_in_dim3A_348 : i32 to vector<16xi32>
        %gather3A_350 = tpu.vector_load_idx %arg14[%broadcast_in_dim3A_349, %get3A_267] : memref<16x2304xf32, #tpu.memory_space<vmem>>[vector<16xi32>, vector<16xi32>], vector<16xf32>,
        %broadcast_in_dim3A_351 = arith.constant 3 : i32
        %broadcast_in_dim3A_352 = vector.broadcast %broadcast_in_dim3A_351 : i32 to vector<16xi32>
        %gather3A_353 = tpu.vector_load_idx %arg14[%broadcast_in_dim3A_352, %get3A_269] : memref<16x2304xf32, #tpu.memory_space<vmem>>[vector<16xi32>, vector<16xi32>], vector<16xf32>,
        %broadcast_in_dim3A_354 = arith.constant 11 : i32
        %broadcast_in_dim3A_355 = vector.broadcast %broadcast_in_dim3A_354 : i32 to vector<16xi32>
        %gather3A_356 = tpu.vector_load_idx %arg14[%broadcast_in_dim3A_355, %get3A_267] : memref<16x2304xf32, #tpu.memory_space<vmem>>[vector<16xi32>, vector<16xi32>], vector<16xf32>,
        %broadcast_in_dim3A_357 = arith.constant 11 : i32
        %broadcast_in_dim3A_358 = vector.broadcast %broadcast_in_dim3A_357 : i32 to vector<16xi32>
        %gather3A_359 = tpu.vector_load_idx %arg14[%broadcast_in_dim3A_358, %get3A_269] : memref<16x2304xf32, #tpu.memory_space<vmem>>[vector<16xi32>, vector<16xi32>], vector<16xf32>,
        %mul3A_360 = arith.mulf %gather3A_100, %gather3A_350 : vector<16xf32>
        %mul3A_361 = arith.mulf %gather3A_196, %gather3A_356 : vector<16xf32>
        %add3A_362 = arith.addf %mul3A_360, %mul3A_361 : vector<16xf32>
        %mul3A_363 = arith.mulf %gather3A_100, %gather3A_353 : vector<16xf32>
        %mul3A_364 = arith.mulf %gather3A_196, %gather3A_359 : vector<16xf32>
        %add3A_365 = arith.addf %mul3A_363, %mul3A_364 : vector<16xf32>
        %mul3A_366 = arith.mulf %get3A_271, %add3A_362 : vector<16xf32>
        %mul3A_367 = arith.mulf %get3A_273, %add3A_365 : vector<16xf32>
        %add3A_368 = arith.addf %mul3A_366, %mul3A_367 : vector<16xf32>
        %swap3A_369 = arith.constant 3 : i32
        %swap3A_370 = arith.index_cast %swap3A_369 : i32 to index
        %swap3A_371 = arith.index_cast %mul3A_265 : i32 to index
        %swap3A_372 = tpu.vector_load %arg16[%swap3A_370, %swap3A_371] {strides = array<i32>} : memref<8x2304xf32, #tpu.memory_space<vmem>>, vector<16xf32>,
        tpu.vector_store %arg16[%swap3A_370, %swap3A_371], %add3A_368 {strides = array<i32>} : memref<8x2304xf32, #tpu.memory_space<vmem>>, vector<16xf32>,
        %broadcast_in_dim3A_373 = arith.constant 4 : i32
        %broadcast_in_dim3A_374 = vector.broadcast %broadcast_in_dim3A_373 : i32 to vector<16xi32>
        %gather3A_375 = tpu.vector_load_idx %arg14[%broadcast_in_dim3A_374, %get3A_267] : memref<16x2304xf32, #tpu.memory_space<vmem>>[vector<16xi32>, vector<16xi32>], vector<16xf32>,
        %broadcast_in_dim3A_376 = arith.constant 4 : i32
        %broadcast_in_dim3A_377 = vector.broadcast %broadcast_in_dim3A_376 : i32 to vector<16xi32>
        %gather3A_378 = tpu.vector_load_idx %arg14[%broadcast_in_dim3A_377, %get3A_269] : memref<16x2304xf32, #tpu.memory_space<vmem>>[vector<16xi32>, vector<16xi32>], vector<16xf32>,
        %broadcast_in_dim3A_379 = arith.constant 12 : i32
        %broadcast_in_dim3A_380 = vector.broadcast %broadcast_in_dim3A_379 : i32 to vector<16xi32>
        %gather3A_381 = tpu.vector_load_idx %arg14[%broadcast_in_dim3A_380, %get3A_267] : memref<16x2304xf32, #tpu.memory_space<vmem>>[vector<16xi32>, vector<16xi32>], vector<16xf32>,
        %broadcast_in_dim3A_382 = arith.constant 12 : i32
        %broadcast_in_dim3A_383 = vector.broadcast %broadcast_in_dim3A_382 : i32 to vector<16xi32>
        %gather3A_384 = tpu.vector_load_idx %arg14[%broadcast_in_dim3A_383, %get3A_269] : memref<16x2304xf32, #tpu.memory_space<vmem>>[vector<16xi32>, vector<16xi32>], vector<16xf32>,
        %mul3A_385 = arith.mulf %gather3A_112, %gather3A_375 : vector<16xf32>
        %mul3A_386 = arith.mulf %gather3A_208, %gather3A_381 : vector<16xf32>
        %add3A_387 = arith.addf %mul3A_385, %mul3A_386 : vector<16xf32>
        %mul3A_388 = arith.mulf %gather3A_112, %gather3A_378 : vector<16xf32>
        %mul3A_389 = arith.mulf %gather3A_208, %gather3A_384 : vector<16xf32>
        %add3A_390 = arith.addf %mul3A_388, %mul3A_389 : vector<16xf32>
        %mul3A_391 = arith.mulf %get3A_271, %add3A_387 : vector<16xf32>
        %mul3A_392 = arith.mulf %get3A_273, %add3A_390 : vector<16xf32>
        %add3A_393 = arith.addf %mul3A_391, %mul3A_392 : vector<16xf32>
        %swap3A_394 = arith.constant 4 : i32
        %swap3A_395 = arith.index_cast %swap3A_394 : i32 to index
        %swap3A_396 = arith.index_cast %mul3A_265 : i32 to index
        %swap3A_397 = tpu.vector_load %arg16[%swap3A_395, %swap3A_396] {strides = array<i32>} : memref<8x2304xf32, #tpu.memory_space<vmem>>, vector<16xf32>,
        tpu.vector_store %arg16[%swap3A_395, %swap3A_396], %add3A_393 {strides = array<i32>} : memref<8x2304xf32, #tpu.memory_space<vmem>>, vector<16xf32>,
        %broadcast_in_dim3A_398 = arith.constant 5 : i32
        %broadcast_in_dim3A_399 = vector.broadcast %broadcast_in_dim3A_398 : i32 to vector<16xi32>
        %gather3A_400 = tpu.vector_load_idx %arg14[%broadcast_in_dim3A_399, %get3A_267] : memref<16x2304xf32, #tpu.memory_space<vmem>>[vector<16xi32>, vector<16xi32>], vector<16xf32>,
        %broadcast_in_dim3A_401 = arith.constant 5 : i32
        %broadcast_in_dim3A_402 = vector.broadcast %broadcast_in_dim3A_401 : i32 to vector<16xi32>
        %gather3A_403 = tpu.vector_load_idx %arg14[%broadcast_in_dim3A_402, %get3A_269] : memref<16x2304xf32, #tpu.memory_space<vmem>>[vector<16xi32>, vector<16xi32>], vector<16xf32>,
        %broadcast_in_dim3A_404 = arith.constant 13 : i32
        %broadcast_in_dim3A_405 = vector.broadcast %broadcast_in_dim3A_404 : i32 to vector<16xi32>
        %gather3A_406 = tpu.vector_load_idx %arg14[%broadcast_in_dim3A_405, %get3A_267] : memref<16x2304xf32, #tpu.memory_space<vmem>>[vector<16xi32>, vector<16xi32>], vector<16xf32>,
        %broadcast_in_dim3A_407 = arith.constant 13 : i32
        %broadcast_in_dim3A_408 = vector.broadcast %broadcast_in_dim3A_407 : i32 to vector<16xi32>
        %gather3A_409 = tpu.vector_load_idx %arg14[%broadcast_in_dim3A_408, %get3A_269] : memref<16x2304xf32, #tpu.memory_space<vmem>>[vector<16xi32>, vector<16xi32>], vector<16xf32>,
        %mul3A_410 = arith.mulf %gather3A_124, %gather3A_400 : vector<16xf32>
        %mul3A_411 = arith.mulf %gather3A_220, %gather3A_406 : vector<16xf32>
        %add3A_412 = arith.addf %mul3A_410, %mul3A_411 : vector<16xf32>
        %mul3A_413 = arith.mulf %gather3A_124, %gather3A_403 : vector<16xf32>
        %mul3A_414 = arith.mulf %gather3A_220, %gather3A_409 : vector<16xf32>
        %add3A_415 = arith.addf %mul3A_413, %mul3A_414 : vector<16xf32>
        %mul3A_416 = arith.mulf %get3A_271, %add3A_412 : vector<16xf32>
        %mul3A_417 = arith.mulf %get3A_273, %add3A_415 : vector<16xf32>
        %add3A_418 = arith.addf %mul3A_416, %mul3A_417 : vector<16xf32>
        %swap3A_419 = arith.constant 5 : i32
        %swap3A_420 = arith.index_cast %swap3A_419 : i32 to index
        %swap3A_421 = arith.index_cast %mul3A_265 : i32 to index
        %swap3A_422 = tpu.vector_load %arg16[%swap3A_420, %swap3A_421] {strides = array<i32>} : memref<8x2304xf32, #tpu.memory_space<vmem>>, vector<16xf32>,
        tpu.vector_store %arg16[%swap3A_420, %swap3A_421], %add3A_418 {strides = array<i32>} : memref<8x2304xf32, #tpu.memory_space<vmem>>, vector<16xf32>,
        %broadcast_in_dim3A_423 = arith.constant 6 : i32
        %broadcast_in_dim3A_424 = vector.broadcast %broadcast_in_dim3A_423 : i32 to vector<16xi32>
        %gather3A_425 = tpu.vector_load_idx %arg14[%broadcast_in_dim3A_424, %get3A_267] : memref<16x2304xf32, #tpu.memory_space<vmem>>[vector<16xi32>, vector<16xi32>], vector<16xf32>,
        %broadcast_in_dim3A_426 = arith.constant 6 : i32
        %broadcast_in_dim3A_427 = vector.broadcast %broadcast_in_dim3A_426 : i32 to vector<16xi32>
        %gather3A_428 = tpu.vector_load_idx %arg14[%broadcast_in_dim3A_427, %get3A_269] : memref<16x2304xf32, #tpu.memory_space<vmem>>[vector<16xi32>, vector<16xi32>], vector<16xf32>,
        %broadcast_in_dim3A_429 = arith.constant 14 : i32
        %broadcast_in_dim3A_430 = vector.broadcast %broadcast_in_dim3A_429 : i32 to vector<16xi32>
        %gather3A_431 = tpu.vector_load_idx %arg14[%broadcast_in_dim3A_430, %get3A_267] : memref<16x2304xf32, #tpu.memory_space<vmem>>[vector<16xi32>, vector<16xi32>], vector<16xf32>,
        %broadcast_in_dim3A_432 = arith.constant 14 : i32
        %broadcast_in_dim3A_433 = vector.broadcast %broadcast_in_dim3A_432 : i32 to vector<16xi32>
        %gather3A_434 = tpu.vector_load_idx %arg14[%broadcast_in_dim3A_433, %get3A_269] : memref<16x2304xf32, #tpu.memory_space<vmem>>[vector<16xi32>, vector<16xi32>], vector<16xf32>,
        %mul3A_435 = arith.mulf %gather3A_136, %gather3A_425 : vector<16xf32>
        %mul3A_436 = arith.mulf %gather3A_232, %gather3A_431 : vector<16xf32>
        %add3A_437 = arith.addf %mul3A_435, %mul3A_436 : vector<16xf32>
        %mul3A_438 = arith.mulf %gather3A_136, %gather3A_428 : vector<16xf32>
        %mul3A_439 = arith.mulf %gather3A_232, %gather3A_434 : vector<16xf32>
        %add3A_440 = arith.addf %mul3A_438, %mul3A_439 : vector<16xf32>
        %mul3A_441 = arith.mulf %get3A_271, %add3A_437 : vector<16xf32>
        %mul3A_442 = arith.mulf %get3A_273, %add3A_440 : vector<16xf32>
        %add3A_443 = arith.addf %mul3A_441, %mul3A_442 : vector<16xf32>
        %swap3A_444 = arith.constant 6 : i32
        %swap3A_445 = arith.index_cast %swap3A_444 : i32 to index
        %swap3A_446 = arith.index_cast %mul3A_265 : i32 to index
        %swap3A_447 = tpu.vector_load %arg16[%swap3A_445, %swap3A_446] {strides = array<i32>} : memref<8x2304xf32, #tpu.memory_space<vmem>>, vector<16xf32>,
        tpu.vector_store %arg16[%swap3A_445, %swap3A_446], %add3A_443 {strides = array<i32>} : memref<8x2304xf32, #tpu.memory_space<vmem>>, vector<16xf32>,
        %broadcast_in_dim3A_448 = arith.constant 7 : i32
        %broadcast_in_dim3A_449 = vector.broadcast %broadcast_in_dim3A_448 : i32 to vector<16xi32>
        %gather3A_450 = tpu.vector_load_idx %arg14[%broadcast_in_dim3A_449, %get3A_267] : memref<16x2304xf32, #tpu.memory_space<vmem>>[vector<16xi32>, vector<16xi32>], vector<16xf32>,
        %broadcast_in_dim3A_451 = arith.constant 7 : i32
        %broadcast_in_dim3A_452 = vector.broadcast %broadcast_in_dim3A_451 : i32 to vector<16xi32>
        %gather3A_453 = tpu.vector_load_idx %arg14[%broadcast_in_dim3A_452, %get3A_269] : memref<16x2304xf32, #tpu.memory_space<vmem>>[vector<16xi32>, vector<16xi32>], vector<16xf32>,
        %broadcast_in_dim3A_454 = arith.constant 15 : i32
        %broadcast_in_dim3A_455 = vector.broadcast %broadcast_in_dim3A_454 : i32 to vector<16xi32>
        %gather3A_456 = tpu.vector_load_idx %arg14[%broadcast_in_dim3A_455, %get3A_267] : memref<16x2304xf32, #tpu.memory_space<vmem>>[vector<16xi32>, vector<16xi32>], vector<16xf32>,
        %broadcast_in_dim3A_457 = arith.constant 15 : i32
        %broadcast_in_dim3A_458 = vector.broadcast %broadcast_in_dim3A_457 : i32 to vector<16xi32>
        %gather3A_459 = tpu.vector_load_idx %arg14[%broadcast_in_dim3A_458, %get3A_269] : memref<16x2304xf32, #tpu.memory_space<vmem>>[vector<16xi32>, vector<16xi32>], vector<16xf32>,
        %mul3A_460 = arith.mulf %gather3A_148, %gather3A_450 : vector<16xf32>
        %mul3A_461 = arith.mulf %gather3A_244, %gather3A_456 : vector<16xf32>
        %add3A_462 = arith.addf %mul3A_460, %mul3A_461 : vector<16xf32>
        %mul3A_463 = arith.mulf %gather3A_148, %gather3A_453 : vector<16xf32>
        %mul3A_464 = arith.mulf %gather3A_244, %gather3A_459 : vector<16xf32>
        %add3A_465 = arith.addf %mul3A_463, %mul3A_464 : vector<16xf32>
        %mul3A_466 = arith.mulf %get3A_271, %add3A_462 : vector<16xf32>
        %mul3A_467 = arith.mulf %get3A_273, %add3A_465 : vector<16xf32>
        %add3A_468 = arith.addf %mul3A_466, %mul3A_467 : vector<16xf32>
        %swap3A_469 = arith.constant 7 : i32
        %swap3A_470 = arith.index_cast %swap3A_469 : i32 to index
        %swap3A_471 = arith.index_cast %mul3A_265 : i32 to index
        %swap3A_472 = tpu.vector_load %arg16[%swap3A_470, %swap3A_471] {strides = array<i32>} : memref<8x2304xf32, #tpu.memory_space<vmem>>, vector<16xf32>,
        tpu.vector_store %arg16[%swap3A_470, %swap3A_471], %add3A_468 {strides = array<i32>} : memref<8x2304xf32, #tpu.memory_space<vmem>>, vector<16xf32>,
      }
      %scan3A_250 = arith.constant 144 : i32
      %dma_start3A = arith.constant 0 : i32
      %dma_start3A_251 = tpu.memref_slice %arg4[%add3A_46, %dma_start3A] : memref<2304x2304xf32, #tpu.memory_space<hbm>> -> memref<8x2304xf32, #tpu.memory_space<hbm>>
      %dma_start3A_252 = arith.constant 0 : i32
      %dma_start3A_253 = tpu.memref_slice %arg4[%add3A_46, %dma_start3A_252] : memref<2304x2304xf32, #tpu.memory_space<hbm>> -> memref<8x2304xf32, #tpu.memory_space<hbm>>
      tpu.enqueue_dma source(%arg16 : memref<8x2304xf32, #tpu.memory_space<vmem>>) target(%dma_start3A_253 : memref<8x2304xf32, #tpu.memory_space<hbm>>) target_semaphore(%arg20 : memref<!tpu.dma_semaphore, #tpu.memory_space<semaphore_mem>>)
      %mul3A_254 = arith.constant 2 : i32
      %mul3A_255 = arith.muli %mul3A_254, %scan3A_32 : i32
      %add3A_256 = arith.constant 1 : i32
      %add3A_257 = arith.addi %mul3A_255, %add3A_256 : i32
      %lt3A_258 = arith.constant 9 : i32
      %lt3A_259 = arith.cmpi slt, %add3A_257, %lt3A_258 : i32
      %convert_element_type3A_260 = arith.extui %lt3A_259 : i1 to i32
      %cond3A_261 = arith.constant 0 : i32
      %cond3A_262 = arith.cmpi ne, %convert_element_type3A_260, %cond3A_261 : i32
      scf.if %cond3A_262 {
        %mul3A_263 = arith.constant 2 : i32
        %mul3A_264 = arith.muli %mul3A_263, %scan3A_32 : i32
        %add3A_265 = arith.constant 1 : i32
        %add3A_266 = arith.addi %mul3A_264, %add3A_265 : i32
        %add3A_267 = arith.constant 1 : i32
        %add3A_268 = arith.addi %add3A_266, %add3A_267 : i32
        %lt3A_269 = arith.constant 9 : i32
        %lt3A_270 = arith.cmpi slt, %add3A_268, %lt3A_269 : i32
        %convert_element_type3A_271 = arith.extui %lt3A_270 : i1 to i32
        %cond3A_272 = arith.constant 0 : i32
        %cond3A_273 = arith.cmpi ne, %convert_element_type3A_271, %cond3A_272 : i32
        scf.if %cond3A_273 {
          %mul3A_491 = arith.constant 72 : i32
          %mul3A_492 = arith.muli %add3A, %mul3A_491 : i32
          %mul3A_493 = arith.constant 8 : i32
          %mul3A_494 = arith.muli %add3A_268, %mul3A_493 : i32
          %add3A_495 = arith.addi %mul3A_492, %mul3A_494 : i32
          %rem3A = arith.constant 8 : i32
          %rem3A_496 = vector.broadcast %rem3A : i32 to vector<16xi32>
          %rem3A_497 = arith.remsi %iota3A, %rem3A_496 : vector<16xi32>
          %div3A = arith.constant 8 : i32
          %div3A_498 = vector.broadcast %div3A : i32 to vector<16xi32>
          %div3A_499 = arith.divsi %iota3A, %div3A_498 : vector<16xi32>
          %add3A_500 = vector.broadcast %add3A_495 : i32 to vector<16xi32>
          %add3A_501 = arith.addi %add3A_500, %rem3A_497 : vector<16xi32>
          %div3A_502 = arith.constant 768 : i32
          %div3A_503 = vector.broadcast %div3A_502 : i32 to vector<16xi32>
          %div3A_504 = arith.divsi %add3A_501, %div3A_503 : vector<16xi32>
          %rem3A_505 = arith.constant 768 : i32
          %rem3A_506 = vector.broadcast %rem3A_505 : i32 to vector<16xi32>
          %rem3A_507 = arith.remsi %add3A_501, %rem3A_506 : vector<16xi32>
          %div3A_508 = arith.constant 9 : i32
          %div3A_509 = vector.broadcast %div3A_508 : i32 to vector<16xi32>
          %div3A_510 = arith.divsi %rem3A_507, %div3A_509 : vector<16xi32>
          %rem3A_511 = arith.constant 9 : i32
          %rem3A_512 = vector.broadcast %rem3A_511 : i32 to vector<16xi32>
          %rem3A_513 = arith.remsi %rem3A_507, %rem3A_512 : vector<16xi32>
          %sub3A = arith.constant 4 : i32
          %sub3A_514 = vector.broadcast %sub3A : i32 to vector<16xi32>
          %sub3A_515 = arith.subi %sub3A_514, %rem3A_513 : vector<16xi32>
          %convert_element_type3A_516 = arith.sitofp %sub3A_515 : vector<16xi32> to vector<16xf32>
          %mul3A_517 = arith.mulf %convert_element_type3A_516, %get3A_1 : vector<16xf32>
          %convert_element_type3A_518 = arith.fptosi %mul3A_517 : vector<16xf32> to vector<16xi32>
          %convert_element_type3A_519 = arith.sitofp %convert_element_type3A_518 : vector<16xi32> to vector<16xf32>
          %lt3A_520 = arith.cmpf olt, %mul3A_517, %convert_element_type3A_519 : vector<16xf32>
          %sub3A_521 = arith.constant 1 : i32
          %sub3A_522 = vector.broadcast %sub3A_521 : i32 to vector<16xi32>
          %sub3A_523 = arith.subi %convert_element_type3A_518, %sub3A_522 : vector<16xi32>
          %select_n3A_524 = arith.select %lt3A_520, %sub3A_523, %convert_element_type3A_518 : vector<16xi1>, vector<16xi32>
          %convert_element_type3A_525 = arith.sitofp %select_n3A_524 : vector<16xi32> to vector<16xf32>
          %sub3A_526 = arith.subf %mul3A_517, %convert_element_type3A_525 : vector<16xf32>
          %add3A_527 = arith.addi %div3A_510, %select_n3A_524 : vector<16xi32>
          %add3A_528 = arith.addi %add3A_527, %div3A_499 : vector<16xi32>
          %jit3A = arith.constant 0 : i32
          %jit3A_529 = arith.constant 255 : i32
          %max3A = vector.broadcast %jit3A : i32 to vector<16xi32>
          %max3A_530 = arith.maxsi %max3A, %add3A_528 : vector<16xi32>
          %min3A = vector.broadcast %jit3A_529 : i32 to vector<16xi32>
          %min3A_531 = arith.minsi %min3A, %max3A_530 : vector<16xi32>
          %mul3A_532 = arith.constant 2304 : i32
          %mul3A_533 = vector.broadcast %mul3A_532 : i32 to vector<16xi32>
          %mul3A_534 = arith.muli %div3A_504, %mul3A_533 : vector<16xi32>
          %mul3A_535 = arith.constant 9 : i32
          %mul3A_536 = vector.broadcast %mul3A_535 : i32 to vector<16xi32>
          %mul3A_537 = arith.muli %min3A_531, %mul3A_536 : vector<16xi32>
          %add3A_538 = arith.addi %mul3A_534, %mul3A_537 : vector<16xi32>
          %add3A_539 = arith.addi %add3A_538, %rem3A_513 : vector<16xi32>
          %swap3A = arith.constant 0 : index
          %swap3A_540 = tpu.vector_load %arg10[%swap3A] {strides = array<i32>} : memref<16xi32, #tpu.memory_space<vmem>>, vector<16xi32>,
          tpu.vector_store %arg10[%swap3A], %add3A_539 {strides = array<i32>} : memref<16xi32, #tpu.memory_space<vmem>>, vector<16xi32>,
          %eq3A = arith.constant 0 : i32
          %eq3A_541 = vector.broadcast %eq3A : i32 to vector<16xi32>
          %eq3A_542 = arith.cmpi eq, %div3A_499, %eq3A_541 : vector<16xi32>
          %sub3A_543 = arith.constant 1.000000e+00 : f32
          %sub3A_544 = vector.broadcast %sub3A_543 : f32 to vector<16xf32>
          %sub3A_545 = arith.subf %sub3A_544, %sub3A_526 : vector<16xf32>
          %select_n3A_546 = arith.select %eq3A_542, %sub3A_545, %sub3A_526 : vector<16xi1>, vector<16xf32>
          %swap3A_547 = arith.constant 0 : index
          %swap3A_548 = tpu.vector_load %arg12[%swap3A_547] {strides = array<i32>} : memref<16xf32, #tpu.memory_space<vmem>>, vector<16xf32>,
          tpu.vector_store %arg12[%swap3A_547], %select_n3A_546 {strides = array<i32>} : memref<16xf32, #tpu.memory_space<vmem>>, vector<16xf32>,
          %dma_start3A_549 = arith.constant 0 : i32
          %dma_start3A_550 = arith.constant 0 : i32
          %dma_start3A_551 = tpu.memref_slice %arg2[%dma_start3A_549, %dma_start3A_550] : memref<6912x2304xf32, #tpu.memory_space<hbm>> -> memref<6912x2304xf32, #tpu.memory_space<hbm>>
          tpu.enqueue_indirect_dma source(%dma_start3A_551 : memref<6912x2304xf32, #tpu.memory_space<hbm>>) target(%arg14 : memref<16x2304xf32, #tpu.memory_space<vmem>>) offsets(%arg10 : memref<16xi32, #tpu.memory_space<vmem>>) semaphore(%arg18 : memref<!tpu.dma_semaphore, #tpu.memory_space<semaphore_mem>>)
        } else {
        }
        %mul3A_274 = arith.constant 72 : i32
        %mul3A_275 = arith.muli %add3A, %mul3A_274 : i32
        %mul3A_276 = arith.constant 8 : i32
        %mul3A_277 = arith.muli %add3A_266, %mul3A_276 : i32
        %add3A_278 = arith.addi %mul3A_275, %mul3A_277 : i32
        %dma_wait3A_279 = arith.constant 0 : i32
        %dma_wait3A_280 = arith.constant 0 : i32
        %dma_wait3A_281 = tpu.memref_slice %arg2[%dma_wait3A_279, %dma_wait3A_280] : memref<6912x2304xf32, #tpu.memory_space<hbm>> -> memref<6912x2304xf32, #tpu.memory_space<hbm>>
        tpu.wait_indirect_dma semaphore(%arg19 : memref<!tpu.dma_semaphore, #tpu.memory_space<semaphore_mem>>) src(%dma_wait3A_281 : memref<6912x2304xf32, #tpu.memory_space<hbm>>) dst(%arg15 : memref<16x2304xf32, #tpu.memory_space<vmem>>)
        %ge3A_282 = arith.constant 2 : i32
        %ge3A_283 = arith.cmpi sge, %add3A_266, %ge3A_282 : i32
        %convert_element_type3A_284 = arith.extui %ge3A_283 : i1 to i32
        %cond3A_285 = arith.constant 0 : i32
        %cond3A_286 = arith.cmpi ne, %convert_element_type3A_284, %cond3A_285 : i32
        scf.if %cond3A_286 {
          %sub3A = arith.constant 16 : i32
          %sub3A_491 = arith.subi %add3A_278, %sub3A : i32
          %dma_wait3A_492 = arith.constant 0 : i32
          %dma_wait3A_493 = tpu.memref_slice %arg4[%sub3A_491, %dma_wait3A_492] : memref<2304x2304xf32, #tpu.memory_space<hbm>> -> memref<8x2304xf32, #tpu.memory_space<hbm>>
          %dma_wait3A_494 = arith.constant 0 : i32
          %dma_wait3A_495 = tpu.memref_slice %arg4[%sub3A_491, %dma_wait3A_494] : memref<2304x2304xf32, #tpu.memory_space<hbm>> -> memref<8x2304xf32, #tpu.memory_space<hbm>>
          tpu.wait_dma2 semaphore(%arg21 : memref<!tpu.dma_semaphore, #tpu.memory_space<semaphore_mem>>) src(%arg17 : memref<8x2304xf32, #tpu.memory_space<vmem>>) dst(%dma_wait3A_495 : memref<8x2304xf32, #tpu.memory_space<hbm>>)
        } else {
        }
        %get3A_287 = arith.constant 0 : index
        %get3A_288 = tpu.vector_load %arg13[%get3A_287] {strides = array<i32>} : memref<16xf32, #tpu.memory_space<vmem>>, vector<16xf32>,
        %broadcast_in_dim3A_289 = arith.constant 0 : i32
        %broadcast_in_dim3A_290 = vector.broadcast %broadcast_in_dim3A_289 : i32 to vector<16xi32>
        %lt3A_291 = arith.constant 0 : i32
        %lt3A_292 = vector.broadcast %lt3A_291 : i32 to vector<16xi32>
        %lt3A_293 = arith.cmpi slt, %broadcast_in_dim3A_290, %lt3A_292 : vector<16xi32>
        %add3A_294 = arith.constant 16 : i32
        %add3A_295 = vector.broadcast %add3A_294 : i32 to vector<16xi32>
        %add3A_296 = arith.addi %broadcast_in_dim3A_290, %add3A_295 : vector<16xi32>
        %select_n3A_297 = arith.select %lt3A_293, %add3A_296, %broadcast_in_dim3A_290 : vector<16xi1>, vector<16xi32>
        %broadcast_in_dim3A_298 = vector.shape_cast %select_n3A_297 : vector<16xi32> to vector<16x1xi32>
        %gather3A_299 = vector.shape_cast %broadcast_in_dim3A_298 : vector<16x1xi32> to vector<16xi32>
        %gather3A_300 = tpu.dynamic_gather %get3A_288[%gather3A_299] in [0] : vector<16xf32>, vector<16xi32> -> vector<16xf32>
        %broadcast_in_dim3A_301 = arith.constant 1 : i32
        %broadcast_in_dim3A_302 = vector.broadcast %broadcast_in_dim3A_301 : i32 to vector<16xi32>
        %lt3A_303 = arith.constant 0 : i32
        %lt3A_304 = vector.broadcast %lt3A_303 : i32 to vector<16xi32>
        %lt3A_305 = arith.cmpi slt, %broadcast_in_dim3A_302, %lt3A_304 : vector<16xi32>
        %add3A_306 = arith.constant 16 : i32
        %add3A_307 = vector.broadcast %add3A_306 : i32 to vector<16xi32>
        %add3A_308 = arith.addi %broadcast_in_dim3A_302, %add3A_307 : vector<16xi32>
        %select_n3A_309 = arith.select %lt3A_305, %add3A_308, %broadcast_in_dim3A_302 : vector<16xi1>, vector<16xi32>
        %broadcast_in_dim3A_310 = vector.shape_cast %select_n3A_309 : vector<16xi32> to vector<16x1xi32>
        %gather3A_311 = vector.shape_cast %broadcast_in_dim3A_310 : vector<16x1xi32> to vector<16xi32>
        %gather3A_312 = tpu.dynamic_gather %get3A_288[%gather3A_311] in [0] : vector<16xf32>, vector<16xi32> -> vector<16xf32>
        %broadcast_in_dim3A_313 = arith.constant 2 : i32
        %broadcast_in_dim3A_314 = vector.broadcast %broadcast_in_dim3A_313 : i32 to vector<16xi32>
        %lt3A_315 = arith.constant 0 : i32
        %lt3A_316 = vector.broadcast %lt3A_315 : i32 to vector<16xi32>
        %lt3A_317 = arith.cmpi slt, %broadcast_in_dim3A_314, %lt3A_316 : vector<16xi32>
        %add3A_318 = arith.constant 16 : i32
        %add3A_319 = vector.broadcast %add3A_318 : i32 to vector<16xi32>
        %add3A_320 = arith.addi %broadcast_in_dim3A_314, %add3A_319 : vector<16xi32>
        %select_n3A_321 = arith.select %lt3A_317, %add3A_320, %broadcast_in_dim3A_314 : vector<16xi1>, vector<16xi32>
        %broadcast_in_dim3A_322 = vector.shape_cast %select_n3A_321 : vector<16xi32> to vector<16x1xi32>
        %gather3A_323 = vector.shape_cast %broadcast_in_dim3A_322 : vector<16x1xi32> to vector<16xi32>
        %gather3A_324 = tpu.dynamic_gather %get3A_288[%gather3A_323] in [0] : vector<16xf32>, vector<16xi32> -> vector<16xf32>
        %broadcast_in_dim3A_325 = arith.constant 3 : i32
        %broadcast_in_dim3A_326 = vector.broadcast %broadcast_in_dim3A_325 : i32 to vector<16xi32>
        %lt3A_327 = arith.constant 0 : i32
        %lt3A_328 = vector.broadcast %lt3A_327 : i32 to vector<16xi32>
        %lt3A_329 = arith.cmpi slt, %broadcast_in_dim3A_326, %lt3A_328 : vector<16xi32>
        %add3A_330 = arith.constant 16 : i32
        %add3A_331 = vector.broadcast %add3A_330 : i32 to vector<16xi32>
        %add3A_332 = arith.addi %broadcast_in_dim3A_326, %add3A_331 : vector<16xi32>
        %select_n3A_333 = arith.select %lt3A_329, %add3A_332, %broadcast_in_dim3A_326 : vector<16xi1>, vector<16xi32>
        %broadcast_in_dim3A_334 = vector.shape_cast %select_n3A_333 : vector<16xi32> to vector<16x1xi32>
        %gather3A_335 = vector.shape_cast %broadcast_in_dim3A_334 : vector<16x1xi32> to vector<16xi32>
        %gather3A_336 = tpu.dynamic_gather %get3A_288[%gather3A_335] in [0] : vector<16xf32>, vector<16xi32> -> vector<16xf32>
        %broadcast_in_dim3A_337 = arith.constant 4 : i32
        %broadcast_in_dim3A_338 = vector.broadcast %broadcast_in_dim3A_337 : i32 to vector<16xi32>
        %lt3A_339 = arith.constant 0 : i32
        %lt3A_340 = vector.broadcast %lt3A_339 : i32 to vector<16xi32>
        %lt3A_341 = arith.cmpi slt, %broadcast_in_dim3A_338, %lt3A_340 : vector<16xi32>
        %add3A_342 = arith.constant 16 : i32
        %add3A_343 = vector.broadcast %add3A_342 : i32 to vector<16xi32>
        %add3A_344 = arith.addi %broadcast_in_dim3A_338, %add3A_343 : vector<16xi32>
        %select_n3A_345 = arith.select %lt3A_341, %add3A_344, %broadcast_in_dim3A_338 : vector<16xi1>, vector<16xi32>
        %broadcast_in_dim3A_346 = vector.shape_cast %select_n3A_345 : vector<16xi32> to vector<16x1xi32>
        %gather3A_347 = vector.shape_cast %broadcast_in_dim3A_346 : vector<16x1xi32> to vector<16xi32>
        %gather3A_348 = tpu.dynamic_gather %get3A_288[%gather3A_347] in [0] : vector<16xf32>, vector<16xi32> -> vector<16xf32>
        %broadcast_in_dim3A_349 = arith.constant 5 : i32
        %broadcast_in_dim3A_350 = vector.broadcast %broadcast_in_dim3A_349 : i32 to vector<16xi32>
        %lt3A_351 = arith.constant 0 : i32
        %lt3A_352 = vector.broadcast %lt3A_351 : i32 to vector<16xi32>
        %lt3A_353 = arith.cmpi slt, %broadcast_in_dim3A_350, %lt3A_352 : vector<16xi32>
        %add3A_354 = arith.constant 16 : i32
        %add3A_355 = vector.broadcast %add3A_354 : i32 to vector<16xi32>
        %add3A_356 = arith.addi %broadcast_in_dim3A_350, %add3A_355 : vector<16xi32>
        %select_n3A_357 = arith.select %lt3A_353, %add3A_356, %broadcast_in_dim3A_350 : vector<16xi1>, vector<16xi32>
        %broadcast_in_dim3A_358 = vector.shape_cast %select_n3A_357 : vector<16xi32> to vector<16x1xi32>
        %gather3A_359 = vector.shape_cast %broadcast_in_dim3A_358 : vector<16x1xi32> to vector<16xi32>
        %gather3A_360 = tpu.dynamic_gather %get3A_288[%gather3A_359] in [0] : vector<16xf32>, vector<16xi32> -> vector<16xf32>
        %broadcast_in_dim3A_361 = arith.constant 6 : i32
        %broadcast_in_dim3A_362 = vector.broadcast %broadcast_in_dim3A_361 : i32 to vector<16xi32>
        %lt3A_363 = arith.constant 0 : i32
        %lt3A_364 = vector.broadcast %lt3A_363 : i32 to vector<16xi32>
        %lt3A_365 = arith.cmpi slt, %broadcast_in_dim3A_362, %lt3A_364 : vector<16xi32>
        %add3A_366 = arith.constant 16 : i32
        %add3A_367 = vector.broadcast %add3A_366 : i32 to vector<16xi32>
        %add3A_368 = arith.addi %broadcast_in_dim3A_362, %add3A_367 : vector<16xi32>
        %select_n3A_369 = arith.select %lt3A_365, %add3A_368, %broadcast_in_dim3A_362 : vector<16xi1>, vector<16xi32>
        %broadcast_in_dim3A_370 = vector.shape_cast %select_n3A_369 : vector<16xi32> to vector<16x1xi32>
        %gather3A_371 = vector.shape_cast %broadcast_in_dim3A_370 : vector<16x1xi32> to vector<16xi32>
        %gather3A_372 = tpu.dynamic_gather %get3A_288[%gather3A_371] in [0] : vector<16xf32>, vector<16xi32> -> vector<16xf32>
        %broadcast_in_dim3A_373 = arith.constant 7 : i32
        %broadcast_in_dim3A_374 = vector.broadcast %broadcast_in_dim3A_373 : i32 to vector<16xi32>
        %lt3A_375 = arith.constant 0 : i32
        %lt3A_376 = vector.broadcast %lt3A_375 : i32 to vector<16xi32>
        %lt3A_377 = arith.cmpi slt, %broadcast_in_dim3A_374, %lt3A_376 : vector<16xi32>
        %add3A_378 = arith.constant 16 : i32
        %add3A_379 = vector.broadcast %add3A_378 : i32 to vector<16xi32>
        %add3A_380 = arith.addi %broadcast_in_dim3A_374, %add3A_379 : vector<16xi32>
        %select_n3A_381 = arith.select %lt3A_377, %add3A_380, %broadcast_in_dim3A_374 : vector<16xi1>, vector<16xi32>
        %broadcast_in_dim3A_382 = vector.shape_cast %select_n3A_381 : vector<16xi32> to vector<16x1xi32>
        %gather3A_383 = vector.shape_cast %broadcast_in_dim3A_382 : vector<16x1xi32> to vector<16xi32>
        %gather3A_384 = tpu.dynamic_gather %get3A_288[%gather3A_383] in [0] : vector<16xf32>, vector<16xi32> -> vector<16xf32>
        %broadcast_in_dim3A_385 = arith.constant 8 : i32
        %broadcast_in_dim3A_386 = vector.broadcast %broadcast_in_dim3A_385 : i32 to vector<16xi32>
        %lt3A_387 = arith.constant 0 : i32
        %lt3A_388 = vector.broadcast %lt3A_387 : i32 to vector<16xi32>
        %lt3A_389 = arith.cmpi slt, %broadcast_in_dim3A_386, %lt3A_388 : vector<16xi32>
        %add3A_390 = arith.constant 16 : i32
        %add3A_391 = vector.broadcast %add3A_390 : i32 to vector<16xi32>
        %add3A_392 = arith.addi %broadcast_in_dim3A_386, %add3A_391 : vector<16xi32>
        %select_n3A_393 = arith.select %lt3A_389, %add3A_392, %broadcast_in_dim3A_386 : vector<16xi1>, vector<16xi32>
        %broadcast_in_dim3A_394 = vector.shape_cast %select_n3A_393 : vector<16xi32> to vector<16x1xi32>
        %gather3A_395 = vector.shape_cast %broadcast_in_dim3A_394 : vector<16x1xi32> to vector<16xi32>
        %gather3A_396 = tpu.dynamic_gather %get3A_288[%gather3A_395] in [0] : vector<16xf32>, vector<16xi32> -> vector<16xf32>
        %broadcast_in_dim3A_397 = arith.constant 9 : i32
        %broadcast_in_dim3A_398 = vector.broadcast %broadcast_in_dim3A_397 : i32 to vector<16xi32>
        %lt3A_399 = arith.constant 0 : i32
        %lt3A_400 = vector.broadcast %lt3A_399 : i32 to vector<16xi32>
        %lt3A_401 = arith.cmpi slt, %broadcast_in_dim3A_398, %lt3A_400 : vector<16xi32>
        %add3A_402 = arith.constant 16 : i32
        %add3A_403 = vector.broadcast %add3A_402 : i32 to vector<16xi32>
        %add3A_404 = arith.addi %broadcast_in_dim3A_398, %add3A_403 : vector<16xi32>
        %select_n3A_405 = arith.select %lt3A_401, %add3A_404, %broadcast_in_dim3A_398 : vector<16xi1>, vector<16xi32>
        %broadcast_in_dim3A_406 = vector.shape_cast %select_n3A_405 : vector<16xi32> to vector<16x1xi32>
        %gather3A_407 = vector.shape_cast %broadcast_in_dim3A_406 : vector<16x1xi32> to vector<16xi32>
        %gather3A_408 = tpu.dynamic_gather %get3A_288[%gather3A_407] in [0] : vector<16xf32>, vector<16xi32> -> vector<16xf32>
        %broadcast_in_dim3A_409 = arith.constant 10 : i32
        %broadcast_in_dim3A_410 = vector.broadcast %broadcast_in_dim3A_409 : i32 to vector<16xi32>
        %lt3A_411 = arith.constant 0 : i32
        %lt3A_412 = vector.broadcast %lt3A_411 : i32 to vector<16xi32>
        %lt3A_413 = arith.cmpi slt, %broadcast_in_dim3A_410, %lt3A_412 : vector<16xi32>
        %add3A_414 = arith.constant 16 : i32
        %add3A_415 = vector.broadcast %add3A_414 : i32 to vector<16xi32>
        %add3A_416 = arith.addi %broadcast_in_dim3A_410, %add3A_415 : vector<16xi32>
        %select_n3A_417 = arith.select %lt3A_413, %add3A_416, %broadcast_in_dim3A_410 : vector<16xi1>, vector<16xi32>
        %broadcast_in_dim3A_418 = vector.shape_cast %select_n3A_417 : vector<16xi32> to vector<16x1xi32>
        %gather3A_419 = vector.shape_cast %broadcast_in_dim3A_418 : vector<16x1xi32> to vector<16xi32>
        %gather3A_420 = tpu.dynamic_gather %get3A_288[%gather3A_419] in [0] : vector<16xf32>, vector<16xi32> -> vector<16xf32>
        %broadcast_in_dim3A_421 = arith.constant 11 : i32
        %broadcast_in_dim3A_422 = vector.broadcast %broadcast_in_dim3A_421 : i32 to vector<16xi32>
        %lt3A_423 = arith.constant 0 : i32
        %lt3A_424 = vector.broadcast %lt3A_423 : i32 to vector<16xi32>
        %lt3A_425 = arith.cmpi slt, %broadcast_in_dim3A_422, %lt3A_424 : vector<16xi32>
        %add3A_426 = arith.constant 16 : i32
        %add3A_427 = vector.broadcast %add3A_426 : i32 to vector<16xi32>
        %add3A_428 = arith.addi %broadcast_in_dim3A_422, %add3A_427 : vector<16xi32>
        %select_n3A_429 = arith.select %lt3A_425, %add3A_428, %broadcast_in_dim3A_422 : vector<16xi1>, vector<16xi32>
        %broadcast_in_dim3A_430 = vector.shape_cast %select_n3A_429 : vector<16xi32> to vector<16x1xi32>
        %gather3A_431 = vector.shape_cast %broadcast_in_dim3A_430 : vector<16x1xi32> to vector<16xi32>
        %gather3A_432 = tpu.dynamic_gather %get3A_288[%gather3A_431] in [0] : vector<16xf32>, vector<16xi32> -> vector<16xf32>
        %broadcast_in_dim3A_433 = arith.constant 12 : i32
        %broadcast_in_dim3A_434 = vector.broadcast %broadcast_in_dim3A_433 : i32 to vector<16xi32>
        %lt3A_435 = arith.constant 0 : i32
        %lt3A_436 = vector.broadcast %lt3A_435 : i32 to vector<16xi32>
        %lt3A_437 = arith.cmpi slt, %broadcast_in_dim3A_434, %lt3A_436 : vector<16xi32>
        %add3A_438 = arith.constant 16 : i32
        %add3A_439 = vector.broadcast %add3A_438 : i32 to vector<16xi32>
        %add3A_440 = arith.addi %broadcast_in_dim3A_434, %add3A_439 : vector<16xi32>
        %select_n3A_441 = arith.select %lt3A_437, %add3A_440, %broadcast_in_dim3A_434 : vector<16xi1>, vector<16xi32>
        %broadcast_in_dim3A_442 = vector.shape_cast %select_n3A_441 : vector<16xi32> to vector<16x1xi32>
        %gather3A_443 = vector.shape_cast %broadcast_in_dim3A_442 : vector<16x1xi32> to vector<16xi32>
        %gather3A_444 = tpu.dynamic_gather %get3A_288[%gather3A_443] in [0] : vector<16xf32>, vector<16xi32> -> vector<16xf32>
        %broadcast_in_dim3A_445 = arith.constant 13 : i32
        %broadcast_in_dim3A_446 = vector.broadcast %broadcast_in_dim3A_445 : i32 to vector<16xi32>
        %lt3A_447 = arith.constant 0 : i32
        %lt3A_448 = vector.broadcast %lt3A_447 : i32 to vector<16xi32>
        %lt3A_449 = arith.cmpi slt, %broadcast_in_dim3A_446, %lt3A_448 : vector<16xi32>
        %add3A_450 = arith.constant 16 : i32
        %add3A_451 = vector.broadcast %add3A_450 : i32 to vector<16xi32>
        %add3A_452 = arith.addi %broadcast_in_dim3A_446, %add3A_451 : vector<16xi32>
        %select_n3A_453 = arith.select %lt3A_449, %add3A_452, %broadcast_in_dim3A_446 : vector<16xi1>, vector<16xi32>
        %broadcast_in_dim3A_454 = vector.shape_cast %select_n3A_453 : vector<16xi32> to vector<16x1xi32>
        %gather3A_455 = vector.shape_cast %broadcast_in_dim3A_454 : vector<16x1xi32> to vector<16xi32>
        %gather3A_456 = tpu.dynamic_gather %get3A_288[%gather3A_455] in [0] : vector<16xf32>, vector<16xi32> -> vector<16xf32>
        %broadcast_in_dim3A_457 = arith.constant 14 : i32
        %broadcast_in_dim3A_458 = vector.broadcast %broadcast_in_dim3A_457 : i32 to vector<16xi32>
        %lt3A_459 = arith.constant 0 : i32
        %lt3A_460 = vector.broadcast %lt3A_459 : i32 to vector<16xi32>
        %lt3A_461 = arith.cmpi slt, %broadcast_in_dim3A_458, %lt3A_460 : vector<16xi32>
        %add3A_462 = arith.constant 16 : i32
        %add3A_463 = vector.broadcast %add3A_462 : i32 to vector<16xi32>
        %add3A_464 = arith.addi %broadcast_in_dim3A_458, %add3A_463 : vector<16xi32>
        %select_n3A_465 = arith.select %lt3A_461, %add3A_464, %broadcast_in_dim3A_458 : vector<16xi1>, vector<16xi32>
        %broadcast_in_dim3A_466 = vector.shape_cast %select_n3A_465 : vector<16xi32> to vector<16x1xi32>
        %gather3A_467 = vector.shape_cast %broadcast_in_dim3A_466 : vector<16x1xi32> to vector<16xi32>
        %gather3A_468 = tpu.dynamic_gather %get3A_288[%gather3A_467] in [0] : vector<16xf32>, vector<16xi32> -> vector<16xf32>
        %broadcast_in_dim3A_469 = arith.constant 15 : i32
        %broadcast_in_dim3A_470 = vector.broadcast %broadcast_in_dim3A_469 : i32 to vector<16xi32>
        %lt3A_471 = arith.constant 0 : i32
        %lt3A_472 = vector.broadcast %lt3A_471 : i32 to vector<16xi32>
        %lt3A_473 = arith.cmpi slt, %broadcast_in_dim3A_470, %lt3A_472 : vector<16xi32>
        %add3A_474 = arith.constant 16 : i32
        %add3A_475 = vector.broadcast %add3A_474 : i32 to vector<16xi32>
        %add3A_476 = arith.addi %broadcast_in_dim3A_470, %add3A_475 : vector<16xi32>
        %select_n3A_477 = arith.select %lt3A_473, %add3A_476, %broadcast_in_dim3A_470 : vector<16xi1>, vector<16xi32>
        %broadcast_in_dim3A_478 = vector.shape_cast %select_n3A_477 : vector<16xi32> to vector<16x1xi32>
        %gather3A_479 = vector.shape_cast %broadcast_in_dim3A_478 : vector<16x1xi32> to vector<16xi32>
        %gather3A_480 = tpu.dynamic_gather %get3A_288[%gather3A_479] in [0] : vector<16xf32>, vector<16xi32> -> vector<16xf32>
        %scan3A_481 = arith.constant 0 : i32
        %scan3A_482 = arith.constant 0 : i32
        %scan3A_483 = arith.constant 144 : i32
        %scan3A_484 = arith.addi %scan3A_482, %scan3A_483 : i32
        %scan3A_485 = arith.constant 1 : i32
        scf.for %scan3A_491 = %scan3A_482 to %scan3A_484 step %scan3A_485  : i32 {
          %mul3A_492 = arith.constant 16 : i32
          %mul3A_493 = arith.muli %scan3A_491, %mul3A_492 : i32
          %get3A_494 = arith.index_cast %mul3A_493 : i32 to index
          %get3A_495 = tpu.vector_load %arg6[%get3A_494] {strides = array<i32>} : memref<2304xi32, #tpu.memory_space<vmem>>, vector<16xi32>,
          %get3A_496 = arith.index_cast %mul3A_493 : i32 to index
          %get3A_497 = tpu.vector_load %arg7[%get3A_496] {strides = array<i32>} : memref<2304xi32, #tpu.memory_space<vmem>>, vector<16xi32>,
          %get3A_498 = arith.index_cast %mul3A_493 : i32 to index
          %get3A_499 = tpu.vector_load %arg8[%get3A_498] {strides = array<i32>} : memref<2304xf32, #tpu.memory_space<vmem>>, vector<16xf32>,
          %get3A_500 = arith.index_cast %mul3A_493 : i32 to index
          %get3A_501 = tpu.vector_load %arg9[%get3A_500] {strides = array<i32>} : memref<2304xf32, #tpu.memory_space<vmem>>, vector<16xf32>,
          %broadcast_in_dim3A_502 = arith.constant 0 : i32
          %broadcast_in_dim3A_503 = vector.broadcast %broadcast_in_dim3A_502 : i32 to vector<16xi32>
          %gather3A_504 = tpu.vector_load_idx %arg15[%broadcast_in_dim3A_503, %get3A_495] : memref<16x2304xf32, #tpu.memory_space<vmem>>[vector<16xi32>, vector<16xi32>], vector<16xf32>,
          %broadcast_in_dim3A_505 = arith.constant 0 : i32
          %broadcast_in_dim3A_506 = vector.broadcast %broadcast_in_dim3A_505 : i32 to vector<16xi32>
          %gather3A_507 = tpu.vector_load_idx %arg15[%broadcast_in_dim3A_506, %get3A_497] : memref<16x2304xf32, #tpu.memory_space<vmem>>[vector<16xi32>, vector<16xi32>], vector<16xf32>,
          %broadcast_in_dim3A_508 = arith.constant 8 : i32
          %broadcast_in_dim3A_509 = vector.broadcast %broadcast_in_dim3A_508 : i32 to vector<16xi32>
          %gather3A_510 = tpu.vector_load_idx %arg15[%broadcast_in_dim3A_509, %get3A_495] : memref<16x2304xf32, #tpu.memory_space<vmem>>[vector<16xi32>, vector<16xi32>], vector<16xf32>,
          %broadcast_in_dim3A_511 = arith.constant 8 : i32
          %broadcast_in_dim3A_512 = vector.broadcast %broadcast_in_dim3A_511 : i32 to vector<16xi32>
          %gather3A_513 = tpu.vector_load_idx %arg15[%broadcast_in_dim3A_512, %get3A_497] : memref<16x2304xf32, #tpu.memory_space<vmem>>[vector<16xi32>, vector<16xi32>], vector<16xf32>,
          %mul3A_514 = arith.mulf %gather3A_300, %gather3A_504 : vector<16xf32>
          %mul3A_515 = arith.mulf %gather3A_396, %gather3A_510 : vector<16xf32>
          %add3A_516 = arith.addf %mul3A_514, %mul3A_515 : vector<16xf32>
          %mul3A_517 = arith.mulf %gather3A_300, %gather3A_507 : vector<16xf32>
          %mul3A_518 = arith.mulf %gather3A_396, %gather3A_513 : vector<16xf32>
          %add3A_519 = arith.addf %mul3A_517, %mul3A_518 : vector<16xf32>
          %mul3A_520 = arith.mulf %get3A_499, %add3A_516 : vector<16xf32>
          %mul3A_521 = arith.mulf %get3A_501, %add3A_519 : vector<16xf32>
          %add3A_522 = arith.addf %mul3A_520, %mul3A_521 : vector<16xf32>
          %swap3A = arith.constant 0 : i32
          %swap3A_523 = arith.index_cast %swap3A : i32 to index
          %swap3A_524 = arith.index_cast %mul3A_493 : i32 to index
          %swap3A_525 = tpu.vector_load %arg17[%swap3A_523, %swap3A_524] {strides = array<i32>} : memref<8x2304xf32, #tpu.memory_space<vmem>>, vector<16xf32>,
          tpu.vector_store %arg17[%swap3A_523, %swap3A_524], %add3A_522 {strides = array<i32>} : memref<8x2304xf32, #tpu.memory_space<vmem>>, vector<16xf32>,
          %broadcast_in_dim3A_526 = arith.constant 1 : i32
          %broadcast_in_dim3A_527 = vector.broadcast %broadcast_in_dim3A_526 : i32 to vector<16xi32>
          %gather3A_528 = tpu.vector_load_idx %arg15[%broadcast_in_dim3A_527, %get3A_495] : memref<16x2304xf32, #tpu.memory_space<vmem>>[vector<16xi32>, vector<16xi32>], vector<16xf32>,
          %broadcast_in_dim3A_529 = arith.constant 1 : i32
          %broadcast_in_dim3A_530 = vector.broadcast %broadcast_in_dim3A_529 : i32 to vector<16xi32>
          %gather3A_531 = tpu.vector_load_idx %arg15[%broadcast_in_dim3A_530, %get3A_497] : memref<16x2304xf32, #tpu.memory_space<vmem>>[vector<16xi32>, vector<16xi32>], vector<16xf32>,
          %broadcast_in_dim3A_532 = arith.constant 9 : i32
          %broadcast_in_dim3A_533 = vector.broadcast %broadcast_in_dim3A_532 : i32 to vector<16xi32>
          %gather3A_534 = tpu.vector_load_idx %arg15[%broadcast_in_dim3A_533, %get3A_495] : memref<16x2304xf32, #tpu.memory_space<vmem>>[vector<16xi32>, vector<16xi32>], vector<16xf32>,
          %broadcast_in_dim3A_535 = arith.constant 9 : i32
          %broadcast_in_dim3A_536 = vector.broadcast %broadcast_in_dim3A_535 : i32 to vector<16xi32>
          %gather3A_537 = tpu.vector_load_idx %arg15[%broadcast_in_dim3A_536, %get3A_497] : memref<16x2304xf32, #tpu.memory_space<vmem>>[vector<16xi32>, vector<16xi32>], vector<16xf32>,
          %mul3A_538 = arith.mulf %gather3A_312, %gather3A_528 : vector<16xf32>
          %mul3A_539 = arith.mulf %gather3A_408, %gather3A_534 : vector<16xf32>
          %add3A_540 = arith.addf %mul3A_538, %mul3A_539 : vector<16xf32>
          %mul3A_541 = arith.mulf %gather3A_312, %gather3A_531 : vector<16xf32>
          %mul3A_542 = arith.mulf %gather3A_408, %gather3A_537 : vector<16xf32>
          %add3A_543 = arith.addf %mul3A_541, %mul3A_542 : vector<16xf32>
          %mul3A_544 = arith.mulf %get3A_499, %add3A_540 : vector<16xf32>
          %mul3A_545 = arith.mulf %get3A_501, %add3A_543 : vector<16xf32>
          %add3A_546 = arith.addf %mul3A_544, %mul3A_545 : vector<16xf32>
          %swap3A_547 = arith.constant 1 : i32
          %swap3A_548 = arith.index_cast %swap3A_547 : i32 to index
          %swap3A_549 = arith.index_cast %mul3A_493 : i32 to index
          %swap3A_550 = tpu.vector_load %arg17[%swap3A_548, %swap3A_549] {strides = array<i32>} : memref<8x2304xf32, #tpu.memory_space<vmem>>, vector<16xf32>,
          tpu.vector_store %arg17[%swap3A_548, %swap3A_549], %add3A_546 {strides = array<i32>} : memref<8x2304xf32, #tpu.memory_space<vmem>>, vector<16xf32>,
          %broadcast_in_dim3A_551 = arith.constant 2 : i32
          %broadcast_in_dim3A_552 = vector.broadcast %broadcast_in_dim3A_551 : i32 to vector<16xi32>
          %gather3A_553 = tpu.vector_load_idx %arg15[%broadcast_in_dim3A_552, %get3A_495] : memref<16x2304xf32, #tpu.memory_space<vmem>>[vector<16xi32>, vector<16xi32>], vector<16xf32>,
          %broadcast_in_dim3A_554 = arith.constant 2 : i32
          %broadcast_in_dim3A_555 = vector.broadcast %broadcast_in_dim3A_554 : i32 to vector<16xi32>
          %gather3A_556 = tpu.vector_load_idx %arg15[%broadcast_in_dim3A_555, %get3A_497] : memref<16x2304xf32, #tpu.memory_space<vmem>>[vector<16xi32>, vector<16xi32>], vector<16xf32>,
          %broadcast_in_dim3A_557 = arith.constant 10 : i32
          %broadcast_in_dim3A_558 = vector.broadcast %broadcast_in_dim3A_557 : i32 to vector<16xi32>
          %gather3A_559 = tpu.vector_load_idx %arg15[%broadcast_in_dim3A_558, %get3A_495] : memref<16x2304xf32, #tpu.memory_space<vmem>>[vector<16xi32>, vector<16xi32>], vector<16xf32>,
          %broadcast_in_dim3A_560 = arith.constant 10 : i32
          %broadcast_in_dim3A_561 = vector.broadcast %broadcast_in_dim3A_560 : i32 to vector<16xi32>
          %gather3A_562 = tpu.vector_load_idx %arg15[%broadcast_in_dim3A_561, %get3A_497] : memref<16x2304xf32, #tpu.memory_space<vmem>>[vector<16xi32>, vector<16xi32>], vector<16xf32>,
          %mul3A_563 = arith.mulf %gather3A_324, %gather3A_553 : vector<16xf32>
          %mul3A_564 = arith.mulf %gather3A_420, %gather3A_559 : vector<16xf32>
          %add3A_565 = arith.addf %mul3A_563, %mul3A_564 : vector<16xf32>
          %mul3A_566 = arith.mulf %gather3A_324, %gather3A_556 : vector<16xf32>
          %mul3A_567 = arith.mulf %gather3A_420, %gather3A_562 : vector<16xf32>
          %add3A_568 = arith.addf %mul3A_566, %mul3A_567 : vector<16xf32>
          %mul3A_569 = arith.mulf %get3A_499, %add3A_565 : vector<16xf32>
          %mul3A_570 = arith.mulf %get3A_501, %add3A_568 : vector<16xf32>
          %add3A_571 = arith.addf %mul3A_569, %mul3A_570 : vector<16xf32>
          %swap3A_572 = arith.constant 2 : i32
          %swap3A_573 = arith.index_cast %swap3A_572 : i32 to index
          %swap3A_574 = arith.index_cast %mul3A_493 : i32 to index
          %swap3A_575 = tpu.vector_load %arg17[%swap3A_573, %swap3A_574] {strides = array<i32>} : memref<8x2304xf32, #tpu.memory_space<vmem>>, vector<16xf32>,
          tpu.vector_store %arg17[%swap3A_573, %swap3A_574], %add3A_571 {strides = array<i32>} : memref<8x2304xf32, #tpu.memory_space<vmem>>, vector<16xf32>,
          %broadcast_in_dim3A_576 = arith.constant 3 : i32
          %broadcast_in_dim3A_577 = vector.broadcast %broadcast_in_dim3A_576 : i32 to vector<16xi32>
          %gather3A_578 = tpu.vector_load_idx %arg15[%broadcast_in_dim3A_577, %get3A_495] : memref<16x2304xf32, #tpu.memory_space<vmem>>[vector<16xi32>, vector<16xi32>], vector<16xf32>,
          %broadcast_in_dim3A_579 = arith.constant 3 : i32
          %broadcast_in_dim3A_580 = vector.broadcast %broadcast_in_dim3A_579 : i32 to vector<16xi32>
          %gather3A_581 = tpu.vector_load_idx %arg15[%broadcast_in_dim3A_580, %get3A_497] : memref<16x2304xf32, #tpu.memory_space<vmem>>[vector<16xi32>, vector<16xi32>], vector<16xf32>,
          %broadcast_in_dim3A_582 = arith.constant 11 : i32
          %broadcast_in_dim3A_583 = vector.broadcast %broadcast_in_dim3A_582 : i32 to vector<16xi32>
          %gather3A_584 = tpu.vector_load_idx %arg15[%broadcast_in_dim3A_583, %get3A_495] : memref<16x2304xf32, #tpu.memory_space<vmem>>[vector<16xi32>, vector<16xi32>], vector<16xf32>,
          %broadcast_in_dim3A_585 = arith.constant 11 : i32
          %broadcast_in_dim3A_586 = vector.broadcast %broadcast_in_dim3A_585 : i32 to vector<16xi32>
          %gather3A_587 = tpu.vector_load_idx %arg15[%broadcast_in_dim3A_586, %get3A_497] : memref<16x2304xf32, #tpu.memory_space<vmem>>[vector<16xi32>, vector<16xi32>], vector<16xf32>,
          %mul3A_588 = arith.mulf %gather3A_336, %gather3A_578 : vector<16xf32>
          %mul3A_589 = arith.mulf %gather3A_432, %gather3A_584 : vector<16xf32>
          %add3A_590 = arith.addf %mul3A_588, %mul3A_589 : vector<16xf32>
          %mul3A_591 = arith.mulf %gather3A_336, %gather3A_581 : vector<16xf32>
          %mul3A_592 = arith.mulf %gather3A_432, %gather3A_587 : vector<16xf32>
          %add3A_593 = arith.addf %mul3A_591, %mul3A_592 : vector<16xf32>
          %mul3A_594 = arith.mulf %get3A_499, %add3A_590 : vector<16xf32>
          %mul3A_595 = arith.mulf %get3A_501, %add3A_593 : vector<16xf32>
          %add3A_596 = arith.addf %mul3A_594, %mul3A_595 : vector<16xf32>
          %swap3A_597 = arith.constant 3 : i32
          %swap3A_598 = arith.index_cast %swap3A_597 : i32 to index
          %swap3A_599 = arith.index_cast %mul3A_493 : i32 to index
          %swap3A_600 = tpu.vector_load %arg17[%swap3A_598, %swap3A_599] {strides = array<i32>} : memref<8x2304xf32, #tpu.memory_space<vmem>>, vector<16xf32>,
          tpu.vector_store %arg17[%swap3A_598, %swap3A_599], %add3A_596 {strides = array<i32>} : memref<8x2304xf32, #tpu.memory_space<vmem>>, vector<16xf32>,
          %broadcast_in_dim3A_601 = arith.constant 4 : i32
          %broadcast_in_dim3A_602 = vector.broadcast %broadcast_in_dim3A_601 : i32 to vector<16xi32>
          %gather3A_603 = tpu.vector_load_idx %arg15[%broadcast_in_dim3A_602, %get3A_495] : memref<16x2304xf32, #tpu.memory_space<vmem>>[vector<16xi32>, vector<16xi32>], vector<16xf32>,
          %broadcast_in_dim3A_604 = arith.constant 4 : i32
          %broadcast_in_dim3A_605 = vector.broadcast %broadcast_in_dim3A_604 : i32 to vector<16xi32>
          %gather3A_606 = tpu.vector_load_idx %arg15[%broadcast_in_dim3A_605, %get3A_497] : memref<16x2304xf32, #tpu.memory_space<vmem>>[vector<16xi32>, vector<16xi32>], vector<16xf32>,
          %broadcast_in_dim3A_607 = arith.constant 12 : i32
          %broadcast_in_dim3A_608 = vector.broadcast %broadcast_in_dim3A_607 : i32 to vector<16xi32>
          %gather3A_609 = tpu.vector_load_idx %arg15[%broadcast_in_dim3A_608, %get3A_495] : memref<16x2304xf32, #tpu.memory_space<vmem>>[vector<16xi32>, vector<16xi32>], vector<16xf32>,
          %broadcast_in_dim3A_610 = arith.constant 12 : i32
          %broadcast_in_dim3A_611 = vector.broadcast %broadcast_in_dim3A_610 : i32 to vector<16xi32>
          %gather3A_612 = tpu.vector_load_idx %arg15[%broadcast_in_dim3A_611, %get3A_497] : memref<16x2304xf32, #tpu.memory_space<vmem>>[vector<16xi32>, vector<16xi32>], vector<16xf32>,
          %mul3A_613 = arith.mulf %gather3A_348, %gather3A_603 : vector<16xf32>
          %mul3A_614 = arith.mulf %gather3A_444, %gather3A_609 : vector<16xf32>
          %add3A_615 = arith.addf %mul3A_613, %mul3A_614 : vector<16xf32>
          %mul3A_616 = arith.mulf %gather3A_348, %gather3A_606 : vector<16xf32>
          %mul3A_617 = arith.mulf %gather3A_444, %gather3A_612 : vector<16xf32>
          %add3A_618 = arith.addf %mul3A_616, %mul3A_617 : vector<16xf32>
          %mul3A_619 = arith.mulf %get3A_499, %add3A_615 : vector<16xf32>
          %mul3A_620 = arith.mulf %get3A_501, %add3A_618 : vector<16xf32>
          %add3A_621 = arith.addf %mul3A_619, %mul3A_620 : vector<16xf32>
          %swap3A_622 = arith.constant 4 : i32
          %swap3A_623 = arith.index_cast %swap3A_622 : i32 to index
          %swap3A_624 = arith.index_cast %mul3A_493 : i32 to index
          %swap3A_625 = tpu.vector_load %arg17[%swap3A_623, %swap3A_624] {strides = array<i32>} : memref<8x2304xf32, #tpu.memory_space<vmem>>, vector<16xf32>,
          tpu.vector_store %arg17[%swap3A_623, %swap3A_624], %add3A_621 {strides = array<i32>} : memref<8x2304xf32, #tpu.memory_space<vmem>>, vector<16xf32>,
          %broadcast_in_dim3A_626 = arith.constant 5 : i32
          %broadcast_in_dim3A_627 = vector.broadcast %broadcast_in_dim3A_626 : i32 to vector<16xi32>
          %gather3A_628 = tpu.vector_load_idx %arg15[%broadcast_in_dim3A_627, %get3A_495] : memref<16x2304xf32, #tpu.memory_space<vmem>>[vector<16xi32>, vector<16xi32>], vector<16xf32>,
          %broadcast_in_dim3A_629 = arith.constant 5 : i32
          %broadcast_in_dim3A_630 = vector.broadcast %broadcast_in_dim3A_629 : i32 to vector<16xi32>
          %gather3A_631 = tpu.vector_load_idx %arg15[%broadcast_in_dim3A_630, %get3A_497] : memref<16x2304xf32, #tpu.memory_space<vmem>>[vector<16xi32>, vector<16xi32>], vector<16xf32>,
          %broadcast_in_dim3A_632 = arith.constant 13 : i32
          %broadcast_in_dim3A_633 = vector.broadcast %broadcast_in_dim3A_632 : i32 to vector<16xi32>
          %gather3A_634 = tpu.vector_load_idx %arg15[%broadcast_in_dim3A_633, %get3A_495] : memref<16x2304xf32, #tpu.memory_space<vmem>>[vector<16xi32>, vector<16xi32>], vector<16xf32>,
          %broadcast_in_dim3A_635 = arith.constant 13 : i32
          %broadcast_in_dim3A_636 = vector.broadcast %broadcast_in_dim3A_635 : i32 to vector<16xi32>
          %gather3A_637 = tpu.vector_load_idx %arg15[%broadcast_in_dim3A_636, %get3A_497] : memref<16x2304xf32, #tpu.memory_space<vmem>>[vector<16xi32>, vector<16xi32>], vector<16xf32>,
          %mul3A_638 = arith.mulf %gather3A_360, %gather3A_628 : vector<16xf32>
          %mul3A_639 = arith.mulf %gather3A_456, %gather3A_634 : vector<16xf32>
          %add3A_640 = arith.addf %mul3A_638, %mul3A_639 : vector<16xf32>
          %mul3A_641 = arith.mulf %gather3A_360, %gather3A_631 : vector<16xf32>
          %mul3A_642 = arith.mulf %gather3A_456, %gather3A_637 : vector<16xf32>
          %add3A_643 = arith.addf %mul3A_641, %mul3A_642 : vector<16xf32>
          %mul3A_644 = arith.mulf %get3A_499, %add3A_640 : vector<16xf32>
          %mul3A_645 = arith.mulf %get3A_501, %add3A_643 : vector<16xf32>
          %add3A_646 = arith.addf %mul3A_644, %mul3A_645 : vector<16xf32>
          %swap3A_647 = arith.constant 5 : i32
          %swap3A_648 = arith.index_cast %swap3A_647 : i32 to index
          %swap3A_649 = arith.index_cast %mul3A_493 : i32 to index
          %swap3A_650 = tpu.vector_load %arg17[%swap3A_648, %swap3A_649] {strides = array<i32>} : memref<8x2304xf32, #tpu.memory_space<vmem>>, vector<16xf32>,
          tpu.vector_store %arg17[%swap3A_648, %swap3A_649], %add3A_646 {strides = array<i32>} : memref<8x2304xf32, #tpu.memory_space<vmem>>, vector<16xf32>,
          %broadcast_in_dim3A_651 = arith.constant 6 : i32
          %broadcast_in_dim3A_652 = vector.broadcast %broadcast_in_dim3A_651 : i32 to vector<16xi32>
          %gather3A_653 = tpu.vector_load_idx %arg15[%broadcast_in_dim3A_652, %get3A_495] : memref<16x2304xf32, #tpu.memory_space<vmem>>[vector<16xi32>, vector<16xi32>], vector<16xf32>,
          %broadcast_in_dim3A_654 = arith.constant 6 : i32
          %broadcast_in_dim3A_655 = vector.broadcast %broadcast_in_dim3A_654 : i32 to vector<16xi32>
          %gather3A_656 = tpu.vector_load_idx %arg15[%broadcast_in_dim3A_655, %get3A_497] : memref<16x2304xf32, #tpu.memory_space<vmem>>[vector<16xi32>, vector<16xi32>], vector<16xf32>,
          %broadcast_in_dim3A_657 = arith.constant 14 : i32
          %broadcast_in_dim3A_658 = vector.broadcast %broadcast_in_dim3A_657 : i32 to vector<16xi32>
          %gather3A_659 = tpu.vector_load_idx %arg15[%broadcast_in_dim3A_658, %get3A_495] : memref<16x2304xf32, #tpu.memory_space<vmem>>[vector<16xi32>, vector<16xi32>], vector<16xf32>,
          %broadcast_in_dim3A_660 = arith.constant 14 : i32
          %broadcast_in_dim3A_661 = vector.broadcast %broadcast_in_dim3A_660 : i32 to vector<16xi32>
          %gather3A_662 = tpu.vector_load_idx %arg15[%broadcast_in_dim3A_661, %get3A_497] : memref<16x2304xf32, #tpu.memory_space<vmem>>[vector<16xi32>, vector<16xi32>], vector<16xf32>,
          %mul3A_663 = arith.mulf %gather3A_372, %gather3A_653 : vector<16xf32>
          %mul3A_664 = arith.mulf %gather3A_468, %gather3A_659 : vector<16xf32>
          %add3A_665 = arith.addf %mul3A_663, %mul3A_664 : vector<16xf32>
          %mul3A_666 = arith.mulf %gather3A_372, %gather3A_656 : vector<16xf32>
          %mul3A_667 = arith.mulf %gather3A_468, %gather3A_662 : vector<16xf32>
          %add3A_668 = arith.addf %mul3A_666, %mul3A_667 : vector<16xf32>
          %mul3A_669 = arith.mulf %get3A_499, %add3A_665 : vector<16xf32>
          %mul3A_670 = arith.mulf %get3A_501, %add3A_668 : vector<16xf32>
          %add3A_671 = arith.addf %mul3A_669, %mul3A_670 : vector<16xf32>
          %swap3A_672 = arith.constant 6 : i32
          %swap3A_673 = arith.index_cast %swap3A_672 : i32 to index
          %swap3A_674 = arith.index_cast %mul3A_493 : i32 to index
          %swap3A_675 = tpu.vector_load %arg17[%swap3A_673, %swap3A_674] {strides = array<i32>} : memref<8x2304xf32, #tpu.memory_space<vmem>>, vector<16xf32>,
          tpu.vector_store %arg17[%swap3A_673, %swap3A_674], %add3A_671 {strides = array<i32>} : memref<8x2304xf32, #tpu.memory_space<vmem>>, vector<16xf32>,
          %broadcast_in_dim3A_676 = arith.constant 7 : i32
          %broadcast_in_dim3A_677 = vector.broadcast %broadcast_in_dim3A_676 : i32 to vector<16xi32>
          %gather3A_678 = tpu.vector_load_idx %arg15[%broadcast_in_dim3A_677, %get3A_495] : memref<16x2304xf32, #tpu.memory_space<vmem>>[vector<16xi32>, vector<16xi32>], vector<16xf32>,
          %broadcast_in_dim3A_679 = arith.constant 7 : i32
          %broadcast_in_dim3A_680 = vector.broadcast %broadcast_in_dim3A_679 : i32 to vector<16xi32>
          %gather3A_681 = tpu.vector_load_idx %arg15[%broadcast_in_dim3A_680, %get3A_497] : memref<16x2304xf32, #tpu.memory_space<vmem>>[vector<16xi32>, vector<16xi32>], vector<16xf32>,
          %broadcast_in_dim3A_682 = arith.constant 15 : i32
          %broadcast_in_dim3A_683 = vector.broadcast %broadcast_in_dim3A_682 : i32 to vector<16xi32>
          %gather3A_684 = tpu.vector_load_idx %arg15[%broadcast_in_dim3A_683, %get3A_495] : memref<16x2304xf32, #tpu.memory_space<vmem>>[vector<16xi32>, vector<16xi32>], vector<16xf32>,
          %broadcast_in_dim3A_685 = arith.constant 15 : i32
          %broadcast_in_dim3A_686 = vector.broadcast %broadcast_in_dim3A_685 : i32 to vector<16xi32>
          %gather3A_687 = tpu.vector_load_idx %arg15[%broadcast_in_dim3A_686, %get3A_497] : memref<16x2304xf32, #tpu.memory_space<vmem>>[vector<16xi32>, vector<16xi32>], vector<16xf32>,
          %mul3A_688 = arith.mulf %gather3A_384, %gather3A_678 : vector<16xf32>
          %mul3A_689 = arith.mulf %gather3A_480, %gather3A_684 : vector<16xf32>
          %add3A_690 = arith.addf %mul3A_688, %mul3A_689 : vector<16xf32>
          %mul3A_691 = arith.mulf %gather3A_384, %gather3A_681 : vector<16xf32>
          %mul3A_692 = arith.mulf %gather3A_480, %gather3A_687 : vector<16xf32>
          %add3A_693 = arith.addf %mul3A_691, %mul3A_692 : vector<16xf32>
          %mul3A_694 = arith.mulf %get3A_499, %add3A_690 : vector<16xf32>
          %mul3A_695 = arith.mulf %get3A_501, %add3A_693 : vector<16xf32>
          %add3A_696 = arith.addf %mul3A_694, %mul3A_695 : vector<16xf32>
          %swap3A_697 = arith.constant 7 : i32
          %swap3A_698 = arith.index_cast %swap3A_697 : i32 to index
          %swap3A_699 = arith.index_cast %mul3A_493 : i32 to index
          %swap3A_700 = tpu.vector_load %arg17[%swap3A_698, %swap3A_699] {strides = array<i32>} : memref<8x2304xf32, #tpu.memory_space<vmem>>, vector<16xf32>,
          tpu.vector_store %arg17[%swap3A_698, %swap3A_699], %add3A_696 {strides = array<i32>} : memref<8x2304xf32, #tpu.memory_space<vmem>>, vector<16xf32>,
        }
        %scan3A_486 = arith.constant 144 : i32
        %dma_start3A_487 = arith.constant 0 : i32
        %dma_start3A_488 = tpu.memref_slice %arg4[%add3A_278, %dma_start3A_487] : memref<2304x2304xf32, #tpu.memory_space<hbm>> -> memref<8x2304xf32, #tpu.memory_space<hbm>>
        %dma_start3A_489 = arith.constant 0 : i32
        %dma_start3A_490 = tpu.memref_slice %arg4[%add3A_278, %dma_start3A_489] : memref<2304x2304xf32, #tpu.memory_space<hbm>> -> memref<8x2304xf32, #tpu.memory_space<hbm>>
        tpu.enqueue_dma source(%arg17 : memref<8x2304xf32, #tpu.memory_space<vmem>>) target(%dma_start3A_490 : memref<8x2304xf32, #tpu.memory_space<hbm>>) target_semaphore(%arg21 : memref<!tpu.dma_semaphore, #tpu.memory_space<semaphore_mem>>)
      } else {
      }
    }
    %scan3A_16 = arith.constant 5 : i32
    %mul3A_17 = arith.constant 72 : i32
    %mul3A_18 = arith.muli %add3A, %mul3A_17 : i32
    %add3A_19 = arith.constant 64 : i32
    %add3A_20 = arith.addi %mul3A_18, %add3A_19 : i32
    %mul3A_21 = arith.constant 72 : i32
    %mul3A_22 = arith.muli %add3A, %mul3A_21 : i32
    %add3A_23 = arith.constant 56 : i32
    %add3A_24 = arith.addi %mul3A_22, %add3A_23 : i32
    %dma_wait3A = arith.constant 0 : i32
    %dma_wait3A_25 = tpu.memref_slice %arg4[%add3A_20, %dma_wait3A] : memref<2304x2304xf32, #tpu.memory_space<hbm>> -> memref<8x2304xf32, #tpu.memory_space<hbm>>
    %dma_wait3A_26 = arith.constant 0 : i32
    %dma_wait3A_27 = tpu.memref_slice %arg4[%add3A_20, %dma_wait3A_26] : memref<2304x2304xf32, #tpu.memory_space<hbm>> -> memref<8x2304xf32, #tpu.memory_space<hbm>>
    tpu.wait_dma2 semaphore(%arg20 : memref<!tpu.dma_semaphore, #tpu.memory_space<semaphore_mem>>) src(%arg16 : memref<8x2304xf32, #tpu.memory_space<vmem>>) dst(%dma_wait3A_27 : memref<8x2304xf32, #tpu.memory_space<hbm>>)
    %dma_wait3A_28 = arith.constant 0 : i32
    %dma_wait3A_29 = tpu.memref_slice %arg4[%add3A_24, %dma_wait3A_28] : memref<2304x2304xf32, #tpu.memory_space<hbm>> -> memref<8x2304xf32, #tpu.memory_space<hbm>>
    %dma_wait3A_30 = arith.constant 0 : i32
    %dma_wait3A_31 = tpu.memref_slice %arg4[%add3A_24, %dma_wait3A_30] : memref<2304x2304xf32, #tpu.memory_space<hbm>> -> memref<8x2304xf32, #tpu.memory_space<hbm>>
    tpu.wait_dma2 semaphore(%arg21 : memref<!tpu.dma_semaphore, #tpu.memory_space<semaphore_mem>>) src(%arg17 : memref<8x2304xf32, #tpu.memory_space<vmem>>) dst(%dma_wait3A_31 : memref<8x2304xf32, #tpu.memory_space<hbm>>)
    return
  }
}

module attributes {stable_mosaic.version = 14 : i64} {
  func.func @_tc_body(%arg0: i32, %arg1: i32, %arg2: memref<1xf32, #tpu.memory_space<smem>>, %arg3: memref<1x1x48x2304xf32, #tpu.memory_space<vmem>>, %arg4: memref<1x1x48x2304xf32, #tpu.memory_space<vmem>>, %arg5: memref<1x1x48x2304xf32, #tpu.memory_space<vmem>>, %arg6: memref<1x1x48x2304xf32, #tpu.memory_space<vmem>>, %arg7: memref<144x2304xf32, #tpu.memory_space<vmem>>, %arg8: memref<48x2400xf32, #tpu.memory_space<vmem>>) attributes {dimension_semantics = [#tpu.dimension_semantics<arbitrary>, #tpu.dimension_semantics<arbitrary>], iteration_bounds = array<i64: 3, 32>, scalar_prefetch = 0 : i64, scratch_operands = 2 : i64, tpu.core_type = #tpu.core_type<tc>, window_params = [{transform_indices = @transform_0, window_bounds = array<i64: 1>}, {transform_indices = @transform_1, window_bounds = array<i64: 1, 1, 48, 2304>}, {transform_indices = @transform_2, window_bounds = array<i64: 1, 1, 48, 2304>}, {transform_indices = @transform_3, window_bounds = array<i64: 1, 1, 48, 2304>}, {transform_indices = @transform_4, window_bounds = array<i64: 1, 1, 48, 2304>}]} {
    %get3A = arith.constant 0 : index
    %get3A_0 = memref.load %arg2[%get3A] : memref<1xf32, #tpu.memory_space<smem>>
    %get3A_1 = arith.constant 0 : index
    %get3A_2 = arith.constant 0 : index
    %get3A_3 = arith.constant 0 : index
    %get3A_4 = arith.constant 0 : index
    %get3A_5 = vector.load %arg3[%get3A_1, %get3A_2, %get3A_3, %get3A_4] : memref<1x1x48x2304xf32, #tpu.memory_space<vmem>>, vector<1x1x48x2304xf32>
    %get3A_6 = vector.shape_cast %get3A_5 : vector<1x1x48x2304xf32> to vector<48x2304xf32>
    %swap3A = arith.constant 0 : index
    %swap3A_7 = arith.constant 0 : index
    %swap3A_8 = vector.load %arg7[%swap3A, %swap3A_7] : memref<144x2304xf32, #tpu.memory_space<vmem>>, vector<48x2304xf32>
    tpu.vector_store %arg7[%swap3A, %swap3A_7], %get3A_6 {strides = array<i32>} : memref<144x2304xf32, #tpu.memory_space<vmem>>, vector<48x2304xf32>,
    %get3A_9 = arith.constant 0 : index
    %get3A_10 = arith.constant 0 : index
    %get3A_11 = arith.constant 0 : index
    %get3A_12 = arith.constant 0 : index
    %get3A_13 = vector.load %arg4[%get3A_9, %get3A_10, %get3A_11, %get3A_12] : memref<1x1x48x2304xf32, #tpu.memory_space<vmem>>, vector<1x1x48x2304xf32>
    %get3A_14 = vector.shape_cast %get3A_13 : vector<1x1x48x2304xf32> to vector<48x2304xf32>
    %swap3A_15 = arith.constant 48 : index
    %swap3A_16 = arith.constant 0 : index
    %swap3A_17 = vector.load %arg7[%swap3A_15, %swap3A_16] : memref<144x2304xf32, #tpu.memory_space<vmem>>, vector<48x2304xf32>
    tpu.vector_store %arg7[%swap3A_15, %swap3A_16], %get3A_14 {strides = array<i32>} : memref<144x2304xf32, #tpu.memory_space<vmem>>, vector<48x2304xf32>,
    %get3A_18 = arith.constant 0 : index
    %get3A_19 = arith.constant 0 : index
    %get3A_20 = arith.constant 0 : index
    %get3A_21 = arith.constant 0 : index
    %get3A_22 = vector.load %arg5[%get3A_18, %get3A_19, %get3A_20, %get3A_21] : memref<1x1x48x2304xf32, #tpu.memory_space<vmem>>, vector<1x1x48x2304xf32>
    %get3A_23 = vector.shape_cast %get3A_22 : vector<1x1x48x2304xf32> to vector<48x2304xf32>
    %swap3A_24 = arith.constant 96 : index
    %swap3A_25 = arith.constant 0 : index
    %swap3A_26 = vector.load %arg7[%swap3A_24, %swap3A_25] : memref<144x2304xf32, #tpu.memory_space<vmem>>, vector<48x2304xf32>
    tpu.vector_store %arg7[%swap3A_24, %swap3A_25], %get3A_23 {strides = array<i32>} : memref<144x2304xf32, #tpu.memory_space<vmem>>, vector<48x2304xf32>,
    %iota3A = tpu.iota {dimensions = array<i32: 0>} : vector<48x1xi32>
    %add3A = arith.constant 768 : i32
    %add3A_27 = vector.broadcast %add3A : i32 to vector<48x1xi32>
    %add3A_28 = arith.addi %iota3A, %add3A_27 : vector<48x1xi32>
    %mul3A = arith.constant 48 : i32
    %mul3A_29 = arith.muli %arg1, %mul3A : i32
    %add3A_30 = vector.broadcast %mul3A_29 : i32 to vector<48x1xi32>
    %add3A_31 = arith.addi %add3A_28, %add3A_30 : vector<48x1xi32>
    %iota3A_32 = tpu.iota {dimensions = array<i32: 1>} : vector<1x2304xi32>
    %broadcast_in_dim3A = arith.constant 0.000000e+00 : f32
    %broadcast_in_dim3A_33 = vector.broadcast %broadcast_in_dim3A : f32 to vector<48x2304xf32>
    %jit3A = arith.constant 9 : i32
    %eq3A = arith.constant 0 : i32
    %eq3A_34 = arith.cmpi eq, %jit3A, %eq3A : i32
    %jit3A_35 = arith.constant 1 : i32
    %select_n3A = arith.select %eq3A_34, %jit3A_35, %jit3A : i32
    %rem3A = vector.broadcast %select_n3A : i32 to vector<48x1xi32>
    %rem3A_36 = arith.remsi %add3A_31, %rem3A : vector<48x1xi32>
    %ne3A = arith.constant 0 : i32
    %ne3A_37 = vector.broadcast %ne3A : i32 to vector<48x1xi32>
    %ne3A_38 = arith.cmpi ne, %rem3A_36, %ne3A_37 : vector<48x1xi32>
    %lt3A = arith.constant 0 : i32
    %lt3A_39 = vector.broadcast %lt3A : i32 to vector<48x1xi32>
    %lt3A_40 = arith.cmpi slt, %rem3A_36, %lt3A_39 : vector<48x1xi32>
    %lt3A_41 = arith.constant 0 : i32
    %lt3A_42 = arith.cmpi slt, %select_n3A, %lt3A_41 : i32
    %ne3A_43 = vector.broadcast %lt3A_42 : i1 to vector<48x1xi1>
    %ne3A_44 = vector.broadcast %ne3A_43 : vector<48x1xi1> to vector<48x1xi1>
    %ne3A_45 = arith.xori %lt3A_40, %ne3A_44 : vector<48x1xi1>
    %and3A = arith.andi %ne3A_45, %ne3A_38 : vector<48x1xi1>
    %add3A_46 = vector.broadcast %select_n3A : i32 to vector<48x1xi32>
    %add3A_47 = arith.addi %rem3A_36, %add3A_46 : vector<48x1xi32>
    %select_n3A_48 = arith.select %and3A, %add3A_47, %rem3A_36 : vector<48x1xi1>, vector<48x1xi32>
    %jit3A_49 = arith.constant 9 : i32
    %div3A = vector.broadcast %jit3A_49 : i32 to vector<48x1xi32>
    %div3A_50 = arith.divsi %add3A_31, %div3A : vector<48x1xi32>
    %sign3A = arith.constant 0 : i32
    %sign3A_51 = vector.broadcast %sign3A : i32 to vector<48x1xi32>
    %sign3A_52 = arith.cmpi sgt, %add3A_31, %sign3A_51 : vector<48x1xi32>
    %sign3A_53 = arith.extui %sign3A_52 : vector<48x1xi1> to vector<48x1xi32>
    %sign3A_54 = arith.constant 0 : i32
    %sign3A_55 = vector.broadcast %sign3A_54 : i32 to vector<48x1xi32>
    %sign3A_56 = arith.cmpi slt, %add3A_31, %sign3A_55 : vector<48x1xi32>
    %sign3A_57 = arith.extui %sign3A_56 : vector<48x1xi1> to vector<48x1xi32>
    %sign3A_58 = arith.subi %sign3A_53, %sign3A_57 : vector<48x1xi32>
    %sign3A_59 = arith.constant 0 : i32
    %sign3A_60 = arith.cmpi sgt, %jit3A_49, %sign3A_59 : i32
    %sign3A_61 = arith.extui %sign3A_60 : i1 to i32
    %sign3A_62 = arith.constant 0 : i32
    %sign3A_63 = arith.cmpi slt, %jit3A_49, %sign3A_62 : i32
    %sign3A_64 = arith.extui %sign3A_63 : i1 to i32
    %sign3A_65 = arith.subi %sign3A_61, %sign3A_64 : i32
    %ne3A_66 = vector.broadcast %sign3A_65 : i32 to vector<48x1xi32>
    %ne3A_67 = arith.cmpi ne, %sign3A_58, %ne3A_66 : vector<48x1xi32>
    %rem3A_68 = vector.broadcast %jit3A_49 : i32 to vector<48x1xi32>
    %rem3A_69 = arith.remsi %add3A_31, %rem3A_68 : vector<48x1xi32>
    %ne3A_70 = arith.constant 0 : i32
    %ne3A_71 = vector.broadcast %ne3A_70 : i32 to vector<48x1xi32>
    %ne3A_72 = arith.cmpi ne, %rem3A_69, %ne3A_71 : vector<48x1xi32>
    %and3A_73 = arith.andi %ne3A_67, %ne3A_72 : vector<48x1xi1>
    %sub3A = arith.constant 1 : i32
    %sub3A_74 = vector.broadcast %sub3A : i32 to vector<48x1xi32>
    %sub3A_75 = arith.subi %div3A_50, %sub3A_74 : vector<48x1xi32>
    %select_n3A_76 = arith.select %and3A_73, %sub3A_75, %div3A_50 : vector<48x1xi1>, vector<48x1xi32>
    %neg3A = arith.constant 0.000000e+00 : f32
    %neg3A_77 = arith.subf %neg3A, %get3A_0 : f32
    %sub3A_78 = arith.constant 4 : i32
    %sub3A_79 = vector.broadcast %sub3A_78 : i32 to vector<48x1xi32>
    %sub3A_80 = arith.subi %select_n3A_48, %sub3A_79 : vector<48x1xi32>
    %convert_element_type3A = arith.sitofp %sub3A_80 : vector<48x1xi32> to vector<48x1xf32>
    %mul3A_81 = vector.broadcast %neg3A_77 : f32 to vector<48x1xf32>
    %mul3A_82 = arith.mulf %mul3A_81, %convert_element_type3A : vector<48x1xf32>
    %floor3A = math.floor %mul3A_82 : vector<48x1xf32>
    %sub3A_83 = arith.subf %mul3A_82, %floor3A : vector<48x1xf32>
    %convert_element_type3A_84 = arith.fptosi %floor3A : vector<48x1xf32> to vector<48x1xi32>
    %add3A_85 = arith.addi %select_n3A_76, %convert_element_type3A_84 : vector<48x1xi32>
    %jit3A_86 = arith.constant 0 : i32
    %jit3A_87 = arith.constant 255 : i32
    %max3A = vector.broadcast %jit3A_86 : i32 to vector<48x1xi32>
    %max3A_88 = arith.maxsi %max3A, %add3A_85 : vector<48x1xi32>
    %min3A = vector.broadcast %jit3A_87 : i32 to vector<48x1xi32>
    %min3A_89 = arith.minsi %min3A, %max3A_88 : vector<48x1xi32>
    %sub3A_90 = arith.subi %min3A_89, %select_n3A_76 : vector<48x1xi32>
    %add3A_91 = arith.addi %select_n3A_76, %convert_element_type3A_84 : vector<48x1xi32>
    %add3A_92 = arith.constant 1 : i32
    %add3A_93 = vector.broadcast %add3A_92 : i32 to vector<48x1xi32>
    %add3A_94 = arith.addi %add3A_91, %add3A_93 : vector<48x1xi32>
    %jit3A_95 = arith.constant 0 : i32
    %jit3A_96 = arith.constant 255 : i32
    %max3A_97 = vector.broadcast %jit3A_95 : i32 to vector<48x1xi32>
    %max3A_98 = arith.maxsi %max3A_97, %add3A_94 : vector<48x1xi32>
    %min3A_99 = vector.broadcast %jit3A_96 : i32 to vector<48x1xi32>
    %min3A_100 = arith.minsi %min3A_99, %max3A_98 : vector<48x1xi32>
    %sub3A_101 = arith.subi %min3A_100, %select_n3A_76 : vector<48x1xi32>
    %eq3A_102 = arith.constant -2 : i32
    %eq3A_103 = vector.broadcast %eq3A_102 : i32 to vector<48x1xi32>
    %eq3A_104 = arith.cmpi eq, %sub3A_90, %eq3A_103 : vector<48x1xi32>
    %sub3A_105 = arith.constant 1.000000e+00 : f32
    %sub3A_106 = vector.broadcast %sub3A_105 : f32 to vector<48x1xf32>
    %sub3A_107 = arith.subf %sub3A_106, %sub3A_83 : vector<48x1xf32>
    %jit3A_108 = arith.constant 0.000000e+00 : f32
    %broadcast_in_dim3A_109 = vector.broadcast %jit3A_108 : f32 to vector<48x1xf32>
    %select_n3A_110 = arith.select %eq3A_104, %sub3A_107, %broadcast_in_dim3A_109 : vector<48x1xi1>, vector<48x1xf32>
    %eq3A_111 = arith.constant -2 : i32
    %eq3A_112 = vector.broadcast %eq3A_111 : i32 to vector<48x1xi32>
    %eq3A_113 = arith.cmpi eq, %sub3A_101, %eq3A_112 : vector<48x1xi32>
    %jit3A_114 = arith.constant 0.000000e+00 : f32
    %broadcast_in_dim3A_115 = vector.broadcast %jit3A_114 : f32 to vector<48x1xf32>
    %select_n3A_116 = arith.select %eq3A_113, %sub3A_83, %broadcast_in_dim3A_115 : vector<48x1xi1>, vector<48x1xf32>
    %add3A_117 = arith.addf %select_n3A_110, %select_n3A_116 : vector<48x1xf32>
    %get3A_118 = arith.constant 30 : index
    %get3A_119 = arith.constant 0 : index
    %get3A_120 = vector.load %arg7[%get3A_118, %get3A_119] : memref<144x2304xf32, #tpu.memory_space<vmem>>, vector<48x2304xf32>
    %mul3A_121 = vector.broadcast %add3A_117 : vector<48x1xf32> to vector<48x2304xf32>
    %mul3A_122 = arith.mulf %mul3A_121, %get3A_120 : vector<48x2304xf32>
    %add3A_123 = arith.addf %broadcast_in_dim3A_33, %mul3A_122 : vector<48x2304xf32>
    %jit3A_124 = arith.constant 9 : i32
    %eq3A_125 = arith.constant 0 : i32
    %eq3A_126 = arith.cmpi eq, %jit3A_124, %eq3A_125 : i32
    %jit3A_127 = arith.constant 1 : i32
    %select_n3A_128 = arith.select %eq3A_126, %jit3A_127, %jit3A_124 : i32
    %rem3A_129 = vector.broadcast %select_n3A_128 : i32 to vector<48x1xi32>
    %rem3A_130 = arith.remsi %add3A_31, %rem3A_129 : vector<48x1xi32>
    %ne3A_131 = arith.constant 0 : i32
    %ne3A_132 = vector.broadcast %ne3A_131 : i32 to vector<48x1xi32>
    %ne3A_133 = arith.cmpi ne, %rem3A_130, %ne3A_132 : vector<48x1xi32>
    %lt3A_134 = arith.constant 0 : i32
    %lt3A_135 = vector.broadcast %lt3A_134 : i32 to vector<48x1xi32>
    %lt3A_136 = arith.cmpi slt, %rem3A_130, %lt3A_135 : vector<48x1xi32>
    %lt3A_137 = arith.constant 0 : i32
    %lt3A_138 = arith.cmpi slt, %select_n3A_128, %lt3A_137 : i32
    %ne3A_139 = vector.broadcast %lt3A_138 : i1 to vector<48x1xi1>
    %ne3A_140 = vector.broadcast %ne3A_139 : vector<48x1xi1> to vector<48x1xi1>
    %ne3A_141 = arith.xori %lt3A_136, %ne3A_140 : vector<48x1xi1>
    %and3A_142 = arith.andi %ne3A_141, %ne3A_133 : vector<48x1xi1>
    %add3A_143 = vector.broadcast %select_n3A_128 : i32 to vector<48x1xi32>
    %add3A_144 = arith.addi %rem3A_130, %add3A_143 : vector<48x1xi32>
    %select_n3A_145 = arith.select %and3A_142, %add3A_144, %rem3A_130 : vector<48x1xi1>, vector<48x1xi32>
    %jit3A_146 = arith.constant 9 : i32
    %div3A_147 = vector.broadcast %jit3A_146 : i32 to vector<48x1xi32>
    %div3A_148 = arith.divsi %add3A_31, %div3A_147 : vector<48x1xi32>
    %sign3A_149 = arith.constant 0 : i32
    %sign3A_150 = vector.broadcast %sign3A_149 : i32 to vector<48x1xi32>
    %sign3A_151 = arith.cmpi sgt, %add3A_31, %sign3A_150 : vector<48x1xi32>
    %sign3A_152 = arith.extui %sign3A_151 : vector<48x1xi1> to vector<48x1xi32>
    %sign3A_153 = arith.constant 0 : i32
    %sign3A_154 = vector.broadcast %sign3A_153 : i32 to vector<48x1xi32>
    %sign3A_155 = arith.cmpi slt, %add3A_31, %sign3A_154 : vector<48x1xi32>
    %sign3A_156 = arith.extui %sign3A_155 : vector<48x1xi1> to vector<48x1xi32>
    %sign3A_157 = arith.subi %sign3A_152, %sign3A_156 : vector<48x1xi32>
    %sign3A_158 = arith.constant 0 : i32
    %sign3A_159 = arith.cmpi sgt, %jit3A_146, %sign3A_158 : i32
    %sign3A_160 = arith.extui %sign3A_159 : i1 to i32
    %sign3A_161 = arith.constant 0 : i32
    %sign3A_162 = arith.cmpi slt, %jit3A_146, %sign3A_161 : i32
    %sign3A_163 = arith.extui %sign3A_162 : i1 to i32
    %sign3A_164 = arith.subi %sign3A_160, %sign3A_163 : i32
    %ne3A_165 = vector.broadcast %sign3A_164 : i32 to vector<48x1xi32>
    %ne3A_166 = arith.cmpi ne, %sign3A_157, %ne3A_165 : vector<48x1xi32>
    %rem3A_167 = vector.broadcast %jit3A_146 : i32 to vector<48x1xi32>
    %rem3A_168 = arith.remsi %add3A_31, %rem3A_167 : vector<48x1xi32>
    %ne3A_169 = arith.constant 0 : i32
    %ne3A_170 = vector.broadcast %ne3A_169 : i32 to vector<48x1xi32>
    %ne3A_171 = arith.cmpi ne, %rem3A_168, %ne3A_170 : vector<48x1xi32>
    %and3A_172 = arith.andi %ne3A_166, %ne3A_171 : vector<48x1xi1>
    %sub3A_173 = arith.constant 1 : i32
    %sub3A_174 = vector.broadcast %sub3A_173 : i32 to vector<48x1xi32>
    %sub3A_175 = arith.subi %div3A_148, %sub3A_174 : vector<48x1xi32>
    %select_n3A_176 = arith.select %and3A_172, %sub3A_175, %div3A_148 : vector<48x1xi1>, vector<48x1xi32>
    %neg3A_177 = arith.constant 0.000000e+00 : f32
    %neg3A_178 = arith.subf %neg3A_177, %get3A_0 : f32
    %sub3A_179 = arith.constant 4 : i32
    %sub3A_180 = vector.broadcast %sub3A_179 : i32 to vector<48x1xi32>
    %sub3A_181 = arith.subi %select_n3A_145, %sub3A_180 : vector<48x1xi32>
    %convert_element_type3A_182 = arith.sitofp %sub3A_181 : vector<48x1xi32> to vector<48x1xf32>
    %mul3A_183 = vector.broadcast %neg3A_178 : f32 to vector<48x1xf32>
    %mul3A_184 = arith.mulf %mul3A_183, %convert_element_type3A_182 : vector<48x1xf32>
    %floor3A_185 = math.floor %mul3A_184 : vector<48x1xf32>
    %sub3A_186 = arith.subf %mul3A_184, %floor3A_185 : vector<48x1xf32>
    %convert_element_type3A_187 = arith.fptosi %floor3A_185 : vector<48x1xf32> to vector<48x1xi32>
    %add3A_188 = arith.addi %select_n3A_176, %convert_element_type3A_187 : vector<48x1xi32>
    %jit3A_189 = arith.constant 0 : i32
    %jit3A_190 = arith.constant 255 : i32
    %max3A_191 = vector.broadcast %jit3A_189 : i32 to vector<48x1xi32>
    %max3A_192 = arith.maxsi %max3A_191, %add3A_188 : vector<48x1xi32>
    %min3A_193 = vector.broadcast %jit3A_190 : i32 to vector<48x1xi32>
    %min3A_194 = arith.minsi %min3A_193, %max3A_192 : vector<48x1xi32>
    %sub3A_195 = arith.subi %min3A_194, %select_n3A_176 : vector<48x1xi32>
    %add3A_196 = arith.addi %select_n3A_176, %convert_element_type3A_187 : vector<48x1xi32>
    %add3A_197 = arith.constant 1 : i32
    %add3A_198 = vector.broadcast %add3A_197 : i32 to vector<48x1xi32>
    %add3A_199 = arith.addi %add3A_196, %add3A_198 : vector<48x1xi32>
    %jit3A_200 = arith.constant 0 : i32
    %jit3A_201 = arith.constant 255 : i32
    %max3A_202 = vector.broadcast %jit3A_200 : i32 to vector<48x1xi32>
    %max3A_203 = arith.maxsi %max3A_202, %add3A_199 : vector<48x1xi32>
    %min3A_204 = vector.broadcast %jit3A_201 : i32 to vector<48x1xi32>
    %min3A_205 = arith.minsi %min3A_204, %max3A_203 : vector<48x1xi32>
    %sub3A_206 = arith.subi %min3A_205, %select_n3A_176 : vector<48x1xi32>
    %eq3A_207 = arith.constant -1 : i32
    %eq3A_208 = vector.broadcast %eq3A_207 : i32 to vector<48x1xi32>
    %eq3A_209 = arith.cmpi eq, %sub3A_195, %eq3A_208 : vector<48x1xi32>
    %sub3A_210 = arith.constant 1.000000e+00 : f32
    %sub3A_211 = vector.broadcast %sub3A_210 : f32 to vector<48x1xf32>
    %sub3A_212 = arith.subf %sub3A_211, %sub3A_186 : vector<48x1xf32>
    %jit3A_213 = arith.constant 0.000000e+00 : f32
    %broadcast_in_dim3A_214 = vector.broadcast %jit3A_213 : f32 to vector<48x1xf32>
    %select_n3A_215 = arith.select %eq3A_209, %sub3A_212, %broadcast_in_dim3A_214 : vector<48x1xi1>, vector<48x1xf32>
    %eq3A_216 = arith.constant -1 : i32
    %eq3A_217 = vector.broadcast %eq3A_216 : i32 to vector<48x1xi32>
    %eq3A_218 = arith.cmpi eq, %sub3A_206, %eq3A_217 : vector<48x1xi32>
    %jit3A_219 = arith.constant 0.000000e+00 : f32
    %broadcast_in_dim3A_220 = vector.broadcast %jit3A_219 : f32 to vector<48x1xf32>
    %select_n3A_221 = arith.select %eq3A_218, %sub3A_186, %broadcast_in_dim3A_220 : vector<48x1xi1>, vector<48x1xf32>
    %add3A_222 = arith.addf %select_n3A_215, %select_n3A_221 : vector<48x1xf32>
    %get3A_223 = arith.constant 39 : index
    %get3A_224 = arith.constant 0 : index
    %get3A_225 = vector.load %arg7[%get3A_223, %get3A_224] : memref<144x2304xf32, #tpu.memory_space<vmem>>, vector<48x2304xf32>
    %mul3A_226 = vector.broadcast %add3A_222 : vector<48x1xf32> to vector<48x2304xf32>
    %mul3A_227 = arith.mulf %mul3A_226, %get3A_225 : vector<48x2304xf32>
    %add3A_228 = arith.addf %add3A_123, %mul3A_227 : vector<48x2304xf32>
    %jit3A_229 = arith.constant 9 : i32
    %eq3A_230 = arith.constant 0 : i32
    %eq3A_231 = arith.cmpi eq, %jit3A_229, %eq3A_230 : i32
    %jit3A_232 = arith.constant 1 : i32
    %select_n3A_233 = arith.select %eq3A_231, %jit3A_232, %jit3A_229 : i32
    %rem3A_234 = vector.broadcast %select_n3A_233 : i32 to vector<48x1xi32>
    %rem3A_235 = arith.remsi %add3A_31, %rem3A_234 : vector<48x1xi32>
    %ne3A_236 = arith.constant 0 : i32
    %ne3A_237 = vector.broadcast %ne3A_236 : i32 to vector<48x1xi32>
    %ne3A_238 = arith.cmpi ne, %rem3A_235, %ne3A_237 : vector<48x1xi32>
    %lt3A_239 = arith.constant 0 : i32
    %lt3A_240 = vector.broadcast %lt3A_239 : i32 to vector<48x1xi32>
    %lt3A_241 = arith.cmpi slt, %rem3A_235, %lt3A_240 : vector<48x1xi32>
    %lt3A_242 = arith.constant 0 : i32
    %lt3A_243 = arith.cmpi slt, %select_n3A_233, %lt3A_242 : i32
    %ne3A_244 = vector.broadcast %lt3A_243 : i1 to vector<48x1xi1>
    %ne3A_245 = vector.broadcast %ne3A_244 : vector<48x1xi1> to vector<48x1xi1>
    %ne3A_246 = arith.xori %lt3A_241, %ne3A_245 : vector<48x1xi1>
    %and3A_247 = arith.andi %ne3A_246, %ne3A_238 : vector<48x1xi1>
    %add3A_248 = vector.broadcast %select_n3A_233 : i32 to vector<48x1xi32>
    %add3A_249 = arith.addi %rem3A_235, %add3A_248 : vector<48x1xi32>
    %select_n3A_250 = arith.select %and3A_247, %add3A_249, %rem3A_235 : vector<48x1xi1>, vector<48x1xi32>
    %jit3A_251 = arith.constant 9 : i32
    %div3A_252 = vector.broadcast %jit3A_251 : i32 to vector<48x1xi32>
    %div3A_253 = arith.divsi %add3A_31, %div3A_252 : vector<48x1xi32>
    %sign3A_254 = arith.constant 0 : i32
    %sign3A_255 = vector.broadcast %sign3A_254 : i32 to vector<48x1xi32>
    %sign3A_256 = arith.cmpi sgt, %add3A_31, %sign3A_255 : vector<48x1xi32>
    %sign3A_257 = arith.extui %sign3A_256 : vector<48x1xi1> to vector<48x1xi32>
    %sign3A_258 = arith.constant 0 : i32
    %sign3A_259 = vector.broadcast %sign3A_258 : i32 to vector<48x1xi32>
    %sign3A_260 = arith.cmpi slt, %add3A_31, %sign3A_259 : vector<48x1xi32>
    %sign3A_261 = arith.extui %sign3A_260 : vector<48x1xi1> to vector<48x1xi32>
    %sign3A_262 = arith.subi %sign3A_257, %sign3A_261 : vector<48x1xi32>
    %sign3A_263 = arith.constant 0 : i32
    %sign3A_264 = arith.cmpi sgt, %jit3A_251, %sign3A_263 : i32
    %sign3A_265 = arith.extui %sign3A_264 : i1 to i32
    %sign3A_266 = arith.constant 0 : i32
    %sign3A_267 = arith.cmpi slt, %jit3A_251, %sign3A_266 : i32
    %sign3A_268 = arith.extui %sign3A_267 : i1 to i32
    %sign3A_269 = arith.subi %sign3A_265, %sign3A_268 : i32
    %ne3A_270 = vector.broadcast %sign3A_269 : i32 to vector<48x1xi32>
    %ne3A_271 = arith.cmpi ne, %sign3A_262, %ne3A_270 : vector<48x1xi32>
    %rem3A_272 = vector.broadcast %jit3A_251 : i32 to vector<48x1xi32>
    %rem3A_273 = arith.remsi %add3A_31, %rem3A_272 : vector<48x1xi32>
    %ne3A_274 = arith.constant 0 : i32
    %ne3A_275 = vector.broadcast %ne3A_274 : i32 to vector<48x1xi32>
    %ne3A_276 = arith.cmpi ne, %rem3A_273, %ne3A_275 : vector<48x1xi32>
    %and3A_277 = arith.andi %ne3A_271, %ne3A_276 : vector<48x1xi1>
    %sub3A_278 = arith.constant 1 : i32
    %sub3A_279 = vector.broadcast %sub3A_278 : i32 to vector<48x1xi32>
    %sub3A_280 = arith.subi %div3A_253, %sub3A_279 : vector<48x1xi32>
    %select_n3A_281 = arith.select %and3A_277, %sub3A_280, %div3A_253 : vector<48x1xi1>, vector<48x1xi32>
    %neg3A_282 = arith.constant 0.000000e+00 : f32
    %neg3A_283 = arith.subf %neg3A_282, %get3A_0 : f32
    %sub3A_284 = arith.constant 4 : i32
    %sub3A_285 = vector.broadcast %sub3A_284 : i32 to vector<48x1xi32>
    %sub3A_286 = arith.subi %select_n3A_250, %sub3A_285 : vector<48x1xi32>
    %convert_element_type3A_287 = arith.sitofp %sub3A_286 : vector<48x1xi32> to vector<48x1xf32>
    %mul3A_288 = vector.broadcast %neg3A_283 : f32 to vector<48x1xf32>
    %mul3A_289 = arith.mulf %mul3A_288, %convert_element_type3A_287 : vector<48x1xf32>
    %floor3A_290 = math.floor %mul3A_289 : vector<48x1xf32>
    %sub3A_291 = arith.subf %mul3A_289, %floor3A_290 : vector<48x1xf32>
    %convert_element_type3A_292 = arith.fptosi %floor3A_290 : vector<48x1xf32> to vector<48x1xi32>
    %add3A_293 = arith.addi %select_n3A_281, %convert_element_type3A_292 : vector<48x1xi32>
    %jit3A_294 = arith.constant 0 : i32
    %jit3A_295 = arith.constant 255 : i32
    %max3A_296 = vector.broadcast %jit3A_294 : i32 to vector<48x1xi32>
    %max3A_297 = arith.maxsi %max3A_296, %add3A_293 : vector<48x1xi32>
    %min3A_298 = vector.broadcast %jit3A_295 : i32 to vector<48x1xi32>
    %min3A_299 = arith.minsi %min3A_298, %max3A_297 : vector<48x1xi32>
    %sub3A_300 = arith.subi %min3A_299, %select_n3A_281 : vector<48x1xi32>
    %add3A_301 = arith.addi %select_n3A_281, %convert_element_type3A_292 : vector<48x1xi32>
    %add3A_302 = arith.constant 1 : i32
    %add3A_303 = vector.broadcast %add3A_302 : i32 to vector<48x1xi32>
    %add3A_304 = arith.addi %add3A_301, %add3A_303 : vector<48x1xi32>
    %jit3A_305 = arith.constant 0 : i32
    %jit3A_306 = arith.constant 255 : i32
    %max3A_307 = vector.broadcast %jit3A_305 : i32 to vector<48x1xi32>
    %max3A_308 = arith.maxsi %max3A_307, %add3A_304 : vector<48x1xi32>
    %min3A_309 = vector.broadcast %jit3A_306 : i32 to vector<48x1xi32>
    %min3A_310 = arith.minsi %min3A_309, %max3A_308 : vector<48x1xi32>
    %sub3A_311 = arith.subi %min3A_310, %select_n3A_281 : vector<48x1xi32>
    %eq3A_312 = arith.constant 0 : i32
    %eq3A_313 = vector.broadcast %eq3A_312 : i32 to vector<48x1xi32>
    %eq3A_314 = arith.cmpi eq, %sub3A_300, %eq3A_313 : vector<48x1xi32>
    %sub3A_315 = arith.constant 1.000000e+00 : f32
    %sub3A_316 = vector.broadcast %sub3A_315 : f32 to vector<48x1xf32>
    %sub3A_317 = arith.subf %sub3A_316, %sub3A_291 : vector<48x1xf32>
    %jit3A_318 = arith.constant 0.000000e+00 : f32
    %broadcast_in_dim3A_319 = vector.broadcast %jit3A_318 : f32 to vector<48x1xf32>
    %select_n3A_320 = arith.select %eq3A_314, %sub3A_317, %broadcast_in_dim3A_319 : vector<48x1xi1>, vector<48x1xf32>
    %eq3A_321 = arith.constant 0 : i32
    %eq3A_322 = vector.broadcast %eq3A_321 : i32 to vector<48x1xi32>
    %eq3A_323 = arith.cmpi eq, %sub3A_311, %eq3A_322 : vector<48x1xi32>
    %jit3A_324 = arith.constant 0.000000e+00 : f32
    %broadcast_in_dim3A_325 = vector.broadcast %jit3A_324 : f32 to vector<48x1xf32>
    %select_n3A_326 = arith.select %eq3A_323, %sub3A_291, %broadcast_in_dim3A_325 : vector<48x1xi1>, vector<48x1xf32>
    %add3A_327 = arith.addf %select_n3A_320, %select_n3A_326 : vector<48x1xf32>
    %get3A_328 = arith.constant 48 : index
    %get3A_329 = arith.constant 0 : index
    %get3A_330 = vector.load %arg7[%get3A_328, %get3A_329] : memref<144x2304xf32, #tpu.memory_space<vmem>>, vector<48x2304xf32>
    %mul3A_331 = vector.broadcast %add3A_327 : vector<48x1xf32> to vector<48x2304xf32>
    %mul3A_332 = arith.mulf %mul3A_331, %get3A_330 : vector<48x2304xf32>
    %add3A_333 = arith.addf %add3A_228, %mul3A_332 : vector<48x2304xf32>
    %jit3A_334 = arith.constant 9 : i32
    %eq3A_335 = arith.constant 0 : i32
    %eq3A_336 = arith.cmpi eq, %jit3A_334, %eq3A_335 : i32
    %jit3A_337 = arith.constant 1 : i32
    %select_n3A_338 = arith.select %eq3A_336, %jit3A_337, %jit3A_334 : i32
    %rem3A_339 = vector.broadcast %select_n3A_338 : i32 to vector<48x1xi32>
    %rem3A_340 = arith.remsi %add3A_31, %rem3A_339 : vector<48x1xi32>
    %ne3A_341 = arith.constant 0 : i32
    %ne3A_342 = vector.broadcast %ne3A_341 : i32 to vector<48x1xi32>
    %ne3A_343 = arith.cmpi ne, %rem3A_340, %ne3A_342 : vector<48x1xi32>
    %lt3A_344 = arith.constant 0 : i32
    %lt3A_345 = vector.broadcast %lt3A_344 : i32 to vector<48x1xi32>
    %lt3A_346 = arith.cmpi slt, %rem3A_340, %lt3A_345 : vector<48x1xi32>
    %lt3A_347 = arith.constant 0 : i32
    %lt3A_348 = arith.cmpi slt, %select_n3A_338, %lt3A_347 : i32
    %ne3A_349 = vector.broadcast %lt3A_348 : i1 to vector<48x1xi1>
    %ne3A_350 = vector.broadcast %ne3A_349 : vector<48x1xi1> to vector<48x1xi1>
    %ne3A_351 = arith.xori %lt3A_346, %ne3A_350 : vector<48x1xi1>
    %and3A_352 = arith.andi %ne3A_351, %ne3A_343 : vector<48x1xi1>
    %add3A_353 = vector.broadcast %select_n3A_338 : i32 to vector<48x1xi32>
    %add3A_354 = arith.addi %rem3A_340, %add3A_353 : vector<48x1xi32>
    %select_n3A_355 = arith.select %and3A_352, %add3A_354, %rem3A_340 : vector<48x1xi1>, vector<48x1xi32>
    %jit3A_356 = arith.constant 9 : i32
    %div3A_357 = vector.broadcast %jit3A_356 : i32 to vector<48x1xi32>
    %div3A_358 = arith.divsi %add3A_31, %div3A_357 : vector<48x1xi32>
    %sign3A_359 = arith.constant 0 : i32
    %sign3A_360 = vector.broadcast %sign3A_359 : i32 to vector<48x1xi32>
    %sign3A_361 = arith.cmpi sgt, %add3A_31, %sign3A_360 : vector<48x1xi32>
    %sign3A_362 = arith.extui %sign3A_361 : vector<48x1xi1> to vector<48x1xi32>
    %sign3A_363 = arith.constant 0 : i32
    %sign3A_364 = vector.broadcast %sign3A_363 : i32 to vector<48x1xi32>
    %sign3A_365 = arith.cmpi slt, %add3A_31, %sign3A_364 : vector<48x1xi32>
    %sign3A_366 = arith.extui %sign3A_365 : vector<48x1xi1> to vector<48x1xi32>
    %sign3A_367 = arith.subi %sign3A_362, %sign3A_366 : vector<48x1xi32>
    %sign3A_368 = arith.constant 0 : i32
    %sign3A_369 = arith.cmpi sgt, %jit3A_356, %sign3A_368 : i32
    %sign3A_370 = arith.extui %sign3A_369 : i1 to i32
    %sign3A_371 = arith.constant 0 : i32
    %sign3A_372 = arith.cmpi slt, %jit3A_356, %sign3A_371 : i32
    %sign3A_373 = arith.extui %sign3A_372 : i1 to i32
    %sign3A_374 = arith.subi %sign3A_370, %sign3A_373 : i32
    %ne3A_375 = vector.broadcast %sign3A_374 : i32 to vector<48x1xi32>
    %ne3A_376 = arith.cmpi ne, %sign3A_367, %ne3A_375 : vector<48x1xi32>
    %rem3A_377 = vector.broadcast %jit3A_356 : i32 to vector<48x1xi32>
    %rem3A_378 = arith.remsi %add3A_31, %rem3A_377 : vector<48x1xi32>
    %ne3A_379 = arith.constant 0 : i32
    %ne3A_380 = vector.broadcast %ne3A_379 : i32 to vector<48x1xi32>
    %ne3A_381 = arith.cmpi ne, %rem3A_378, %ne3A_380 : vector<48x1xi32>
    %and3A_382 = arith.andi %ne3A_376, %ne3A_381 : vector<48x1xi1>
    %sub3A_383 = arith.constant 1 : i32
    %sub3A_384 = vector.broadcast %sub3A_383 : i32 to vector<48x1xi32>
    %sub3A_385 = arith.subi %div3A_358, %sub3A_384 : vector<48x1xi32>
    %select_n3A_386 = arith.select %and3A_382, %sub3A_385, %div3A_358 : vector<48x1xi1>, vector<48x1xi32>
    %neg3A_387 = arith.constant 0.000000e+00 : f32
    %neg3A_388 = arith.subf %neg3A_387, %get3A_0 : f32
    %sub3A_389 = arith.constant 4 : i32
    %sub3A_390 = vector.broadcast %sub3A_389 : i32 to vector<48x1xi32>
    %sub3A_391 = arith.subi %select_n3A_355, %sub3A_390 : vector<48x1xi32>
    %convert_element_type3A_392 = arith.sitofp %sub3A_391 : vector<48x1xi32> to vector<48x1xf32>
    %mul3A_393 = vector.broadcast %neg3A_388 : f32 to vector<48x1xf32>
    %mul3A_394 = arith.mulf %mul3A_393, %convert_element_type3A_392 : vector<48x1xf32>
    %floor3A_395 = math.floor %mul3A_394 : vector<48x1xf32>
    %sub3A_396 = arith.subf %mul3A_394, %floor3A_395 : vector<48x1xf32>
    %convert_element_type3A_397 = arith.fptosi %floor3A_395 : vector<48x1xf32> to vector<48x1xi32>
    %add3A_398 = arith.addi %select_n3A_386, %convert_element_type3A_397 : vector<48x1xi32>
    %jit3A_399 = arith.constant 0 : i32
    %jit3A_400 = arith.constant 255 : i32
    %max3A_401 = vector.broadcast %jit3A_399 : i32 to vector<48x1xi32>
    %max3A_402 = arith.maxsi %max3A_401, %add3A_398 : vector<48x1xi32>
    %min3A_403 = vector.broadcast %jit3A_400 : i32 to vector<48x1xi32>
    %min3A_404 = arith.minsi %min3A_403, %max3A_402 : vector<48x1xi32>
    %sub3A_405 = arith.subi %min3A_404, %select_n3A_386 : vector<48x1xi32>
    %add3A_406 = arith.addi %select_n3A_386, %convert_element_type3A_397 : vector<48x1xi32>
    %add3A_407 = arith.constant 1 : i32
    %add3A_408 = vector.broadcast %add3A_407 : i32 to vector<48x1xi32>
    %add3A_409 = arith.addi %add3A_406, %add3A_408 : vector<48x1xi32>
    %jit3A_410 = arith.constant 0 : i32
    %jit3A_411 = arith.constant 255 : i32
    %max3A_412 = vector.broadcast %jit3A_410 : i32 to vector<48x1xi32>
    %max3A_413 = arith.maxsi %max3A_412, %add3A_409 : vector<48x1xi32>
    %min3A_414 = vector.broadcast %jit3A_411 : i32 to vector<48x1xi32>
    %min3A_415 = arith.minsi %min3A_414, %max3A_413 : vector<48x1xi32>
    %sub3A_416 = arith.subi %min3A_415, %select_n3A_386 : vector<48x1xi32>
    %eq3A_417 = arith.constant 1 : i32
    %eq3A_418 = vector.broadcast %eq3A_417 : i32 to vector<48x1xi32>
    %eq3A_419 = arith.cmpi eq, %sub3A_405, %eq3A_418 : vector<48x1xi32>
    %sub3A_420 = arith.constant 1.000000e+00 : f32
    %sub3A_421 = vector.broadcast %sub3A_420 : f32 to vector<48x1xf32>
    %sub3A_422 = arith.subf %sub3A_421, %sub3A_396 : vector<48x1xf32>
    %jit3A_423 = arith.constant 0.000000e+00 : f32
    %broadcast_in_dim3A_424 = vector.broadcast %jit3A_423 : f32 to vector<48x1xf32>
    %select_n3A_425 = arith.select %eq3A_419, %sub3A_422, %broadcast_in_dim3A_424 : vector<48x1xi1>, vector<48x1xf32>
    %eq3A_426 = arith.constant 1 : i32
    %eq3A_427 = vector.broadcast %eq3A_426 : i32 to vector<48x1xi32>
    %eq3A_428 = arith.cmpi eq, %sub3A_416, %eq3A_427 : vector<48x1xi32>
    %jit3A_429 = arith.constant 0.000000e+00 : f32
    %broadcast_in_dim3A_430 = vector.broadcast %jit3A_429 : f32 to vector<48x1xf32>
    %select_n3A_431 = arith.select %eq3A_428, %sub3A_396, %broadcast_in_dim3A_430 : vector<48x1xi1>, vector<48x1xf32>
    %add3A_432 = arith.addf %select_n3A_425, %select_n3A_431 : vector<48x1xf32>
    %get3A_433 = arith.constant 57 : index
    %get3A_434 = arith.constant 0 : index
    %get3A_435 = vector.load %arg7[%get3A_433, %get3A_434] : memref<144x2304xf32, #tpu.memory_space<vmem>>, vector<48x2304xf32>
    %mul3A_436 = vector.broadcast %add3A_432 : vector<48x1xf32> to vector<48x2304xf32>
    %mul3A_437 = arith.mulf %mul3A_436, %get3A_435 : vector<48x2304xf32>
    %add3A_438 = arith.addf %add3A_333, %mul3A_437 : vector<48x2304xf32>
    %jit3A_439 = arith.constant 9 : i32
    %eq3A_440 = arith.constant 0 : i32
    %eq3A_441 = arith.cmpi eq, %jit3A_439, %eq3A_440 : i32
    %jit3A_442 = arith.constant 1 : i32
    %select_n3A_443 = arith.select %eq3A_441, %jit3A_442, %jit3A_439 : i32
    %rem3A_444 = vector.broadcast %select_n3A_443 : i32 to vector<48x1xi32>
    %rem3A_445 = arith.remsi %add3A_31, %rem3A_444 : vector<48x1xi32>
    %ne3A_446 = arith.constant 0 : i32
    %ne3A_447 = vector.broadcast %ne3A_446 : i32 to vector<48x1xi32>
    %ne3A_448 = arith.cmpi ne, %rem3A_445, %ne3A_447 : vector<48x1xi32>
    %lt3A_449 = arith.constant 0 : i32
    %lt3A_450 = vector.broadcast %lt3A_449 : i32 to vector<48x1xi32>
    %lt3A_451 = arith.cmpi slt, %rem3A_445, %lt3A_450 : vector<48x1xi32>
    %lt3A_452 = arith.constant 0 : i32
    %lt3A_453 = arith.cmpi slt, %select_n3A_443, %lt3A_452 : i32
    %ne3A_454 = vector.broadcast %lt3A_453 : i1 to vector<48x1xi1>
    %ne3A_455 = vector.broadcast %ne3A_454 : vector<48x1xi1> to vector<48x1xi1>
    %ne3A_456 = arith.xori %lt3A_451, %ne3A_455 : vector<48x1xi1>
    %and3A_457 = arith.andi %ne3A_456, %ne3A_448 : vector<48x1xi1>
    %add3A_458 = vector.broadcast %select_n3A_443 : i32 to vector<48x1xi32>
    %add3A_459 = arith.addi %rem3A_445, %add3A_458 : vector<48x1xi32>
    %select_n3A_460 = arith.select %and3A_457, %add3A_459, %rem3A_445 : vector<48x1xi1>, vector<48x1xi32>
    %jit3A_461 = arith.constant 9 : i32
    %div3A_462 = vector.broadcast %jit3A_461 : i32 to vector<48x1xi32>
    %div3A_463 = arith.divsi %add3A_31, %div3A_462 : vector<48x1xi32>
    %sign3A_464 = arith.constant 0 : i32
    %sign3A_465 = vector.broadcast %sign3A_464 : i32 to vector<48x1xi32>
    %sign3A_466 = arith.cmpi sgt, %add3A_31, %sign3A_465 : vector<48x1xi32>
    %sign3A_467 = arith.extui %sign3A_466 : vector<48x1xi1> to vector<48x1xi32>
    %sign3A_468 = arith.constant 0 : i32
    %sign3A_469 = vector.broadcast %sign3A_468 : i32 to vector<48x1xi32>
    %sign3A_470 = arith.cmpi slt, %add3A_31, %sign3A_469 : vector<48x1xi32>
    %sign3A_471 = arith.extui %sign3A_470 : vector<48x1xi1> to vector<48x1xi32>
    %sign3A_472 = arith.subi %sign3A_467, %sign3A_471 : vector<48x1xi32>
    %sign3A_473 = arith.constant 0 : i32
    %sign3A_474 = arith.cmpi sgt, %jit3A_461, %sign3A_473 : i32
    %sign3A_475 = arith.extui %sign3A_474 : i1 to i32
    %sign3A_476 = arith.constant 0 : i32
    %sign3A_477 = arith.cmpi slt, %jit3A_461, %sign3A_476 : i32
    %sign3A_478 = arith.extui %sign3A_477 : i1 to i32
    %sign3A_479 = arith.subi %sign3A_475, %sign3A_478 : i32
    %ne3A_480 = vector.broadcast %sign3A_479 : i32 to vector<48x1xi32>
    %ne3A_481 = arith.cmpi ne, %sign3A_472, %ne3A_480 : vector<48x1xi32>
    %rem3A_482 = vector.broadcast %jit3A_461 : i32 to vector<48x1xi32>
    %rem3A_483 = arith.remsi %add3A_31, %rem3A_482 : vector<48x1xi32>
    %ne3A_484 = arith.constant 0 : i32
    %ne3A_485 = vector.broadcast %ne3A_484 : i32 to vector<48x1xi32>
    %ne3A_486 = arith.cmpi ne, %rem3A_483, %ne3A_485 : vector<48x1xi32>
    %and3A_487 = arith.andi %ne3A_481, %ne3A_486 : vector<48x1xi1>
    %sub3A_488 = arith.constant 1 : i32
    %sub3A_489 = vector.broadcast %sub3A_488 : i32 to vector<48x1xi32>
    %sub3A_490 = arith.subi %div3A_463, %sub3A_489 : vector<48x1xi32>
    %select_n3A_491 = arith.select %and3A_487, %sub3A_490, %div3A_463 : vector<48x1xi1>, vector<48x1xi32>
    %neg3A_492 = arith.constant 0.000000e+00 : f32
    %neg3A_493 = arith.subf %neg3A_492, %get3A_0 : f32
    %sub3A_494 = arith.constant 4 : i32
    %sub3A_495 = vector.broadcast %sub3A_494 : i32 to vector<48x1xi32>
    %sub3A_496 = arith.subi %select_n3A_460, %sub3A_495 : vector<48x1xi32>
    %convert_element_type3A_497 = arith.sitofp %sub3A_496 : vector<48x1xi32> to vector<48x1xf32>
    %mul3A_498 = vector.broadcast %neg3A_493 : f32 to vector<48x1xf32>
    %mul3A_499 = arith.mulf %mul3A_498, %convert_element_type3A_497 : vector<48x1xf32>
    %floor3A_500 = math.floor %mul3A_499 : vector<48x1xf32>
    %sub3A_501 = arith.subf %mul3A_499, %floor3A_500 : vector<48x1xf32>
    %convert_element_type3A_502 = arith.fptosi %floor3A_500 : vector<48x1xf32> to vector<48x1xi32>
    %add3A_503 = arith.addi %select_n3A_491, %convert_element_type3A_502 : vector<48x1xi32>
    %jit3A_504 = arith.constant 0 : i32
    %jit3A_505 = arith.constant 255 : i32
    %max3A_506 = vector.broadcast %jit3A_504 : i32 to vector<48x1xi32>
    %max3A_507 = arith.maxsi %max3A_506, %add3A_503 : vector<48x1xi32>
    %min3A_508 = vector.broadcast %jit3A_505 : i32 to vector<48x1xi32>
    %min3A_509 = arith.minsi %min3A_508, %max3A_507 : vector<48x1xi32>
    %sub3A_510 = arith.subi %min3A_509, %select_n3A_491 : vector<48x1xi32>
    %add3A_511 = arith.addi %select_n3A_491, %convert_element_type3A_502 : vector<48x1xi32>
    %add3A_512 = arith.constant 1 : i32
    %add3A_513 = vector.broadcast %add3A_512 : i32 to vector<48x1xi32>
    %add3A_514 = arith.addi %add3A_511, %add3A_513 : vector<48x1xi32>
    %jit3A_515 = arith.constant 0 : i32
    %jit3A_516 = arith.constant 255 : i32
    %max3A_517 = vector.broadcast %jit3A_515 : i32 to vector<48x1xi32>
    %max3A_518 = arith.maxsi %max3A_517, %add3A_514 : vector<48x1xi32>
    %min3A_519 = vector.broadcast %jit3A_516 : i32 to vector<48x1xi32>
    %min3A_520 = arith.minsi %min3A_519, %max3A_518 : vector<48x1xi32>
    %sub3A_521 = arith.subi %min3A_520, %select_n3A_491 : vector<48x1xi32>
    %eq3A_522 = arith.constant 2 : i32
    %eq3A_523 = vector.broadcast %eq3A_522 : i32 to vector<48x1xi32>
    %eq3A_524 = arith.cmpi eq, %sub3A_510, %eq3A_523 : vector<48x1xi32>
    %sub3A_525 = arith.constant 1.000000e+00 : f32
    %sub3A_526 = vector.broadcast %sub3A_525 : f32 to vector<48x1xf32>
    %sub3A_527 = arith.subf %sub3A_526, %sub3A_501 : vector<48x1xf32>
    %jit3A_528 = arith.constant 0.000000e+00 : f32
    %broadcast_in_dim3A_529 = vector.broadcast %jit3A_528 : f32 to vector<48x1xf32>
    %select_n3A_530 = arith.select %eq3A_524, %sub3A_527, %broadcast_in_dim3A_529 : vector<48x1xi1>, vector<48x1xf32>
    %eq3A_531 = arith.constant 2 : i32
    %eq3A_532 = vector.broadcast %eq3A_531 : i32 to vector<48x1xi32>
    %eq3A_533 = arith.cmpi eq, %sub3A_521, %eq3A_532 : vector<48x1xi32>
    %jit3A_534 = arith.constant 0.000000e+00 : f32
    %broadcast_in_dim3A_535 = vector.broadcast %jit3A_534 : f32 to vector<48x1xf32>
    %select_n3A_536 = arith.select %eq3A_533, %sub3A_501, %broadcast_in_dim3A_535 : vector<48x1xi1>, vector<48x1xf32>
    %add3A_537 = arith.addf %select_n3A_530, %select_n3A_536 : vector<48x1xf32>
    %get3A_538 = arith.constant 66 : index
    %get3A_539 = arith.constant 0 : index
    %get3A_540 = vector.load %arg7[%get3A_538, %get3A_539] : memref<144x2304xf32, #tpu.memory_space<vmem>>, vector<48x2304xf32>
    %mul3A_541 = vector.broadcast %add3A_537 : vector<48x1xf32> to vector<48x2304xf32>
    %mul3A_542 = arith.mulf %mul3A_541, %get3A_540 : vector<48x2304xf32>
    %add3A_543 = arith.addf %add3A_438, %mul3A_542 : vector<48x2304xf32>
    %jit3A_544 = arith.constant 9 : i32
    %eq3A_545 = arith.constant 0 : i32
    %eq3A_546 = arith.cmpi eq, %jit3A_544, %eq3A_545 : i32
    %jit3A_547 = arith.constant 1 : i32
    %select_n3A_548 = arith.select %eq3A_546, %jit3A_547, %jit3A_544 : i32
    %rem3A_549 = vector.broadcast %select_n3A_548 : i32 to vector<48x1xi32>
    %rem3A_550 = arith.remsi %add3A_31, %rem3A_549 : vector<48x1xi32>
    %ne3A_551 = arith.constant 0 : i32
    %ne3A_552 = vector.broadcast %ne3A_551 : i32 to vector<48x1xi32>
    %ne3A_553 = arith.cmpi ne, %rem3A_550, %ne3A_552 : vector<48x1xi32>
    %lt3A_554 = arith.constant 0 : i32
    %lt3A_555 = vector.broadcast %lt3A_554 : i32 to vector<48x1xi32>
    %lt3A_556 = arith.cmpi slt, %rem3A_550, %lt3A_555 : vector<48x1xi32>
    %lt3A_557 = arith.constant 0 : i32
    %lt3A_558 = arith.cmpi slt, %select_n3A_548, %lt3A_557 : i32
    %ne3A_559 = vector.broadcast %lt3A_558 : i1 to vector<48x1xi1>
    %ne3A_560 = vector.broadcast %ne3A_559 : vector<48x1xi1> to vector<48x1xi1>
    %ne3A_561 = arith.xori %lt3A_556, %ne3A_560 : vector<48x1xi1>
    %and3A_562 = arith.andi %ne3A_561, %ne3A_553 : vector<48x1xi1>
    %add3A_563 = vector.broadcast %select_n3A_548 : i32 to vector<48x1xi32>
    %add3A_564 = arith.addi %rem3A_550, %add3A_563 : vector<48x1xi32>
    %select_n3A_565 = arith.select %and3A_562, %add3A_564, %rem3A_550 : vector<48x1xi1>, vector<48x1xi32>
    %jit3A_566 = arith.constant 9 : i32
    %div3A_567 = vector.broadcast %jit3A_566 : i32 to vector<48x1xi32>
    %div3A_568 = arith.divsi %add3A_31, %div3A_567 : vector<48x1xi32>
    %sign3A_569 = arith.constant 0 : i32
    %sign3A_570 = vector.broadcast %sign3A_569 : i32 to vector<48x1xi32>
    %sign3A_571 = arith.cmpi sgt, %add3A_31, %sign3A_570 : vector<48x1xi32>
    %sign3A_572 = arith.extui %sign3A_571 : vector<48x1xi1> to vector<48x1xi32>
    %sign3A_573 = arith.constant 0 : i32
    %sign3A_574 = vector.broadcast %sign3A_573 : i32 to vector<48x1xi32>
    %sign3A_575 = arith.cmpi slt, %add3A_31, %sign3A_574 : vector<48x1xi32>
    %sign3A_576 = arith.extui %sign3A_575 : vector<48x1xi1> to vector<48x1xi32>
    %sign3A_577 = arith.subi %sign3A_572, %sign3A_576 : vector<48x1xi32>
    %sign3A_578 = arith.constant 0 : i32
    %sign3A_579 = arith.cmpi sgt, %jit3A_566, %sign3A_578 : i32
    %sign3A_580 = arith.extui %sign3A_579 : i1 to i32
    %sign3A_581 = arith.constant 0 : i32
    %sign3A_582 = arith.cmpi slt, %jit3A_566, %sign3A_581 : i32
    %sign3A_583 = arith.extui %sign3A_582 : i1 to i32
    %sign3A_584 = arith.subi %sign3A_580, %sign3A_583 : i32
    %ne3A_585 = vector.broadcast %sign3A_584 : i32 to vector<48x1xi32>
    %ne3A_586 = arith.cmpi ne, %sign3A_577, %ne3A_585 : vector<48x1xi32>
    %rem3A_587 = vector.broadcast %jit3A_566 : i32 to vector<48x1xi32>
    %rem3A_588 = arith.remsi %add3A_31, %rem3A_587 : vector<48x1xi32>
    %ne3A_589 = arith.constant 0 : i32
    %ne3A_590 = vector.broadcast %ne3A_589 : i32 to vector<48x1xi32>
    %ne3A_591 = arith.cmpi ne, %rem3A_588, %ne3A_590 : vector<48x1xi32>
    %and3A_592 = arith.andi %ne3A_586, %ne3A_591 : vector<48x1xi1>
    %sub3A_593 = arith.constant 1 : i32
    %sub3A_594 = vector.broadcast %sub3A_593 : i32 to vector<48x1xi32>
    %sub3A_595 = arith.subi %div3A_568, %sub3A_594 : vector<48x1xi32>
    %select_n3A_596 = arith.select %and3A_592, %sub3A_595, %div3A_568 : vector<48x1xi1>, vector<48x1xi32>
    %neg3A_597 = arith.constant 0.000000e+00 : f32
    %neg3A_598 = arith.subf %neg3A_597, %get3A_0 : f32
    %sub3A_599 = arith.constant 4 : i32
    %sub3A_600 = vector.broadcast %sub3A_599 : i32 to vector<48x1xi32>
    %sub3A_601 = arith.subi %select_n3A_565, %sub3A_600 : vector<48x1xi32>
    %convert_element_type3A_602 = arith.sitofp %sub3A_601 : vector<48x1xi32> to vector<48x1xf32>
    %mul3A_603 = vector.broadcast %neg3A_598 : f32 to vector<48x1xf32>
    %mul3A_604 = arith.mulf %mul3A_603, %convert_element_type3A_602 : vector<48x1xf32>
    %floor3A_605 = math.floor %mul3A_604 : vector<48x1xf32>
    %sub3A_606 = arith.subf %mul3A_604, %floor3A_605 : vector<48x1xf32>
    %convert_element_type3A_607 = arith.fptosi %floor3A_605 : vector<48x1xf32> to vector<48x1xi32>
    %add3A_608 = arith.addi %select_n3A_596, %convert_element_type3A_607 : vector<48x1xi32>
    %jit3A_609 = arith.constant 0 : i32
    %jit3A_610 = arith.constant 255 : i32
    %max3A_611 = vector.broadcast %jit3A_609 : i32 to vector<48x1xi32>
    %max3A_612 = arith.maxsi %max3A_611, %add3A_608 : vector<48x1xi32>
    %min3A_613 = vector.broadcast %jit3A_610 : i32 to vector<48x1xi32>
    %min3A_614 = arith.minsi %min3A_613, %max3A_612 : vector<48x1xi32>
    %sub3A_615 = arith.subi %min3A_614, %select_n3A_596 : vector<48x1xi32>
    %add3A_616 = arith.addi %select_n3A_596, %convert_element_type3A_607 : vector<48x1xi32>
    %add3A_617 = arith.constant 1 : i32
    %add3A_618 = vector.broadcast %add3A_617 : i32 to vector<48x1xi32>
    %add3A_619 = arith.addi %add3A_616, %add3A_618 : vector<48x1xi32>
    %jit3A_620 = arith.constant 0 : i32
    %jit3A_621 = arith.constant 255 : i32
    %max3A_622 = vector.broadcast %jit3A_620 : i32 to vector<48x1xi32>
    %max3A_623 = arith.maxsi %max3A_622, %add3A_619 : vector<48x1xi32>
    %min3A_624 = vector.broadcast %jit3A_621 : i32 to vector<48x1xi32>
    %min3A_625 = arith.minsi %min3A_624, %max3A_623 : vector<48x1xi32>
    %sub3A_626 = arith.subi %min3A_625, %select_n3A_596 : vector<48x1xi32>
    %eq3A_627 = arith.constant 3 : i32
    %eq3A_628 = vector.broadcast %eq3A_627 : i32 to vector<48x1xi32>
    %eq3A_629 = arith.cmpi eq, %sub3A_615, %eq3A_628 : vector<48x1xi32>
    %sub3A_630 = arith.constant 1.000000e+00 : f32
    %sub3A_631 = vector.broadcast %sub3A_630 : f32 to vector<48x1xf32>
    %sub3A_632 = arith.subf %sub3A_631, %sub3A_606 : vector<48x1xf32>
    %jit3A_633 = arith.constant 0.000000e+00 : f32
    %broadcast_in_dim3A_634 = vector.broadcast %jit3A_633 : f32 to vector<48x1xf32>
    %select_n3A_635 = arith.select %eq3A_629, %sub3A_632, %broadcast_in_dim3A_634 : vector<48x1xi1>, vector<48x1xf32>
    %eq3A_636 = arith.constant 3 : i32
    %eq3A_637 = vector.broadcast %eq3A_636 : i32 to vector<48x1xi32>
    %eq3A_638 = arith.cmpi eq, %sub3A_626, %eq3A_637 : vector<48x1xi32>
    %jit3A_639 = arith.constant 0.000000e+00 : f32
    %broadcast_in_dim3A_640 = vector.broadcast %jit3A_639 : f32 to vector<48x1xf32>
    %select_n3A_641 = arith.select %eq3A_638, %sub3A_606, %broadcast_in_dim3A_640 : vector<48x1xi1>, vector<48x1xf32>
    %add3A_642 = arith.addf %select_n3A_635, %select_n3A_641 : vector<48x1xf32>
    %get3A_643 = arith.constant 75 : index
    %get3A_644 = arith.constant 0 : index
    %get3A_645 = vector.load %arg7[%get3A_643, %get3A_644] : memref<144x2304xf32, #tpu.memory_space<vmem>>, vector<48x2304xf32>
    %mul3A_646 = vector.broadcast %add3A_642 : vector<48x1xf32> to vector<48x2304xf32>
    %mul3A_647 = arith.mulf %mul3A_646, %get3A_645 : vector<48x2304xf32>
    %add3A_648 = arith.addf %add3A_543, %mul3A_647 : vector<48x2304xf32>
    %broadcast_in_dim3A_649 = arith.constant 0.000000e+00 : f32
    %broadcast_in_dim3A_650 = vector.broadcast %broadcast_in_dim3A_649 : f32 to vector<48x48xf32>
    %swap3A_651 = arith.constant 0 : index
    %swap3A_652 = arith.constant 0 : index
    %swap3A_653 = vector.load %arg8[%swap3A_651, %swap3A_652] : memref<48x2400xf32, #tpu.memory_space<vmem>>, vector<48x48xf32>
    tpu.vector_store %arg8[%swap3A_651, %swap3A_652], %broadcast_in_dim3A_650 {strides = array<i32>} : memref<48x2400xf32, #tpu.memory_space<vmem>>, vector<48x48xf32>,
    %swap3A_654 = arith.constant 0 : index
    %swap3A_655 = arith.constant 48 : index
    %swap3A_656 = vector.load %arg8[%swap3A_654, %swap3A_655] : memref<48x2400xf32, #tpu.memory_space<vmem>>, vector<48x2304xf32>
    tpu.vector_store %arg8[%swap3A_654, %swap3A_655], %add3A_648 {strides = array<i32>} : memref<48x2400xf32, #tpu.memory_space<vmem>>, vector<48x2304xf32>,
    %broadcast_in_dim3A_657 = arith.constant 0.000000e+00 : f32
    %broadcast_in_dim3A_658 = vector.broadcast %broadcast_in_dim3A_657 : f32 to vector<48x48xf32>
    %swap3A_659 = arith.constant 0 : index
    %swap3A_660 = arith.constant 2352 : index
    %swap3A_661 = vector.load %arg8[%swap3A_659, %swap3A_660] : memref<48x2400xf32, #tpu.memory_space<vmem>>, vector<48x48xf32>
    tpu.vector_store %arg8[%swap3A_659, %swap3A_660], %broadcast_in_dim3A_658 {strides = array<i32>} : memref<48x2400xf32, #tpu.memory_space<vmem>>, vector<48x48xf32>,
    %broadcast_in_dim3A_662 = arith.constant 0.000000e+00 : f32
    %broadcast_in_dim3A_663 = vector.broadcast %broadcast_in_dim3A_662 : f32 to vector<48x2304xf32>
    %jit3A_664 = arith.constant 9 : i32
    %eq3A_665 = arith.constant 0 : i32
    %eq3A_666 = arith.cmpi eq, %jit3A_664, %eq3A_665 : i32
    %jit3A_667 = arith.constant 1 : i32
    %select_n3A_668 = arith.select %eq3A_666, %jit3A_667, %jit3A_664 : i32
    %rem3A_669 = vector.broadcast %select_n3A_668 : i32 to vector<1x2304xi32>
    %rem3A_670 = arith.remsi %iota3A_32, %rem3A_669 : vector<1x2304xi32>
    %ne3A_671 = arith.constant 0 : i32
    %ne3A_672 = vector.broadcast %ne3A_671 : i32 to vector<1x2304xi32>
    %ne3A_673 = arith.cmpi ne, %rem3A_670, %ne3A_672 : vector<1x2304xi32>
    %lt3A_674 = arith.constant 0 : i32
    %lt3A_675 = vector.broadcast %lt3A_674 : i32 to vector<1x2304xi32>
    %lt3A_676 = arith.cmpi slt, %rem3A_670, %lt3A_675 : vector<1x2304xi32>
    %lt3A_677 = arith.constant 0 : i32
    %lt3A_678 = arith.cmpi slt, %select_n3A_668, %lt3A_677 : i32
    %ne3A_679 = vector.broadcast %lt3A_678 : i1 to vector<1x2304xi1>
    %ne3A_680 = vector.broadcast %ne3A_679 : vector<1x2304xi1> to vector<1x2304xi1>
    %ne3A_681 = arith.xori %lt3A_676, %ne3A_680 : vector<1x2304xi1>
    %and3A_682 = arith.andi %ne3A_681, %ne3A_673 : vector<1x2304xi1>
    %add3A_683 = vector.broadcast %select_n3A_668 : i32 to vector<1x2304xi32>
    %add3A_684 = arith.addi %rem3A_670, %add3A_683 : vector<1x2304xi32>
    %select_n3A_685 = arith.select %and3A_682, %add3A_684, %rem3A_670 : vector<1x2304xi1>, vector<1x2304xi32>
    %jit3A_686 = arith.constant 9 : i32
    %div3A_687 = vector.broadcast %jit3A_686 : i32 to vector<1x2304xi32>
    %div3A_688 = arith.divsi %iota3A_32, %div3A_687 : vector<1x2304xi32>
    %sign3A_689 = arith.constant 0 : i32
    %sign3A_690 = vector.broadcast %sign3A_689 : i32 to vector<1x2304xi32>
    %sign3A_691 = arith.cmpi sgt, %iota3A_32, %sign3A_690 : vector<1x2304xi32>
    %sign3A_692 = arith.extui %sign3A_691 : vector<1x2304xi1> to vector<1x2304xi32>
    %sign3A_693 = arith.constant 0 : i32
    %sign3A_694 = vector.broadcast %sign3A_693 : i32 to vector<1x2304xi32>
    %sign3A_695 = arith.cmpi slt, %iota3A_32, %sign3A_694 : vector<1x2304xi32>
    %sign3A_696 = arith.extui %sign3A_695 : vector<1x2304xi1> to vector<1x2304xi32>
    %sign3A_697 = arith.subi %sign3A_692, %sign3A_696 : vector<1x2304xi32>
    %sign3A_698 = arith.constant 0 : i32
    %sign3A_699 = arith.cmpi sgt, %jit3A_686, %sign3A_698 : i32
    %sign3A_700 = arith.extui %sign3A_699 : i1 to i32
    %sign3A_701 = arith.constant 0 : i32
    %sign3A_702 = arith.cmpi slt, %jit3A_686, %sign3A_701 : i32
    %sign3A_703 = arith.extui %sign3A_702 : i1 to i32
    %sign3A_704 = arith.subi %sign3A_700, %sign3A_703 : i32
    %ne3A_705 = vector.broadcast %sign3A_704 : i32 to vector<1x2304xi32>
    %ne3A_706 = arith.cmpi ne, %sign3A_697, %ne3A_705 : vector<1x2304xi32>
    %rem3A_707 = vector.broadcast %jit3A_686 : i32 to vector<1x2304xi32>
    %rem3A_708 = arith.remsi %iota3A_32, %rem3A_707 : vector<1x2304xi32>
    %ne3A_709 = arith.constant 0 : i32
    %ne3A_710 = vector.broadcast %ne3A_709 : i32 to vector<1x2304xi32>
    %ne3A_711 = arith.cmpi ne, %rem3A_708, %ne3A_710 : vector<1x2304xi32>
    %and3A_712 = arith.andi %ne3A_706, %ne3A_711 : vector<1x2304xi1>
    %sub3A_713 = arith.constant 1 : i32
    %sub3A_714 = vector.broadcast %sub3A_713 : i32 to vector<1x2304xi32>
    %sub3A_715 = arith.subi %div3A_688, %sub3A_714 : vector<1x2304xi32>
    %select_n3A_716 = arith.select %and3A_712, %sub3A_715, %div3A_688 : vector<1x2304xi1>, vector<1x2304xi32>
    %neg3A_717 = arith.constant 0.000000e+00 : f32
    %neg3A_718 = arith.subf %neg3A_717, %get3A_0 : f32
    %sub3A_719 = arith.constant 4 : i32
    %sub3A_720 = vector.broadcast %sub3A_719 : i32 to vector<1x2304xi32>
    %sub3A_721 = arith.subi %select_n3A_685, %sub3A_720 : vector<1x2304xi32>
    %convert_element_type3A_722 = arith.sitofp %sub3A_721 : vector<1x2304xi32> to vector<1x2304xf32>
    %mul3A_723 = vector.broadcast %neg3A_718 : f32 to vector<1x2304xf32>
    %mul3A_724 = arith.mulf %mul3A_723, %convert_element_type3A_722 : vector<1x2304xf32>
    %floor3A_725 = math.floor %mul3A_724 : vector<1x2304xf32>
    %sub3A_726 = arith.subf %mul3A_724, %floor3A_725 : vector<1x2304xf32>
    %convert_element_type3A_727 = arith.fptosi %floor3A_725 : vector<1x2304xf32> to vector<1x2304xi32>
    %add3A_728 = arith.addi %select_n3A_716, %convert_element_type3A_727 : vector<1x2304xi32>
    %jit3A_729 = arith.constant 0 : i32
    %jit3A_730 = arith.constant 255 : i32
    %max3A_731 = vector.broadcast %jit3A_729 : i32 to vector<1x2304xi32>
    %max3A_732 = arith.maxsi %max3A_731, %add3A_728 : vector<1x2304xi32>
    %min3A_733 = vector.broadcast %jit3A_730 : i32 to vector<1x2304xi32>
    %min3A_734 = arith.minsi %min3A_733, %max3A_732 : vector<1x2304xi32>
    %sub3A_735 = arith.subi %min3A_734, %select_n3A_716 : vector<1x2304xi32>
    %add3A_736 = arith.addi %select_n3A_716, %convert_element_type3A_727 : vector<1x2304xi32>
    %add3A_737 = arith.constant 1 : i32
    %add3A_738 = vector.broadcast %add3A_737 : i32 to vector<1x2304xi32>
    %add3A_739 = arith.addi %add3A_736, %add3A_738 : vector<1x2304xi32>
    %jit3A_740 = arith.constant 0 : i32
    %jit3A_741 = arith.constant 255 : i32
    %max3A_742 = vector.broadcast %jit3A_740 : i32 to vector<1x2304xi32>
    %max3A_743 = arith.maxsi %max3A_742, %add3A_739 : vector<1x2304xi32>
    %min3A_744 = vector.broadcast %jit3A_741 : i32 to vector<1x2304xi32>
    %min3A_745 = arith.minsi %min3A_744, %max3A_743 : vector<1x2304xi32>
    %sub3A_746 = arith.subi %min3A_745, %select_n3A_716 : vector<1x2304xi32>
    %eq3A_747 = arith.constant -2 : i32
    %eq3A_748 = vector.broadcast %eq3A_747 : i32 to vector<1x2304xi32>
    %eq3A_749 = arith.cmpi eq, %sub3A_735, %eq3A_748 : vector<1x2304xi32>
    %sub3A_750 = arith.constant 1.000000e+00 : f32
    %sub3A_751 = vector.broadcast %sub3A_750 : f32 to vector<1x2304xf32>
    %sub3A_752 = arith.subf %sub3A_751, %sub3A_726 : vector<1x2304xf32>
    %jit3A_753 = arith.constant 0.000000e+00 : f32
    %broadcast_in_dim3A_754 = vector.broadcast %jit3A_753 : f32 to vector<1x2304xf32>
    %select_n3A_755 = arith.select %eq3A_749, %sub3A_752, %broadcast_in_dim3A_754 : vector<1x2304xi1>, vector<1x2304xf32>
    %eq3A_756 = arith.constant -2 : i32
    %eq3A_757 = vector.broadcast %eq3A_756 : i32 to vector<1x2304xi32>
    %eq3A_758 = arith.cmpi eq, %sub3A_746, %eq3A_757 : vector<1x2304xi32>
    %jit3A_759 = arith.constant 0.000000e+00 : f32
    %broadcast_in_dim3A_760 = vector.broadcast %jit3A_759 : f32 to vector<1x2304xf32>
    %select_n3A_761 = arith.select %eq3A_758, %sub3A_726, %broadcast_in_dim3A_760 : vector<1x2304xi1>, vector<1x2304xf32>
    %add3A_762 = arith.addf %select_n3A_755, %select_n3A_761 : vector<1x2304xf32>
    %get3A_763 = arith.constant 0 : index
    %get3A_764 = arith.constant 30 : index
    %get3A_765 = vector.load %arg8[%get3A_763, %get3A_764] : memref<48x2400xf32, #tpu.memory_space<vmem>>, vector<48x2304xf32>
    %mul3A_766 = vector.broadcast %add3A_762 : vector<1x2304xf32> to vector<48x2304xf32>
    %mul3A_767 = arith.mulf %mul3A_766, %get3A_765 : vector<48x2304xf32>
    %add3A_768 = arith.addf %broadcast_in_dim3A_663, %mul3A_767 : vector<48x2304xf32>
    %jit3A_769 = arith.constant 9 : i32
    %eq3A_770 = arith.constant 0 : i32
    %eq3A_771 = arith.cmpi eq, %jit3A_769, %eq3A_770 : i32
    %jit3A_772 = arith.constant 1 : i32
    %select_n3A_773 = arith.select %eq3A_771, %jit3A_772, %jit3A_769 : i32
    %rem3A_774 = vector.broadcast %select_n3A_773 : i32 to vector<1x2304xi32>
    %rem3A_775 = arith.remsi %iota3A_32, %rem3A_774 : vector<1x2304xi32>
    %ne3A_776 = arith.constant 0 : i32
    %ne3A_777 = vector.broadcast %ne3A_776 : i32 to vector<1x2304xi32>
    %ne3A_778 = arith.cmpi ne, %rem3A_775, %ne3A_777 : vector<1x2304xi32>
    %lt3A_779 = arith.constant 0 : i32
    %lt3A_780 = vector.broadcast %lt3A_779 : i32 to vector<1x2304xi32>
    %lt3A_781 = arith.cmpi slt, %rem3A_775, %lt3A_780 : vector<1x2304xi32>
    %lt3A_782 = arith.constant 0 : i32
    %lt3A_783 = arith.cmpi slt, %select_n3A_773, %lt3A_782 : i32
    %ne3A_784 = vector.broadcast %lt3A_783 : i1 to vector<1x2304xi1>
    %ne3A_785 = vector.broadcast %ne3A_784 : vector<1x2304xi1> to vector<1x2304xi1>
    %ne3A_786 = arith.xori %lt3A_781, %ne3A_785 : vector<1x2304xi1>
    %and3A_787 = arith.andi %ne3A_786, %ne3A_778 : vector<1x2304xi1>
    %add3A_788 = vector.broadcast %select_n3A_773 : i32 to vector<1x2304xi32>
    %add3A_789 = arith.addi %rem3A_775, %add3A_788 : vector<1x2304xi32>
    %select_n3A_790 = arith.select %and3A_787, %add3A_789, %rem3A_775 : vector<1x2304xi1>, vector<1x2304xi32>
    %jit3A_791 = arith.constant 9 : i32
    %div3A_792 = vector.broadcast %jit3A_791 : i32 to vector<1x2304xi32>
    %div3A_793 = arith.divsi %iota3A_32, %div3A_792 : vector<1x2304xi32>
    %sign3A_794 = arith.constant 0 : i32
    %sign3A_795 = vector.broadcast %sign3A_794 : i32 to vector<1x2304xi32>
    %sign3A_796 = arith.cmpi sgt, %iota3A_32, %sign3A_795 : vector<1x2304xi32>
    %sign3A_797 = arith.extui %sign3A_796 : vector<1x2304xi1> to vector<1x2304xi32>
    %sign3A_798 = arith.constant 0 : i32
    %sign3A_799 = vector.broadcast %sign3A_798 : i32 to vector<1x2304xi32>
    %sign3A_800 = arith.cmpi slt, %iota3A_32, %sign3A_799 : vector<1x2304xi32>
    %sign3A_801 = arith.extui %sign3A_800 : vector<1x2304xi1> to vector<1x2304xi32>
    %sign3A_802 = arith.subi %sign3A_797, %sign3A_801 : vector<1x2304xi32>
    %sign3A_803 = arith.constant 0 : i32
    %sign3A_804 = arith.cmpi sgt, %jit3A_791, %sign3A_803 : i32
    %sign3A_805 = arith.extui %sign3A_804 : i1 to i32
    %sign3A_806 = arith.constant 0 : i32
    %sign3A_807 = arith.cmpi slt, %jit3A_791, %sign3A_806 : i32
    %sign3A_808 = arith.extui %sign3A_807 : i1 to i32
    %sign3A_809 = arith.subi %sign3A_805, %sign3A_808 : i32
    %ne3A_810 = vector.broadcast %sign3A_809 : i32 to vector<1x2304xi32>
    %ne3A_811 = arith.cmpi ne, %sign3A_802, %ne3A_810 : vector<1x2304xi32>
    %rem3A_812 = vector.broadcast %jit3A_791 : i32 to vector<1x2304xi32>
    %rem3A_813 = arith.remsi %iota3A_32, %rem3A_812 : vector<1x2304xi32>
    %ne3A_814 = arith.constant 0 : i32
    %ne3A_815 = vector.broadcast %ne3A_814 : i32 to vector<1x2304xi32>
    %ne3A_816 = arith.cmpi ne, %rem3A_813, %ne3A_815 : vector<1x2304xi32>
    %and3A_817 = arith.andi %ne3A_811, %ne3A_816 : vector<1x2304xi1>
    %sub3A_818 = arith.constant 1 : i32
    %sub3A_819 = vector.broadcast %sub3A_818 : i32 to vector<1x2304xi32>
    %sub3A_820 = arith.subi %div3A_793, %sub3A_819 : vector<1x2304xi32>
    %select_n3A_821 = arith.select %and3A_817, %sub3A_820, %div3A_793 : vector<1x2304xi1>, vector<1x2304xi32>
    %neg3A_822 = arith.constant 0.000000e+00 : f32
    %neg3A_823 = arith.subf %neg3A_822, %get3A_0 : f32
    %sub3A_824 = arith.constant 4 : i32
    %sub3A_825 = vector.broadcast %sub3A_824 : i32 to vector<1x2304xi32>
    %sub3A_826 = arith.subi %select_n3A_790, %sub3A_825 : vector<1x2304xi32>
    %convert_element_type3A_827 = arith.sitofp %sub3A_826 : vector<1x2304xi32> to vector<1x2304xf32>
    %mul3A_828 = vector.broadcast %neg3A_823 : f32 to vector<1x2304xf32>
    %mul3A_829 = arith.mulf %mul3A_828, %convert_element_type3A_827 : vector<1x2304xf32>
    %floor3A_830 = math.floor %mul3A_829 : vector<1x2304xf32>
    %sub3A_831 = arith.subf %mul3A_829, %floor3A_830 : vector<1x2304xf32>
    %convert_element_type3A_832 = arith.fptosi %floor3A_830 : vector<1x2304xf32> to vector<1x2304xi32>
    %add3A_833 = arith.addi %select_n3A_821, %convert_element_type3A_832 : vector<1x2304xi32>
    %jit3A_834 = arith.constant 0 : i32
    %jit3A_835 = arith.constant 255 : i32
    %max3A_836 = vector.broadcast %jit3A_834 : i32 to vector<1x2304xi32>
    %max3A_837 = arith.maxsi %max3A_836, %add3A_833 : vector<1x2304xi32>
    %min3A_838 = vector.broadcast %jit3A_835 : i32 to vector<1x2304xi32>
    %min3A_839 = arith.minsi %min3A_838, %max3A_837 : vector<1x2304xi32>
    %sub3A_840 = arith.subi %min3A_839, %select_n3A_821 : vector<1x2304xi32>
    %add3A_841 = arith.addi %select_n3A_821, %convert_element_type3A_832 : vector<1x2304xi32>
    %add3A_842 = arith.constant 1 : i32
    %add3A_843 = vector.broadcast %add3A_842 : i32 to vector<1x2304xi32>
    %add3A_844 = arith.addi %add3A_841, %add3A_843 : vector<1x2304xi32>
    %jit3A_845 = arith.constant 0 : i32
    %jit3A_846 = arith.constant 255 : i32
    %max3A_847 = vector.broadcast %jit3A_845 : i32 to vector<1x2304xi32>
    %max3A_848 = arith.maxsi %max3A_847, %add3A_844 : vector<1x2304xi32>
    %min3A_849 = vector.broadcast %jit3A_846 : i32 to vector<1x2304xi32>
    %min3A_850 = arith.minsi %min3A_849, %max3A_848 : vector<1x2304xi32>
    %sub3A_851 = arith.subi %min3A_850, %select_n3A_821 : vector<1x2304xi32>
    %eq3A_852 = arith.constant -1 : i32
    %eq3A_853 = vector.broadcast %eq3A_852 : i32 to vector<1x2304xi32>
    %eq3A_854 = arith.cmpi eq, %sub3A_840, %eq3A_853 : vector<1x2304xi32>
    %sub3A_855 = arith.constant 1.000000e+00 : f32
    %sub3A_856 = vector.broadcast %sub3A_855 : f32 to vector<1x2304xf32>
    %sub3A_857 = arith.subf %sub3A_856, %sub3A_831 : vector<1x2304xf32>
    %jit3A_858 = arith.constant 0.000000e+00 : f32
    %broadcast_in_dim3A_859 = vector.broadcast %jit3A_858 : f32 to vector<1x2304xf32>
    %select_n3A_860 = arith.select %eq3A_854, %sub3A_857, %broadcast_in_dim3A_859 : vector<1x2304xi1>, vector<1x2304xf32>
    %eq3A_861 = arith.constant -1 : i32
    %eq3A_862 = vector.broadcast %eq3A_861 : i32 to vector<1x2304xi32>
    %eq3A_863 = arith.cmpi eq, %sub3A_851, %eq3A_862 : vector<1x2304xi32>
    %jit3A_864 = arith.constant 0.000000e+00 : f32
    %broadcast_in_dim3A_865 = vector.broadcast %jit3A_864 : f32 to vector<1x2304xf32>
    %select_n3A_866 = arith.select %eq3A_863, %sub3A_831, %broadcast_in_dim3A_865 : vector<1x2304xi1>, vector<1x2304xf32>
    %add3A_867 = arith.addf %select_n3A_860, %select_n3A_866 : vector<1x2304xf32>
    %get3A_868 = arith.constant 0 : index
    %get3A_869 = arith.constant 39 : index
    %get3A_870 = vector.load %arg8[%get3A_868, %get3A_869] : memref<48x2400xf32, #tpu.memory_space<vmem>>, vector<48x2304xf32>
    %mul3A_871 = vector.broadcast %add3A_867 : vector<1x2304xf32> to vector<48x2304xf32>
    %mul3A_872 = arith.mulf %mul3A_871, %get3A_870 : vector<48x2304xf32>
    %add3A_873 = arith.addf %add3A_768, %mul3A_872 : vector<48x2304xf32>
    %jit3A_874 = arith.constant 9 : i32
    %eq3A_875 = arith.constant 0 : i32
    %eq3A_876 = arith.cmpi eq, %jit3A_874, %eq3A_875 : i32
    %jit3A_877 = arith.constant 1 : i32
    %select_n3A_878 = arith.select %eq3A_876, %jit3A_877, %jit3A_874 : i32
    %rem3A_879 = vector.broadcast %select_n3A_878 : i32 to vector<1x2304xi32>
    %rem3A_880 = arith.remsi %iota3A_32, %rem3A_879 : vector<1x2304xi32>
    %ne3A_881 = arith.constant 0 : i32
    %ne3A_882 = vector.broadcast %ne3A_881 : i32 to vector<1x2304xi32>
    %ne3A_883 = arith.cmpi ne, %rem3A_880, %ne3A_882 : vector<1x2304xi32>
    %lt3A_884 = arith.constant 0 : i32
    %lt3A_885 = vector.broadcast %lt3A_884 : i32 to vector<1x2304xi32>
    %lt3A_886 = arith.cmpi slt, %rem3A_880, %lt3A_885 : vector<1x2304xi32>
    %lt3A_887 = arith.constant 0 : i32
    %lt3A_888 = arith.cmpi slt, %select_n3A_878, %lt3A_887 : i32
    %ne3A_889 = vector.broadcast %lt3A_888 : i1 to vector<1x2304xi1>
    %ne3A_890 = vector.broadcast %ne3A_889 : vector<1x2304xi1> to vector<1x2304xi1>
    %ne3A_891 = arith.xori %lt3A_886, %ne3A_890 : vector<1x2304xi1>
    %and3A_892 = arith.andi %ne3A_891, %ne3A_883 : vector<1x2304xi1>
    %add3A_893 = vector.broadcast %select_n3A_878 : i32 to vector<1x2304xi32>
    %add3A_894 = arith.addi %rem3A_880, %add3A_893 : vector<1x2304xi32>
    %select_n3A_895 = arith.select %and3A_892, %add3A_894, %rem3A_880 : vector<1x2304xi1>, vector<1x2304xi32>
    %jit3A_896 = arith.constant 9 : i32
    %div3A_897 = vector.broadcast %jit3A_896 : i32 to vector<1x2304xi32>
    %div3A_898 = arith.divsi %iota3A_32, %div3A_897 : vector<1x2304xi32>
    %sign3A_899 = arith.constant 0 : i32
    %sign3A_900 = vector.broadcast %sign3A_899 : i32 to vector<1x2304xi32>
    %sign3A_901 = arith.cmpi sgt, %iota3A_32, %sign3A_900 : vector<1x2304xi32>
    %sign3A_902 = arith.extui %sign3A_901 : vector<1x2304xi1> to vector<1x2304xi32>
    %sign3A_903 = arith.constant 0 : i32
    %sign3A_904 = vector.broadcast %sign3A_903 : i32 to vector<1x2304xi32>
    %sign3A_905 = arith.cmpi slt, %iota3A_32, %sign3A_904 : vector<1x2304xi32>
    %sign3A_906 = arith.extui %sign3A_905 : vector<1x2304xi1> to vector<1x2304xi32>
    %sign3A_907 = arith.subi %sign3A_902, %sign3A_906 : vector<1x2304xi32>
    %sign3A_908 = arith.constant 0 : i32
    %sign3A_909 = arith.cmpi sgt, %jit3A_896, %sign3A_908 : i32
    %sign3A_910 = arith.extui %sign3A_909 : i1 to i32
    %sign3A_911 = arith.constant 0 : i32
    %sign3A_912 = arith.cmpi slt, %jit3A_896, %sign3A_911 : i32
    %sign3A_913 = arith.extui %sign3A_912 : i1 to i32
    %sign3A_914 = arith.subi %sign3A_910, %sign3A_913 : i32
    %ne3A_915 = vector.broadcast %sign3A_914 : i32 to vector<1x2304xi32>
    %ne3A_916 = arith.cmpi ne, %sign3A_907, %ne3A_915 : vector<1x2304xi32>
    %rem3A_917 = vector.broadcast %jit3A_896 : i32 to vector<1x2304xi32>
    %rem3A_918 = arith.remsi %iota3A_32, %rem3A_917 : vector<1x2304xi32>
    %ne3A_919 = arith.constant 0 : i32
    %ne3A_920 = vector.broadcast %ne3A_919 : i32 to vector<1x2304xi32>
    %ne3A_921 = arith.cmpi ne, %rem3A_918, %ne3A_920 : vector<1x2304xi32>
    %and3A_922 = arith.andi %ne3A_916, %ne3A_921 : vector<1x2304xi1>
    %sub3A_923 = arith.constant 1 : i32
    %sub3A_924 = vector.broadcast %sub3A_923 : i32 to vector<1x2304xi32>
    %sub3A_925 = arith.subi %div3A_898, %sub3A_924 : vector<1x2304xi32>
    %select_n3A_926 = arith.select %and3A_922, %sub3A_925, %div3A_898 : vector<1x2304xi1>, vector<1x2304xi32>
    %neg3A_927 = arith.constant 0.000000e+00 : f32
    %neg3A_928 = arith.subf %neg3A_927, %get3A_0 : f32
    %sub3A_929 = arith.constant 4 : i32
    %sub3A_930 = vector.broadcast %sub3A_929 : i32 to vector<1x2304xi32>
    %sub3A_931 = arith.subi %select_n3A_895, %sub3A_930 : vector<1x2304xi32>
    %convert_element_type3A_932 = arith.sitofp %sub3A_931 : vector<1x2304xi32> to vector<1x2304xf32>
    %mul3A_933 = vector.broadcast %neg3A_928 : f32 to vector<1x2304xf32>
    %mul3A_934 = arith.mulf %mul3A_933, %convert_element_type3A_932 : vector<1x2304xf32>
    %floor3A_935 = math.floor %mul3A_934 : vector<1x2304xf32>
    %sub3A_936 = arith.subf %mul3A_934, %floor3A_935 : vector<1x2304xf32>
    %convert_element_type3A_937 = arith.fptosi %floor3A_935 : vector<1x2304xf32> to vector<1x2304xi32>
    %add3A_938 = arith.addi %select_n3A_926, %convert_element_type3A_937 : vector<1x2304xi32>
    %jit3A_939 = arith.constant 0 : i32
    %jit3A_940 = arith.constant 255 : i32
    %max3A_941 = vector.broadcast %jit3A_939 : i32 to vector<1x2304xi32>
    %max3A_942 = arith.maxsi %max3A_941, %add3A_938 : vector<1x2304xi32>
    %min3A_943 = vector.broadcast %jit3A_940 : i32 to vector<1x2304xi32>
    %min3A_944 = arith.minsi %min3A_943, %max3A_942 : vector<1x2304xi32>
    %sub3A_945 = arith.subi %min3A_944, %select_n3A_926 : vector<1x2304xi32>
    %add3A_946 = arith.addi %select_n3A_926, %convert_element_type3A_937 : vector<1x2304xi32>
    %add3A_947 = arith.constant 1 : i32
    %add3A_948 = vector.broadcast %add3A_947 : i32 to vector<1x2304xi32>
    %add3A_949 = arith.addi %add3A_946, %add3A_948 : vector<1x2304xi32>
    %jit3A_950 = arith.constant 0 : i32
    %jit3A_951 = arith.constant 255 : i32
    %max3A_952 = vector.broadcast %jit3A_950 : i32 to vector<1x2304xi32>
    %max3A_953 = arith.maxsi %max3A_952, %add3A_949 : vector<1x2304xi32>
    %min3A_954 = vector.broadcast %jit3A_951 : i32 to vector<1x2304xi32>
    %min3A_955 = arith.minsi %min3A_954, %max3A_953 : vector<1x2304xi32>
    %sub3A_956 = arith.subi %min3A_955, %select_n3A_926 : vector<1x2304xi32>
    %eq3A_957 = arith.constant 0 : i32
    %eq3A_958 = vector.broadcast %eq3A_957 : i32 to vector<1x2304xi32>
    %eq3A_959 = arith.cmpi eq, %sub3A_945, %eq3A_958 : vector<1x2304xi32>
    %sub3A_960 = arith.constant 1.000000e+00 : f32
    %sub3A_961 = vector.broadcast %sub3A_960 : f32 to vector<1x2304xf32>
    %sub3A_962 = arith.subf %sub3A_961, %sub3A_936 : vector<1x2304xf32>
    %jit3A_963 = arith.constant 0.000000e+00 : f32
    %broadcast_in_dim3A_964 = vector.broadcast %jit3A_963 : f32 to vector<1x2304xf32>
    %select_n3A_965 = arith.select %eq3A_959, %sub3A_962, %broadcast_in_dim3A_964 : vector<1x2304xi1>, vector<1x2304xf32>
    %eq3A_966 = arith.constant 0 : i32
    %eq3A_967 = vector.broadcast %eq3A_966 : i32 to vector<1x2304xi32>
    %eq3A_968 = arith.cmpi eq, %sub3A_956, %eq3A_967 : vector<1x2304xi32>
    %jit3A_969 = arith.constant 0.000000e+00 : f32
    %broadcast_in_dim3A_970 = vector.broadcast %jit3A_969 : f32 to vector<1x2304xf32>
    %select_n3A_971 = arith.select %eq3A_968, %sub3A_936, %broadcast_in_dim3A_970 : vector<1x2304xi1>, vector<1x2304xf32>
    %add3A_972 = arith.addf %select_n3A_965, %select_n3A_971 : vector<1x2304xf32>
    %get3A_973 = arith.constant 0 : index
    %get3A_974 = arith.constant 48 : index
    %get3A_975 = vector.load %arg8[%get3A_973, %get3A_974] : memref<48x2400xf32, #tpu.memory_space<vmem>>, vector<48x2304xf32>
    %mul3A_976 = vector.broadcast %add3A_972 : vector<1x2304xf32> to vector<48x2304xf32>
    %mul3A_977 = arith.mulf %mul3A_976, %get3A_975 : vector<48x2304xf32>
    %add3A_978 = arith.addf %add3A_873, %mul3A_977 : vector<48x2304xf32>
    %jit3A_979 = arith.constant 9 : i32
    %eq3A_980 = arith.constant 0 : i32
    %eq3A_981 = arith.cmpi eq, %jit3A_979, %eq3A_980 : i32
    %jit3A_982 = arith.constant 1 : i32
    %select_n3A_983 = arith.select %eq3A_981, %jit3A_982, %jit3A_979 : i32
    %rem3A_984 = vector.broadcast %select_n3A_983 : i32 to vector<1x2304xi32>
    %rem3A_985 = arith.remsi %iota3A_32, %rem3A_984 : vector<1x2304xi32>
    %ne3A_986 = arith.constant 0 : i32
    %ne3A_987 = vector.broadcast %ne3A_986 : i32 to vector<1x2304xi32>
    %ne3A_988 = arith.cmpi ne, %rem3A_985, %ne3A_987 : vector<1x2304xi32>
    %lt3A_989 = arith.constant 0 : i32
    %lt3A_990 = vector.broadcast %lt3A_989 : i32 to vector<1x2304xi32>
    %lt3A_991 = arith.cmpi slt, %rem3A_985, %lt3A_990 : vector<1x2304xi32>
    %lt3A_992 = arith.constant 0 : i32
    %lt3A_993 = arith.cmpi slt, %select_n3A_983, %lt3A_992 : i32
    %ne3A_994 = vector.broadcast %lt3A_993 : i1 to vector<1x2304xi1>
    %ne3A_995 = vector.broadcast %ne3A_994 : vector<1x2304xi1> to vector<1x2304xi1>
    %ne3A_996 = arith.xori %lt3A_991, %ne3A_995 : vector<1x2304xi1>
    %and3A_997 = arith.andi %ne3A_996, %ne3A_988 : vector<1x2304xi1>
    %add3A_998 = vector.broadcast %select_n3A_983 : i32 to vector<1x2304xi32>
    %add3A_999 = arith.addi %rem3A_985, %add3A_998 : vector<1x2304xi32>
    %select_n3A_1000 = arith.select %and3A_997, %add3A_999, %rem3A_985 : vector<1x2304xi1>, vector<1x2304xi32>
    %jit3A_1001 = arith.constant 9 : i32
    %div3A_1002 = vector.broadcast %jit3A_1001 : i32 to vector<1x2304xi32>
    %div3A_1003 = arith.divsi %iota3A_32, %div3A_1002 : vector<1x2304xi32>
    %sign3A_1004 = arith.constant 0 : i32
    %sign3A_1005 = vector.broadcast %sign3A_1004 : i32 to vector<1x2304xi32>
    %sign3A_1006 = arith.cmpi sgt, %iota3A_32, %sign3A_1005 : vector<1x2304xi32>
    %sign3A_1007 = arith.extui %sign3A_1006 : vector<1x2304xi1> to vector<1x2304xi32>
    %sign3A_1008 = arith.constant 0 : i32
    %sign3A_1009 = vector.broadcast %sign3A_1008 : i32 to vector<1x2304xi32>
    %sign3A_1010 = arith.cmpi slt, %iota3A_32, %sign3A_1009 : vector<1x2304xi32>
    %sign3A_1011 = arith.extui %sign3A_1010 : vector<1x2304xi1> to vector<1x2304xi32>
    %sign3A_1012 = arith.subi %sign3A_1007, %sign3A_1011 : vector<1x2304xi32>
    %sign3A_1013 = arith.constant 0 : i32
    %sign3A_1014 = arith.cmpi sgt, %jit3A_1001, %sign3A_1013 : i32
    %sign3A_1015 = arith.extui %sign3A_1014 : i1 to i32
    %sign3A_1016 = arith.constant 0 : i32
    %sign3A_1017 = arith.cmpi slt, %jit3A_1001, %sign3A_1016 : i32
    %sign3A_1018 = arith.extui %sign3A_1017 : i1 to i32
    %sign3A_1019 = arith.subi %sign3A_1015, %sign3A_1018 : i32
    %ne3A_1020 = vector.broadcast %sign3A_1019 : i32 to vector<1x2304xi32>
    %ne3A_1021 = arith.cmpi ne, %sign3A_1012, %ne3A_1020 : vector<1x2304xi32>
    %rem3A_1022 = vector.broadcast %jit3A_1001 : i32 to vector<1x2304xi32>
    %rem3A_1023 = arith.remsi %iota3A_32, %rem3A_1022 : vector<1x2304xi32>
    %ne3A_1024 = arith.constant 0 : i32
    %ne3A_1025 = vector.broadcast %ne3A_1024 : i32 to vector<1x2304xi32>
    %ne3A_1026 = arith.cmpi ne, %rem3A_1023, %ne3A_1025 : vector<1x2304xi32>
    %and3A_1027 = arith.andi %ne3A_1021, %ne3A_1026 : vector<1x2304xi1>
    %sub3A_1028 = arith.constant 1 : i32
    %sub3A_1029 = vector.broadcast %sub3A_1028 : i32 to vector<1x2304xi32>
    %sub3A_1030 = arith.subi %div3A_1003, %sub3A_1029 : vector<1x2304xi32>
    %select_n3A_1031 = arith.select %and3A_1027, %sub3A_1030, %div3A_1003 : vector<1x2304xi1>, vector<1x2304xi32>
    %neg3A_1032 = arith.constant 0.000000e+00 : f32
    %neg3A_1033 = arith.subf %neg3A_1032, %get3A_0 : f32
    %sub3A_1034 = arith.constant 4 : i32
    %sub3A_1035 = vector.broadcast %sub3A_1034 : i32 to vector<1x2304xi32>
    %sub3A_1036 = arith.subi %select_n3A_1000, %sub3A_1035 : vector<1x2304xi32>
    %convert_element_type3A_1037 = arith.sitofp %sub3A_1036 : vector<1x2304xi32> to vector<1x2304xf32>
    %mul3A_1038 = vector.broadcast %neg3A_1033 : f32 to vector<1x2304xf32>
    %mul3A_1039 = arith.mulf %mul3A_1038, %convert_element_type3A_1037 : vector<1x2304xf32>
    %floor3A_1040 = math.floor %mul3A_1039 : vector<1x2304xf32>
    %sub3A_1041 = arith.subf %mul3A_1039, %floor3A_1040 : vector<1x2304xf32>
    %convert_element_type3A_1042 = arith.fptosi %floor3A_1040 : vector<1x2304xf32> to vector<1x2304xi32>
    %add3A_1043 = arith.addi %select_n3A_1031, %convert_element_type3A_1042 : vector<1x2304xi32>
    %jit3A_1044 = arith.constant 0 : i32
    %jit3A_1045 = arith.constant 255 : i32
    %max3A_1046 = vector.broadcast %jit3A_1044 : i32 to vector<1x2304xi32>
    %max3A_1047 = arith.maxsi %max3A_1046, %add3A_1043 : vector<1x2304xi32>
    %min3A_1048 = vector.broadcast %jit3A_1045 : i32 to vector<1x2304xi32>
    %min3A_1049 = arith.minsi %min3A_1048, %max3A_1047 : vector<1x2304xi32>
    %sub3A_1050 = arith.subi %min3A_1049, %select_n3A_1031 : vector<1x2304xi32>
    %add3A_1051 = arith.addi %select_n3A_1031, %convert_element_type3A_1042 : vector<1x2304xi32>
    %add3A_1052 = arith.constant 1 : i32
    %add3A_1053 = vector.broadcast %add3A_1052 : i32 to vector<1x2304xi32>
    %add3A_1054 = arith.addi %add3A_1051, %add3A_1053 : vector<1x2304xi32>
    %jit3A_1055 = arith.constant 0 : i32
    %jit3A_1056 = arith.constant 255 : i32
    %max3A_1057 = vector.broadcast %jit3A_1055 : i32 to vector<1x2304xi32>
    %max3A_1058 = arith.maxsi %max3A_1057, %add3A_1054 : vector<1x2304xi32>
    %min3A_1059 = vector.broadcast %jit3A_1056 : i32 to vector<1x2304xi32>
    %min3A_1060 = arith.minsi %min3A_1059, %max3A_1058 : vector<1x2304xi32>
    %sub3A_1061 = arith.subi %min3A_1060, %select_n3A_1031 : vector<1x2304xi32>
    %eq3A_1062 = arith.constant 1 : i32
    %eq3A_1063 = vector.broadcast %eq3A_1062 : i32 to vector<1x2304xi32>
    %eq3A_1064 = arith.cmpi eq, %sub3A_1050, %eq3A_1063 : vector<1x2304xi32>
    %sub3A_1065 = arith.constant 1.000000e+00 : f32
    %sub3A_1066 = vector.broadcast %sub3A_1065 : f32 to vector<1x2304xf32>
    %sub3A_1067 = arith.subf %sub3A_1066, %sub3A_1041 : vector<1x2304xf32>
    %jit3A_1068 = arith.constant 0.000000e+00 : f32
    %broadcast_in_dim3A_1069 = vector.broadcast %jit3A_1068 : f32 to vector<1x2304xf32>
    %select_n3A_1070 = arith.select %eq3A_1064, %sub3A_1067, %broadcast_in_dim3A_1069 : vector<1x2304xi1>, vector<1x2304xf32>
    %eq3A_1071 = arith.constant 1 : i32
    %eq3A_1072 = vector.broadcast %eq3A_1071 : i32 to vector<1x2304xi32>
    %eq3A_1073 = arith.cmpi eq, %sub3A_1061, %eq3A_1072 : vector<1x2304xi32>
    %jit3A_1074 = arith.constant 0.000000e+00 : f32
    %broadcast_in_dim3A_1075 = vector.broadcast %jit3A_1074 : f32 to vector<1x2304xf32>
    %select_n3A_1076 = arith.select %eq3A_1073, %sub3A_1041, %broadcast_in_dim3A_1075 : vector<1x2304xi1>, vector<1x2304xf32>
    %add3A_1077 = arith.addf %select_n3A_1070, %select_n3A_1076 : vector<1x2304xf32>
    %get3A_1078 = arith.constant 0 : index
    %get3A_1079 = arith.constant 57 : index
    %get3A_1080 = vector.load %arg8[%get3A_1078, %get3A_1079] : memref<48x2400xf32, #tpu.memory_space<vmem>>, vector<48x2304xf32>
    %mul3A_1081 = vector.broadcast %add3A_1077 : vector<1x2304xf32> to vector<48x2304xf32>
    %mul3A_1082 = arith.mulf %mul3A_1081, %get3A_1080 : vector<48x2304xf32>
    %add3A_1083 = arith.addf %add3A_978, %mul3A_1082 : vector<48x2304xf32>
    %jit3A_1084 = arith.constant 9 : i32
    %eq3A_1085 = arith.constant 0 : i32
    %eq3A_1086 = arith.cmpi eq, %jit3A_1084, %eq3A_1085 : i32
    %jit3A_1087 = arith.constant 1 : i32
    %select_n3A_1088 = arith.select %eq3A_1086, %jit3A_1087, %jit3A_1084 : i32
    %rem3A_1089 = vector.broadcast %select_n3A_1088 : i32 to vector<1x2304xi32>
    %rem3A_1090 = arith.remsi %iota3A_32, %rem3A_1089 : vector<1x2304xi32>
    %ne3A_1091 = arith.constant 0 : i32
    %ne3A_1092 = vector.broadcast %ne3A_1091 : i32 to vector<1x2304xi32>
    %ne3A_1093 = arith.cmpi ne, %rem3A_1090, %ne3A_1092 : vector<1x2304xi32>
    %lt3A_1094 = arith.constant 0 : i32
    %lt3A_1095 = vector.broadcast %lt3A_1094 : i32 to vector<1x2304xi32>
    %lt3A_1096 = arith.cmpi slt, %rem3A_1090, %lt3A_1095 : vector<1x2304xi32>
    %lt3A_1097 = arith.constant 0 : i32
    %lt3A_1098 = arith.cmpi slt, %select_n3A_1088, %lt3A_1097 : i32
    %ne3A_1099 = vector.broadcast %lt3A_1098 : i1 to vector<1x2304xi1>
    %ne3A_1100 = vector.broadcast %ne3A_1099 : vector<1x2304xi1> to vector<1x2304xi1>
    %ne3A_1101 = arith.xori %lt3A_1096, %ne3A_1100 : vector<1x2304xi1>
    %and3A_1102 = arith.andi %ne3A_1101, %ne3A_1093 : vector<1x2304xi1>
    %add3A_1103 = vector.broadcast %select_n3A_1088 : i32 to vector<1x2304xi32>
    %add3A_1104 = arith.addi %rem3A_1090, %add3A_1103 : vector<1x2304xi32>
    %select_n3A_1105 = arith.select %and3A_1102, %add3A_1104, %rem3A_1090 : vector<1x2304xi1>, vector<1x2304xi32>
    %jit3A_1106 = arith.constant 9 : i32
    %div3A_1107 = vector.broadcast %jit3A_1106 : i32 to vector<1x2304xi32>
    %div3A_1108 = arith.divsi %iota3A_32, %div3A_1107 : vector<1x2304xi32>
    %sign3A_1109 = arith.constant 0 : i32
    %sign3A_1110 = vector.broadcast %sign3A_1109 : i32 to vector<1x2304xi32>
    %sign3A_1111 = arith.cmpi sgt, %iota3A_32, %sign3A_1110 : vector<1x2304xi32>
    %sign3A_1112 = arith.extui %sign3A_1111 : vector<1x2304xi1> to vector<1x2304xi32>
    %sign3A_1113 = arith.constant 0 : i32
    %sign3A_1114 = vector.broadcast %sign3A_1113 : i32 to vector<1x2304xi32>
    %sign3A_1115 = arith.cmpi slt, %iota3A_32, %sign3A_1114 : vector<1x2304xi32>
    %sign3A_1116 = arith.extui %sign3A_1115 : vector<1x2304xi1> to vector<1x2304xi32>
    %sign3A_1117 = arith.subi %sign3A_1112, %sign3A_1116 : vector<1x2304xi32>
    %sign3A_1118 = arith.constant 0 : i32
    %sign3A_1119 = arith.cmpi sgt, %jit3A_1106, %sign3A_1118 : i32
    %sign3A_1120 = arith.extui %sign3A_1119 : i1 to i32
    %sign3A_1121 = arith.constant 0 : i32
    %sign3A_1122 = arith.cmpi slt, %jit3A_1106, %sign3A_1121 : i32
    %sign3A_1123 = arith.extui %sign3A_1122 : i1 to i32
    %sign3A_1124 = arith.subi %sign3A_1120, %sign3A_1123 : i32
    %ne3A_1125 = vector.broadcast %sign3A_1124 : i32 to vector<1x2304xi32>
    %ne3A_1126 = arith.cmpi ne, %sign3A_1117, %ne3A_1125 : vector<1x2304xi32>
    %rem3A_1127 = vector.broadcast %jit3A_1106 : i32 to vector<1x2304xi32>
    %rem3A_1128 = arith.remsi %iota3A_32, %rem3A_1127 : vector<1x2304xi32>
    %ne3A_1129 = arith.constant 0 : i32
    %ne3A_1130 = vector.broadcast %ne3A_1129 : i32 to vector<1x2304xi32>
    %ne3A_1131 = arith.cmpi ne, %rem3A_1128, %ne3A_1130 : vector<1x2304xi32>
    %and3A_1132 = arith.andi %ne3A_1126, %ne3A_1131 : vector<1x2304xi1>
    %sub3A_1133 = arith.constant 1 : i32
    %sub3A_1134 = vector.broadcast %sub3A_1133 : i32 to vector<1x2304xi32>
    %sub3A_1135 = arith.subi %div3A_1108, %sub3A_1134 : vector<1x2304xi32>
    %select_n3A_1136 = arith.select %and3A_1132, %sub3A_1135, %div3A_1108 : vector<1x2304xi1>, vector<1x2304xi32>
    %neg3A_1137 = arith.constant 0.000000e+00 : f32
    %neg3A_1138 = arith.subf %neg3A_1137, %get3A_0 : f32
    %sub3A_1139 = arith.constant 4 : i32
    %sub3A_1140 = vector.broadcast %sub3A_1139 : i32 to vector<1x2304xi32>
    %sub3A_1141 = arith.subi %select_n3A_1105, %sub3A_1140 : vector<1x2304xi32>
    %convert_element_type3A_1142 = arith.sitofp %sub3A_1141 : vector<1x2304xi32> to vector<1x2304xf32>
    %mul3A_1143 = vector.broadcast %neg3A_1138 : f32 to vector<1x2304xf32>
    %mul3A_1144 = arith.mulf %mul3A_1143, %convert_element_type3A_1142 : vector<1x2304xf32>
    %floor3A_1145 = math.floor %mul3A_1144 : vector<1x2304xf32>
    %sub3A_1146 = arith.subf %mul3A_1144, %floor3A_1145 : vector<1x2304xf32>
    %convert_element_type3A_1147 = arith.fptosi %floor3A_1145 : vector<1x2304xf32> to vector<1x2304xi32>
    %add3A_1148 = arith.addi %select_n3A_1136, %convert_element_type3A_1147 : vector<1x2304xi32>
    %jit3A_1149 = arith.constant 0 : i32
    %jit3A_1150 = arith.constant 255 : i32
    %max3A_1151 = vector.broadcast %jit3A_1149 : i32 to vector<1x2304xi32>
    %max3A_1152 = arith.maxsi %max3A_1151, %add3A_1148 : vector<1x2304xi32>
    %min3A_1153 = vector.broadcast %jit3A_1150 : i32 to vector<1x2304xi32>
    %min3A_1154 = arith.minsi %min3A_1153, %max3A_1152 : vector<1x2304xi32>
    %sub3A_1155 = arith.subi %min3A_1154, %select_n3A_1136 : vector<1x2304xi32>
    %add3A_1156 = arith.addi %select_n3A_1136, %convert_element_type3A_1147 : vector<1x2304xi32>
    %add3A_1157 = arith.constant 1 : i32
    %add3A_1158 = vector.broadcast %add3A_1157 : i32 to vector<1x2304xi32>
    %add3A_1159 = arith.addi %add3A_1156, %add3A_1158 : vector<1x2304xi32>
    %jit3A_1160 = arith.constant 0 : i32
    %jit3A_1161 = arith.constant 255 : i32
    %max3A_1162 = vector.broadcast %jit3A_1160 : i32 to vector<1x2304xi32>
    %max3A_1163 = arith.maxsi %max3A_1162, %add3A_1159 : vector<1x2304xi32>
    %min3A_1164 = vector.broadcast %jit3A_1161 : i32 to vector<1x2304xi32>
    %min3A_1165 = arith.minsi %min3A_1164, %max3A_1163 : vector<1x2304xi32>
    %sub3A_1166 = arith.subi %min3A_1165, %select_n3A_1136 : vector<1x2304xi32>
    %eq3A_1167 = arith.constant 2 : i32
    %eq3A_1168 = vector.broadcast %eq3A_1167 : i32 to vector<1x2304xi32>
    %eq3A_1169 = arith.cmpi eq, %sub3A_1155, %eq3A_1168 : vector<1x2304xi32>
    %sub3A_1170 = arith.constant 1.000000e+00 : f32
    %sub3A_1171 = vector.broadcast %sub3A_1170 : f32 to vector<1x2304xf32>
    %sub3A_1172 = arith.subf %sub3A_1171, %sub3A_1146 : vector<1x2304xf32>
    %jit3A_1173 = arith.constant 0.000000e+00 : f32
    %broadcast_in_dim3A_1174 = vector.broadcast %jit3A_1173 : f32 to vector<1x2304xf32>
    %select_n3A_1175 = arith.select %eq3A_1169, %sub3A_1172, %broadcast_in_dim3A_1174 : vector<1x2304xi1>, vector<1x2304xf32>
    %eq3A_1176 = arith.constant 2 : i32
    %eq3A_1177 = vector.broadcast %eq3A_1176 : i32 to vector<1x2304xi32>
    %eq3A_1178 = arith.cmpi eq, %sub3A_1166, %eq3A_1177 : vector<1x2304xi32>
    %jit3A_1179 = arith.constant 0.000000e+00 : f32
    %broadcast_in_dim3A_1180 = vector.broadcast %jit3A_1179 : f32 to vector<1x2304xf32>
    %select_n3A_1181 = arith.select %eq3A_1178, %sub3A_1146, %broadcast_in_dim3A_1180 : vector<1x2304xi1>, vector<1x2304xf32>
    %add3A_1182 = arith.addf %select_n3A_1175, %select_n3A_1181 : vector<1x2304xf32>
    %get3A_1183 = arith.constant 0 : index
    %get3A_1184 = arith.constant 66 : index
    %get3A_1185 = vector.load %arg8[%get3A_1183, %get3A_1184] : memref<48x2400xf32, #tpu.memory_space<vmem>>, vector<48x2304xf32>
    %mul3A_1186 = vector.broadcast %add3A_1182 : vector<1x2304xf32> to vector<48x2304xf32>
    %mul3A_1187 = arith.mulf %mul3A_1186, %get3A_1185 : vector<48x2304xf32>
    %add3A_1188 = arith.addf %add3A_1083, %mul3A_1187 : vector<48x2304xf32>
    %jit3A_1189 = arith.constant 9 : i32
    %eq3A_1190 = arith.constant 0 : i32
    %eq3A_1191 = arith.cmpi eq, %jit3A_1189, %eq3A_1190 : i32
    %jit3A_1192 = arith.constant 1 : i32
    %select_n3A_1193 = arith.select %eq3A_1191, %jit3A_1192, %jit3A_1189 : i32
    %rem3A_1194 = vector.broadcast %select_n3A_1193 : i32 to vector<1x2304xi32>
    %rem3A_1195 = arith.remsi %iota3A_32, %rem3A_1194 : vector<1x2304xi32>
    %ne3A_1196 = arith.constant 0 : i32
    %ne3A_1197 = vector.broadcast %ne3A_1196 : i32 to vector<1x2304xi32>
    %ne3A_1198 = arith.cmpi ne, %rem3A_1195, %ne3A_1197 : vector<1x2304xi32>
    %lt3A_1199 = arith.constant 0 : i32
    %lt3A_1200 = vector.broadcast %lt3A_1199 : i32 to vector<1x2304xi32>
    %lt3A_1201 = arith.cmpi slt, %rem3A_1195, %lt3A_1200 : vector<1x2304xi32>
    %lt3A_1202 = arith.constant 0 : i32
    %lt3A_1203 = arith.cmpi slt, %select_n3A_1193, %lt3A_1202 : i32
    %ne3A_1204 = vector.broadcast %lt3A_1203 : i1 to vector<1x2304xi1>
    %ne3A_1205 = vector.broadcast %ne3A_1204 : vector<1x2304xi1> to vector<1x2304xi1>
    %ne3A_1206 = arith.xori %lt3A_1201, %ne3A_1205 : vector<1x2304xi1>
    %and3A_1207 = arith.andi %ne3A_1206, %ne3A_1198 : vector<1x2304xi1>
    %add3A_1208 = vector.broadcast %select_n3A_1193 : i32 to vector<1x2304xi32>
    %add3A_1209 = arith.addi %rem3A_1195, %add3A_1208 : vector<1x2304xi32>
    %select_n3A_1210 = arith.select %and3A_1207, %add3A_1209, %rem3A_1195 : vector<1x2304xi1>, vector<1x2304xi32>
    %jit3A_1211 = arith.constant 9 : i32
    %div3A_1212 = vector.broadcast %jit3A_1211 : i32 to vector<1x2304xi32>
    %div3A_1213 = arith.divsi %iota3A_32, %div3A_1212 : vector<1x2304xi32>
    %sign3A_1214 = arith.constant 0 : i32
    %sign3A_1215 = vector.broadcast %sign3A_1214 : i32 to vector<1x2304xi32>
    %sign3A_1216 = arith.cmpi sgt, %iota3A_32, %sign3A_1215 : vector<1x2304xi32>
    %sign3A_1217 = arith.extui %sign3A_1216 : vector<1x2304xi1> to vector<1x2304xi32>
    %sign3A_1218 = arith.constant 0 : i32
    %sign3A_1219 = vector.broadcast %sign3A_1218 : i32 to vector<1x2304xi32>
    %sign3A_1220 = arith.cmpi slt, %iota3A_32, %sign3A_1219 : vector<1x2304xi32>
    %sign3A_1221 = arith.extui %sign3A_1220 : vector<1x2304xi1> to vector<1x2304xi32>
    %sign3A_1222 = arith.subi %sign3A_1217, %sign3A_1221 : vector<1x2304xi32>
    %sign3A_1223 = arith.constant 0 : i32
    %sign3A_1224 = arith.cmpi sgt, %jit3A_1211, %sign3A_1223 : i32
    %sign3A_1225 = arith.extui %sign3A_1224 : i1 to i32
    %sign3A_1226 = arith.constant 0 : i32
    %sign3A_1227 = arith.cmpi slt, %jit3A_1211, %sign3A_1226 : i32
    %sign3A_1228 = arith.extui %sign3A_1227 : i1 to i32
    %sign3A_1229 = arith.subi %sign3A_1225, %sign3A_1228 : i32
    %ne3A_1230 = vector.broadcast %sign3A_1229 : i32 to vector<1x2304xi32>
    %ne3A_1231 = arith.cmpi ne, %sign3A_1222, %ne3A_1230 : vector<1x2304xi32>
    %rem3A_1232 = vector.broadcast %jit3A_1211 : i32 to vector<1x2304xi32>
    %rem3A_1233 = arith.remsi %iota3A_32, %rem3A_1232 : vector<1x2304xi32>
    %ne3A_1234 = arith.constant 0 : i32
    %ne3A_1235 = vector.broadcast %ne3A_1234 : i32 to vector<1x2304xi32>
    %ne3A_1236 = arith.cmpi ne, %rem3A_1233, %ne3A_1235 : vector<1x2304xi32>
    %and3A_1237 = arith.andi %ne3A_1231, %ne3A_1236 : vector<1x2304xi1>
    %sub3A_1238 = arith.constant 1 : i32
    %sub3A_1239 = vector.broadcast %sub3A_1238 : i32 to vector<1x2304xi32>
    %sub3A_1240 = arith.subi %div3A_1213, %sub3A_1239 : vector<1x2304xi32>
    %select_n3A_1241 = arith.select %and3A_1237, %sub3A_1240, %div3A_1213 : vector<1x2304xi1>, vector<1x2304xi32>
    %neg3A_1242 = arith.constant 0.000000e+00 : f32
    %neg3A_1243 = arith.subf %neg3A_1242, %get3A_0 : f32
    %sub3A_1244 = arith.constant 4 : i32
    %sub3A_1245 = vector.broadcast %sub3A_1244 : i32 to vector<1x2304xi32>
    %sub3A_1246 = arith.subi %select_n3A_1210, %sub3A_1245 : vector<1x2304xi32>
    %convert_element_type3A_1247 = arith.sitofp %sub3A_1246 : vector<1x2304xi32> to vector<1x2304xf32>
    %mul3A_1248 = vector.broadcast %neg3A_1243 : f32 to vector<1x2304xf32>
    %mul3A_1249 = arith.mulf %mul3A_1248, %convert_element_type3A_1247 : vector<1x2304xf32>
    %floor3A_1250 = math.floor %mul3A_1249 : vector<1x2304xf32>
    %sub3A_1251 = arith.subf %mul3A_1249, %floor3A_1250 : vector<1x2304xf32>
    %convert_element_type3A_1252 = arith.fptosi %floor3A_1250 : vector<1x2304xf32> to vector<1x2304xi32>
    %add3A_1253 = arith.addi %select_n3A_1241, %convert_element_type3A_1252 : vector<1x2304xi32>
    %jit3A_1254 = arith.constant 0 : i32
    %jit3A_1255 = arith.constant 255 : i32
    %max3A_1256 = vector.broadcast %jit3A_1254 : i32 to vector<1x2304xi32>
    %max3A_1257 = arith.maxsi %max3A_1256, %add3A_1253 : vector<1x2304xi32>
    %min3A_1258 = vector.broadcast %jit3A_1255 : i32 to vector<1x2304xi32>
    %min3A_1259 = arith.minsi %min3A_1258, %max3A_1257 : vector<1x2304xi32>
    %sub3A_1260 = arith.subi %min3A_1259, %select_n3A_1241 : vector<1x2304xi32>
    %add3A_1261 = arith.addi %select_n3A_1241, %convert_element_type3A_1252 : vector<1x2304xi32>
    %add3A_1262 = arith.constant 1 : i32
    %add3A_1263 = vector.broadcast %add3A_1262 : i32 to vector<1x2304xi32>
    %add3A_1264 = arith.addi %add3A_1261, %add3A_1263 : vector<1x2304xi32>
    %jit3A_1265 = arith.constant 0 : i32
    %jit3A_1266 = arith.constant 255 : i32
    %max3A_1267 = vector.broadcast %jit3A_1265 : i32 to vector<1x2304xi32>
    %max3A_1268 = arith.maxsi %max3A_1267, %add3A_1264 : vector<1x2304xi32>
    %min3A_1269 = vector.broadcast %jit3A_1266 : i32 to vector<1x2304xi32>
    %min3A_1270 = arith.minsi %min3A_1269, %max3A_1268 : vector<1x2304xi32>
    %sub3A_1271 = arith.subi %min3A_1270, %select_n3A_1241 : vector<1x2304xi32>
    %eq3A_1272 = arith.constant 3 : i32
    %eq3A_1273 = vector.broadcast %eq3A_1272 : i32 to vector<1x2304xi32>
    %eq3A_1274 = arith.cmpi eq, %sub3A_1260, %eq3A_1273 : vector<1x2304xi32>
    %sub3A_1275 = arith.constant 1.000000e+00 : f32
    %sub3A_1276 = vector.broadcast %sub3A_1275 : f32 to vector<1x2304xf32>
    %sub3A_1277 = arith.subf %sub3A_1276, %sub3A_1251 : vector<1x2304xf32>
    %jit3A_1278 = arith.constant 0.000000e+00 : f32
    %broadcast_in_dim3A_1279 = vector.broadcast %jit3A_1278 : f32 to vector<1x2304xf32>
    %select_n3A_1280 = arith.select %eq3A_1274, %sub3A_1277, %broadcast_in_dim3A_1279 : vector<1x2304xi1>, vector<1x2304xf32>
    %eq3A_1281 = arith.constant 3 : i32
    %eq3A_1282 = vector.broadcast %eq3A_1281 : i32 to vector<1x2304xi32>
    %eq3A_1283 = arith.cmpi eq, %sub3A_1271, %eq3A_1282 : vector<1x2304xi32>
    %jit3A_1284 = arith.constant 0.000000e+00 : f32
    %broadcast_in_dim3A_1285 = vector.broadcast %jit3A_1284 : f32 to vector<1x2304xf32>
    %select_n3A_1286 = arith.select %eq3A_1283, %sub3A_1251, %broadcast_in_dim3A_1285 : vector<1x2304xi1>, vector<1x2304xf32>
    %add3A_1287 = arith.addf %select_n3A_1280, %select_n3A_1286 : vector<1x2304xf32>
    %get3A_1288 = arith.constant 0 : index
    %get3A_1289 = arith.constant 75 : index
    %get3A_1290 = vector.load %arg8[%get3A_1288, %get3A_1289] : memref<48x2400xf32, #tpu.memory_space<vmem>>, vector<48x2304xf32>
    %mul3A_1291 = vector.broadcast %add3A_1287 : vector<1x2304xf32> to vector<48x2304xf32>
    %mul3A_1292 = arith.mulf %mul3A_1291, %get3A_1290 : vector<48x2304xf32>
    %add3A_1293 = arith.addf %add3A_1188, %mul3A_1292 : vector<48x2304xf32>
    %swap3A_1294 = arith.constant 0 : index
    %swap3A_1295 = arith.constant 0 : index
    %swap3A_1296 = arith.constant 0 : index
    %swap3A_1297 = arith.constant 0 : index
    %swap3A_1298 = vector.load %arg6[%swap3A_1294, %swap3A_1295, %swap3A_1296, %swap3A_1297] : memref<1x1x48x2304xf32, #tpu.memory_space<vmem>>, vector<1x1x48x2304xf32>
    %swap3A_1299 = vector.shape_cast %swap3A_1298 : vector<1x1x48x2304xf32> to vector<48x2304xf32>
    %swap3A_1300 = vector.shape_cast %add3A_1293 : vector<48x2304xf32> to vector<1x1x48x2304xf32>
    tpu.vector_store %arg6[%swap3A_1294, %swap3A_1295, %swap3A_1296, %swap3A_1297], %swap3A_1300 {strides = array<i32>} : memref<1x1x48x2304xf32, #tpu.memory_space<vmem>>, vector<1x1x48x2304xf32>,
    return
  }
  func.func @transform_0(%arg0: i32, %arg1: i32) -> i32 {
    %c0_i32 = arith.constant 0 : i32
    %c0_i32_0 = arith.constant 0 : i32
    return %c0_i32 : i32
  }
  func.func @transform_1(%arg0: i32, %arg1: i32) -> (i32, i32, i32, i32) {
    %add3A = arith.constant 16 : i32
    %add3A_0 = arith.addi %add3A, %arg1 : i32
    %sub3A = arith.constant 1 : i32
    %sub3A_1 = arith.subi %add3A_0, %sub3A : i32
    %max3A = arith.constant 0 : i32
    %max3A_2 = arith.maxsi %sub3A_1, %max3A : i32
    %c0_i32 = arith.constant 0 : i32
    %c0_i32_3 = arith.constant 0 : i32
    %c0_i32_4 = arith.constant 0 : i32
    return %c0_i32, %arg0, %max3A_2, %c0_i32_3 : i32, i32, i32, i32
  }
  func.func @transform_2(%arg0: i32, %arg1: i32) -> (i32, i32, i32, i32) {
    %add3A = arith.constant 16 : i32
    %add3A_0 = arith.addi %add3A, %arg1 : i32
    %c0_i32 = arith.constant 0 : i32
    %c0_i32_1 = arith.constant 0 : i32
    %c0_i32_2 = arith.constant 0 : i32
    return %c0_i32, %arg0, %add3A_0, %c0_i32_1 : i32, i32, i32, i32
  }
  func.func @transform_3(%arg0: i32, %arg1: i32) -> (i32, i32, i32, i32) {
    %add3A = arith.constant 16 : i32
    %add3A_0 = arith.addi %add3A, %arg1 : i32
    %add3A_1 = arith.constant 1 : i32
    %add3A_2 = arith.addi %add3A_0, %add3A_1 : i32
    %min3A = arith.constant 47 : i32
    %min3A_3 = arith.minsi %add3A_2, %min3A : i32
    %c0_i32 = arith.constant 0 : i32
    %c0_i32_4 = arith.constant 0 : i32
    %c0_i32_5 = arith.constant 0 : i32
    return %c0_i32, %arg0, %min3A_3, %c0_i32_4 : i32, i32, i32, i32
  }
  func.func @transform_4(%arg0: i32, %arg1: i32) -> (i32, i32, i32, i32) {
    %add3A = arith.constant 16 : i32
    %add3A_0 = arith.addi %add3A, %arg1 : i32
    %c0_i32 = arith.constant 0 : i32
    %c0_i32_1 = arith.constant 0 : i32
    %c0_i32_2 = arith.constant 0 : i32
    return %c0_i32, %arg0, %add3A_0, %c0_i32_1 : i32, i32, i32, i32
  }
}

</mosaic_0001>

<sc_bundles>
// kernel: kernel.4.cloned.1.call-start
scs
__scs_entry_jumppad:
0x0: {  	(pc) =	sbr.rel $0x88, $3  }
0x1: {  	(tag) =	ssettag $0x0;
	lr =	simm.s32 $0x1  }
0x2: {  	[smem:$0x3F9F] =	sst lr;
	_ =	strace $0xD0000000  }
0x3: {  	_ = 	snop  }
0x4: {  	_ = 	snop  }
0x5: {  	_ = 	snop  }
0x6: {  	_ = 	snop  }
0x7: {  	_ = 	snop  }
__scs_overlays_trampoline_lowered:
0x8: {  	[smem:$0x3FAE] =	sst s0  }
0x9: {  	[smem:$0x3FAF] =	sst s1  }
0xa: {  	[smem:$0x3FB0] =	sst s2  }
0xb: {  	[smem:$0x3FB1] =	sst s3  }
0xc: {  	[smem:$0x3FB2] =	sst s4  }
0xd: {  	[smem:$0x3FB3] =	sst s5  }
0xe: {  	[smem:$0x3FB4] =	sst s6  }
0xf: {  	[smem:$0x3FB5] =	sst s7  }
0x10: {  	[smem:$0x3FB6] =	sst s8  }
0x11: {  	[smem:$0x3FB7] =	sst s9;
	s0 =	simm.s32 @!p0 $0x0  }
0x12: {  	s1 =	sld [smem:$0x3F9D];
	s0 =	simm.s32 @p0 $0x1  }
0x13: {  	[smem:$0x3FB8] =	sst s0;
	s0 =	simm.s32 @!p1 $0x0  }
0x14: {  	s2 =	sld [smem:$0x3F9C];
	s0 =	simm.s32 @p1 $0x1  }
0x15: {  	[smem:$0x3FB9] =	sst s0;
	s0 =	simm.s32 @!p2 $0x0  }
0x16: {  	s3 =	sld [smem:$0x3FDB];
	s0 =	simm.s32 @p2 $0x1  }
0x17: {  	s4 =	simm.s32 $0x1BF5;
	[smem:$0x3FBB] =	sst s0  }
0x18: {  	s0 =	sld [smem:$0x3F9E];
	_ =	swait.ge [sflag:s4], $0x0  }
0x19: {  	s7 =	sld [smem:$0x3F9F]  }
0x1a: {  	s8 =	sadd.s32 $0xFFFFE003, lr  }
0x1b: {  	s9 =	sadd.s32 $0xFFFFFEF7, lr;
	s5 =	simm.s32 $0xFFFFFFFF;
	p2 =	slt.u32 s8, $0xFFFFF086  }
0x1c: {  	p1 =	slt.u32 s9, $0xF7A;
	s5 =	simm.s32 @!p2 $0x0  }
0x1d: {  	s5 =	simm.s32 @p1 $0x1;
	p0 =	seq.s32 s7, s2  }
0x1e: {  	s7 =	smul.u32 @!p0 $0xF7A, s2;
	p2 =	seq.s32 @!p0 s5, $0x0  }
0x1f: {  	s9 =	smul.u32 $0xF7A, s1;
	s8 =	simm.s32 @!p0 $0x1BF5;
	p2 =	por !p2, p0  }
0x20: {  	[sflag:s8] =	ssyncset.s32 @!p0 $0xFFFFF086;
	s6 =	sadd.s32 @!p0 s3, s7;
	s7 =	simm.s32 @!p0 $0x108  }
0x21: {  	s3 =	sadd.s32 s3, s9;
	s6 =	sadd.s32 @!p0 $0x88, s6;
	s7 =	simm.s32 @p2 $0x1082  }
0x22: {  	[simem:s7], [sflag:s8] =	dma.local @!p0 [hbm:s6], $0xF7A  }
0x23: {  	s9 =	sor.u32 $0xD0000000, s2;
	s6 =	simm.s32 $0x108;
	_ =	swait.ge @!p0 [sflag:s8], $0x0  }
0x24: {  	s3 =	sadd.s32 $0x88, s3;
	s6 =	simm.s32 @!p1 $0x1082;
	[sflag:s4] =	ssyncset.s32 $0xFFFFF086  }
0x25: {  	[simem:s6], [sflag:s4] =	dma.local [hbm:s3], $0xF7A  }
0x26: {  	[smem:$0x3F9F] =	sst s1;
	(tag) =	ssettag s2;
	_ =	strace s9  }
0x27: {  	s1 =	sld [smem:$0x3FAF]  }
0x28: {  	s2 =	sld [smem:$0x3FB0]  }
0x29: {  	s4 =	sld [smem:$0x3FB2]  }
0x2a: {  	p0 =	seq.s32 s5, $0x0;
	s5 =	sld [smem:$0x3FB3]  }
0x2b: {  	s6 =	sld [smem:$0x3FB4]  }
0x2c: {  	s7 =	sld [smem:$0x3FB5]  }
0x2d: {  	s3 =	simm.s32 $0x108;
	s8 =	sld [smem:$0x3FB6]  }
0x2e: {  	s3 =	simm.s32 @!p0 $0x1082;
	s9 =	sld [smem:$0x3FB7]  }
0x2f: {  	lr =	sadd.s32 s0, s3;
	s0 =	sld [smem:$0x3FAE]  }
0x30: {  	s3 =	sld [smem:$0x3FB1]  }
0x31: {  	[smem:$0x3FBA] =	sst s10  }
0x32: {  	s10 =	sld [smem:$0x3FB8];
	_ =	sdelay $0x3  }
0x33: {  	p0 =	seq.s32 s10, $0x1;
	s10 =	sld [smem:$0x3FBA];
	_ =	sdelay $0x3  }
0x34: {  	[smem:$0x3FBA] =	sst s10  }
0x35: {  	s10 =	sld [smem:$0x3FB9];
	_ =	sdelay $0x3  }
0x36: {  	p1 =	seq.s32 s10, $0x1;
	s10 =	sld [smem:$0x3FBA];
	_ =	sdelay $0x3  }
0x37: {  	[smem:$0x3FBA] =	sst s10  }
0x38: {  	s10 =	sld [smem:$0x3FBB]  }
0x39: {  	_ = 	snop;
	(pc) =	sbr.ind lr, $3  }
0x3a: {  	_ = 	snop  }
0x3b: {  	_ = 	snop  }
0x3c: {  	p2 =	seq.s32 s10, $0x1;
	s10 =	sld [smem:$0x3FBA]  }
0x3d: {  	_ =	shalt  }
0x3e: {  	_ =	shalt  }
0x3f: {  	_ =	shalt  }
0x40: {  	_ =	shalt  }
0x41: {  	_ =	shalt  }
0x42: {  	_ =	shalt  }
0x43: {  	_ =	shalt  }
0x44: {  	_ =	shalt  }
0x45: {  	_ =	shalt  }
0x46: {  	_ =	shalt  }
0x47: {  	_ =	shalt  }
0x48: {  	_ =	shalt  }
0x49: {  	_ =	shalt  }
0x4a: {  	_ =	shalt  }
0x4b: {  	_ =	shalt  }
0x4c: {  	_ =	shalt  }
0x4d: {  	_ =	shalt  }
0x4e: {  	_ =	shalt  }
0x4f: {  	_ =	shalt  }
0x50: {  	_ =	shalt  }
0x51: {  	_ =	shalt  }
0x52: {  	_ =	shalt  }
0x53: {  	_ =	shalt  }
0x54: {  	_ =	shalt  }
0x55: {  	_ =	shalt  }
0x56: {  	_ =	shalt  }
0x57: {  	_ =	shalt  }
0x58: {  	_ =	shalt  }
0x59: {  	_ =	shalt  }
0x5a: {  	_ =	shalt  }
0x5b: {  	_ =	shalt  }
0x5c: {  	_ =	shalt  }
0x5d: {  	_ =	shalt  }
0x5e: {  	_ =	shalt  }
0x5f: {  	_ =	shalt  }
0x60: {  	_ =	shalt  }
0x61: {  	_ =	shalt  }
0x62: {  	_ =	shalt  }
0x63: {  	_ =	shalt  }
0x64: {  	_ =	shalt  }
0x65: {  	_ =	shalt  }
0x66: {  	_ =	shalt  }
0x67: {  	_ =	shalt  }
0x68: {  	_ =	shalt  }
0x69: {  	_ =	shalt  }
0x6a: {  	_ =	shalt  }
0x6b: {  	_ =	shalt  }
0x6c: {  	_ =	shalt  }
0x6d: {  	_ =	shalt  }
0x6e: {  	_ =	shalt  }
0x6f: {  	_ =	shalt  }
0x70: {  	_ =	shalt  }
0x71: {  	_ =	shalt  }
0x72: {  	_ =	shalt  }
0x73: {  	_ =	shalt  }
0x74: {  	_ =	shalt  }
0x75: {  	_ =	shalt  }
0x76: {  	_ =	shalt  }
0x77: {  	_ =	shalt  }
0x78: {  	_ =	shalt  }
0x79: {  	_ =	shalt  }
0x7a: {  	_ =	shalt  }
0x7b: {  	_ =	shalt  }
0x7c: {  	_ =	shalt  }
0x7d: {  	_ =	shalt  }
0x7e: {  	_ =	shalt  }
0x7f: {  	_ =	shalt  }
0x80: {  	_ =	shalt  }
0x81: {  	_ =	shalt  }
0x82: {  	_ =	shalt  }
0x83: {  	_ =	shalt  }
0x84: {  	_ =	shalt  }
0x85: {  	_ =	shalt  }
0x86: {  	_ =	shalt  }
0x87: {  	_ =	shalt  }
.Lfunc_end0:
.L_simem_size_0:
called_computation_lowered:
.L_overlay_start_0:
0x88: {  	s2 =	sld [smem:$0x3FD9]  }
0x89: {  	s3 =	sld [smem:$0x3FFE];
	_ =	sdelay $0x1  }
0x8a: {  	s1 =	srdreg.scid  }
0x8b: {  	s0 =	sand.u32 $0x1, s1  }
0x8c: {  	s17 =	sshll.u32 s0, $0xA;
	s2 =	sadd.s32 s3, s2  }
0x8d: {  	s2 =	sadd.s32 s2, s17  }
0x8e: {  	[smem:$0x3FC6] =	sst s2  }
0x8f: {  	_ = 	snop  }
0x90: {  	s2 =	sld [smem:$0x3FC9];
	(tm) =	ssettm $0x1  }
0x91: {  	s18 =	sld [smem:$0x3FFB];
	_ =	sdelay $0x3  }
0x92: {  	_ =	strace s18  }
0x93: {  	s3 =	sld [smem:$0x3FFC];
	_ =	sdelay $0x3  }
0x94: {  	_ =	strace s3  }
0x95: {  	s3 =	sld [smem:$0x3FFD];
	_ =	sdelay $0x3  }
0x96: {  	_ =	strace s3  }
0x97: {  	_ =	strace $0x8FFFFFFF  }
0x98: {  	s19 =	sld [smem:$0x3FDB];
	_ =	sdelay $0x1  }
0x99: {  	s4 =	simm.s32 $_scs_section_size  }
0x9a: {  	s5 =	simm.s32 $_size__tile_overlayer_lowered;
	s6 =	simm.s32 $_tile_overlayer_lowered  }
0x9b: {  	s22 =	simm.s32 $0x1BFF;
	s21 =	sshll.u32 s6, $0x1;
	s3 =	sadd.s32 s4, s19  }
0x9c: {  	s7 =	simm.s32 $0x0;
	s20 =	sshll.u32 s5, $0x1;
	s5 =	sadd.s32 s21, s3  }
0x9d: {  	[timem:s7], [sflag:s22] =	dma.local [hbm:s5], s20  }
0x9e: {  	_ =	swait.ge [sflag:s22], s20  }
0x9f: {  	s4 =	ssub.s32 $0x0, s20;
	[sflag:s22] =	ssyncset.done $0x0  }
0xa0: {  	[sflag:s22] =	ssyncadd.s32 s4;
	_ =	sdelay $0x1  }
0xa1: {  	s23 =	simm.s32 $0x1B8B  }
0xa2: {  	_ =	swait.ge [sflag:s23], $0x1  }
0xa3: {  	[sflag:s23] =	ssyncset.done $0x0  }
0xa4: {  	s25 =	simm.s32 $0x1B8E;
	s24 =	sld [smem:$0x3FFE];
	[sflag:s23] =	ssyncadd.s32 $0xFFFFFFFF  }
0xa5: {  	s26 =	simm.s32 $execute0_lowered;
	[smem:$0x3FD2] =	sst s25  }
0xa6: {  	s5 =	sshll.u32 s26, $0x1;
	_ =	strace $0x80000046;
	[dreg:$0x1] =	wrdreg $0xFFFFFFFF  }
0xa7: {  	s28 =	simm.s32 $_size_execute0_lowered;
	s3 =	sadd.s32 s3, s5;
	[dreg:$0x0] =	wrdreg $0x0  }
0xa8: {  	s5 =	sshll.u32 s28, $0x1;
	[dreg:$0x2] =	wrdreg s3  }
0xa9: {  	[dreg:$0x3] =	wrdreg s5  }
0xaa: {  	[dreg:$0x4] =	wrdreg $0xC0  }
0xab: {  	_ =	task [dreg:s7], $0x5FFFF  }
0xac: {  	[dreg:$0x1] =	wrdreg $0xFFFFFFFF  }
0xad: {  	[dreg:$0x0] =	wrdreg $0x60  }
0xae: {  	[dreg:$0x2] =	wrdreg s2  }
0xaf: {  	[dreg:$0x3] =	wrdreg s24  }
0xb0: {  	[dreg:$0x4] =	wrdreg $0x9  }
0xb1: {  	_ =	task.clear_ibuf [dreg:s7], $0x5FFFF;
	_ =	strace $0x90000046  }
0xb2: {  	s29 =	simm.s32 $0x9;
	_ =	strace $0x80000048  }
0xb3: {  	_ =	swait.ge [sflag:s29], $0x1  }
0xb4: {  	[sflag:s29] =	ssyncadd.s32 $0xFFFFFFFF  }
0xb5: {  	_ =	strace $0x90000048  }
0xb6: {  	_ =	sfence  }
0xb7: {  	s30 =	sld [smem:$0x0];
	_ =	sdelay $0x2  }
0xb8: {  	s31 =	sshll.u32 s1, $0xD;
	s1 =	sshrl.u32 s1, $0x2  }
0xb9: {  	s3 =	sand.u32 $0x4000, s31;
	s1 =	sadd.s32 s1, s30  }
0xba: {  	s0 =	sor.u32 s3, s0;
	s1 =	sshll.u32 s1, $0x11  }
0xbb: {  	s0 =	sor.u32 s1, s0  }
0xbc: {  	s0 =	sadd.s32 $0x8F2B, s0  }
0xbd: {  	[sflag:s0] =	ssyncadd.remote.s32 $0x1  }
0xbe: {  	_ =	sfence.sel $0xFFFF  }
0xbf: {  	[dreg:$0x0] =	wrdreg $0xFFFFFFFF;
	(pc) =	sbr.abs _section_cstart, $3  }
0xc0: {  	[dreg:$0x1] =	wrdreg $0xFFFFFFFF  }
0xc1: {  	_ =	task.clear_ibuf [dreg:s7], $0x2FFFF;
	_ =	strace $0x9FFFFFFF  }
0xc2: {  	(tm) =	ssettm $0x7FFFFFFF  }
0xc3: {  	_ =	shalt  }
tec
execute0_lowered:
.L_overlay_start_1:
0x0: {  	(tag) =	ssettag $0x1  }
0x1: {  	s0 =	srdreg.scid  }
0x2: {  	s0 =	sand.u32 $0x1, s0  }
0x3: {  	s2 =	stileid.u32;
	s1 =	sshll.u32 s0, $0x4  }
0x4: {  	s1 =	sor.u32 s2, s1  }
0x5: {  	s1 =	smul.u32 $0x48, s1;
	_ =	sdelay $0x1  }
0x6: {  	v0 =	vmov s1  }
0x7: {  	v2 =	vbroadcast v0, $0x0;
	v0 =	vlaneseq.u32  }
0x8: {  	v1 =	vand.u32 $0x7, v0  }
0x9: {  	v3 =	vor.u32 v1, v2  }
0xa: {  	v4 =	vmulhi.u32 $0xAAAAAAAB, v3;
	_ =	sdelay $0x1  }
0xb: {  	v4 =	vshrl.u32 v4, $0x9  }
0xc: {  	vm0 =	vmmov $0xff;
	v4 =	vmul.u32 $0x300, v4  }
0xd: {  	s3 =	rddreg [dreg:$0x0];
	vm1 =	vmmov $0xffff;
	v9 =	vimm.s32 $0x1;
	v10 =	vimm.s32 $0x2  }
0xe: {  	s28 =	rddreg [dreg:$0x1];
	s4 =	simm.s32 $0x0;
	s19 =	simm.s32 $0x2680;
	v11 =	vimm.s32 $0x3;
	v12 =	vimm.s32 $0x4;
	v3 =	vsub.s32 v3, v4  }
0xf: {  	s21 =	simm.s32 $0xB680;
	v13 =	vimm.s32 $0x5;
	v14 =	vimm.s32 $0x6;
	s22 =	simm.s32 $0x1;
	s24 =	simm.s32 $0x2;
	v4 =	vand.u32 $0xFFFF, v3  }
0x10: {  	v15 =	vimm.s32 $0x7;
	v16 =	vimm.s32 $0x8;
	[smem:$0x7FF] =	sst s4;
	s5 =	sadd.s32 $0x600, s28;
	s6 =	sadd.s32 $0x800, s28;
	v4 =	vmulhi.u32 $0x1C71C71D, v4  }
0x11: {  	v17 =	vimm.s32 $0x9;
	v18 =	vimm.s32 $0xA;
	v19 =	vimm.s32 $0xB;
	s7 =	sadd.s32 $0x100, s3;
	s8 =	sadd.s32 $0x200, s3;
	s0 =	ssub.s32 $0x2, s0  }
0x12: {  	v20 =	vimm.s32 $0xC;
	s9 =	sadd.s32 $0x300, s3;
	s10 =	sadd.s32 $0x400, s3;
	s29 =	sshrl.u32 s0, $0x1;
	v2 =	vmulhi.u32 $0xAAAAAAAB, v2;
	v5 =	vmul.u32 $0xFFF7, v4  }
.Ltmp0:
0x13: {  	v21 =	vimm.s32 $0xD;
	v22 =	vimm.s32 $0xE;
	v23 =	vimm.s32 $0xF;
	s11 =	sadd.s32 $0x500, s3;
	s0 =	ssub.s32 s0, s29;
	(pc) =	sbr.rel .LBB2_1-.Ltmp0, $4  }
0x14: {  	_ =	strace $0x80000047;
	[dreg:$0x3] =	wrdreg s5;
	s0 =	smax.u32 s0, $0x1;
	v8 =	vor.u32 $0x8, v0;
	v3 =	vadd.s32 v3, v5;
	v5 =	vshrl.u32 v2, $0x9  }
0x15: {  	s12 =	sadd.s32 $0x600, s3;
	s30 =	sadd.s32 $0x10, s1;
	[dreg:$0x6] =	wrdreg s0;
	v2 =	vshrl.u32 v0, $0x3;
	v6 =	vand.u32 $0xFFFF, v3;
	v5 =	vmul.u32 $0x900, v5  }
0x16: {  	s13 =	sadd.s32 $0x700, s3;
	s31 =	sshrl.u32 s1, $0x3;
	[dreg:$0x4] =	wrdreg s30;
	v4 =	vadd.s32 v2, v4;
	v7 =	vmul.u32 $0x8, v2;
	v3 =	vsub.s32 $0x4, v6  }
0x17: {  	s14 =	sadd.s32 $0x800, s3;
	s5 =	simm.s32 $0x0;
	[dreg:$0x5] =	wrdreg s31;
	v3 =	vcvt.s32.f32 v3;
	v5 =	vor.u32 v6, v5;
	v6 =	vimm.s32 $0x0  }
.LBB2_13:
0x18: {  	s0 =	simm.s32 $0x3  }
0x19: {  	_ =	swait.ge [sflag:s0], $0x4800  }
0x1a: {  	[sflag:s0] =	ssyncset.done $0x0  }
0x1b: {  	s2 =	simm.s32 $0x4;
	[sflag:s0] =	ssyncadd.s32 $0xFFFFB800  }
0x1c: {  	_ =	swait.ge [sflag:s2], $0x4800  }
0x1d: {  	s5 =	rddreg [dreg:$0x7]  }
0x1e: {  	s31 =	rddreg [dreg:$0x6];
	s5 =	sadd.s32 $0x1, s5  }
0x1f: {  	p0 =	sne.s32 s5, s31  }
.Ltmp1:
0x20: {  	_ = 	snop;
	(pc) =	sbr.rel @!p0 .LBB2_14-.Ltmp1, $3  }
0x21: {  	_ =	sdelay $0x1  }
0x22: {  	[sflag:s2] =	ssyncset.done $0x0  }
0x23: {  	[sflag:s2] =	ssyncadd.s32 $0xFFFFB800  }
.LBB2_1:
0x24: {  	[dreg:$0x7] =	wrdreg s5  }
0x25: {  	v25 =	vor.u32 s4, v0;
	s0 =	rddreg [dreg:$0x3];
	s29 =	simm.s32 $0x5  }
0x26: {  	[tilespmem:s4], [sflag:$0x5] =	stream.linear.gather [hbm4b:s0+s4], $0x80, $0x38;
	v24 =	vmulhi.u32 $0x38E38E39, v25;
	[tilespmem:$0x1D680] =	vst v63  }
0x27: {  	_ =	swait.ge [sflag:s29], $0x80  }
0x28: {  	[sflag:s29] =	ssyncset.done $0x0;
	v27 =	vshrl.u32 v24, $0x1  }
0x29: {  	[sflag:s29] =	ssyncadd.s32 $0xFFFFFF80;
	v26 =	vmul.u32 $0xFFFFFFF7, v27  }
0x2a: {  	v24 =	vld [tilespmem:$0x0]  }
0x2b: {  	v31 =	vadd.s32 v25, v26  }
0x2c: {  	v25 =	vsub.s32 $0x4, v31  }
0x2d: {  	v25 =	vcvt.s32.f32 v25  }
0x2e: {  	s30 =	simm.s32 $0x10  }
0x2f: {  	v28 =	vor.u32 s30, v0;
	v29 =	vmul.f32 v25, v24  }
0x30: {  	v25 =	vmulhi.u32 $0x38E38E39, v28  }
0x31: {  	v30 =	vtrunc.f32 v29  }
0x32: {  	v26 =	vshrl.u32 v25, $0x1;
	v25 =	vcvt.f32.s32 v30;
	vm2 =	vlt.f32 v29, v30  }
0x33: {  	v30 =	vmul.u32 $0xFFFFFFF7, v26;
	v32 =	vsel vm2, $0xFFFFFFFF, v6  }
0x34: {  	v32 =	vadd.s32 v25, v32  }
0x35: {  	v25 =	vadd.s32 v28, v30;
	v27 =	vadd.s32 v27, v32  }
0x36: {  	v28 =	vsub.s32 $0x4, v25;
	vm2 =	vgt.s32 v27, $0x0  }
0x37: {  	v30 =	vadd.s32 $0x1, v27;
	v28 =	vcvt.s32.f32 v28;
	v27 =	vnsel vm2, $0x0, v27  }
0x38: {  	s31 =	simm.s32 $0x20;
	v32 =	vcvt.s32.f32 v32;
	vm2 =	vgt.s32 v30, $0x0;
	v27 =	vmin.u32 v27, $0xFF  }
0x39: {  	v33 =	vnsel vm2, $0x0, v30;
	v30 =	vor.u32 s31, v0;
	v28 =	vmul.f32 v28, v24  }
0x3a: {  	v34 =	vmul.u32 $0x9, v27;
	v35 =	vmulhi.u32 $0x38E38E39, v30;
	v33 =	vmin.u32 v33, $0xFF  }
0x3b: {  	v27 =	vsub.f32 v29, v32;
	v29 =	vtrunc.f32 v28;
	v60 =	vmul.u32 $0x9, v33  }
0x3c: {  	s15 =	simm.s32 $0x80;
	v61 =	vadd.s32 v31, v34;
	v62 =	vcvt.f32.s32 v29;
	vm2 =	vlt.f32 v28, v29  }
0x3d: {  	s5 =	simm.s32 $0x980;
	s17 =	simm.s32 $0x1280;
	s16 =	simm.s32 $0x1B80;
	v29 =	vshrl.u32 v35, $0x1;
	[tilespmem:s15+$0x0] =	vst v61;
	v63 =	vsel vm2, $0xFFFFFFFF, v6;
	v31 =	vadd.s32 v31, v60  }
0x3e: {  	s18 =	simm.s32 $0x30;
	s2 =	simm.s32 $0x1290;
	s0 =	simm.s32 $0x1B90;
	v33 =	vmul.u32 $0xFFFFFFF7, v29;
	v32 =	vadd.s32 v62, v63;
	[tilespmem:s5+$0x0] =	vst v31;
	v31 =	vsub.f32 $1.000000000e+00, v27  }
.LBB2_2:
0x3f: {  	s15 =	sadd.s32 $0x10, s15  }
0x40: {  	v34 =	vadd.s32 v30, v33;
	v30 =	vadd.s32 v26, v32;
	s5 =	sadd.s32 $0x10, s5;
	v26 =	vmov v29;
	s20 =	smov.u32 s18;
	s25 =	sadd.s32 $0x10, s18  }
0x41: {  	p0 =	sne.s32 s18, $0x8F0;
	v29 =	vsub.s32 $0x4, v34;
	vm2 =	vgt.s32 v30, $0x0;
	v33 =	vadd.s32 $0x1, v30;
	[tilespmem:s17+$0x0] =	vst v31;
	s17 =	smov.u32 s2  }
0x42: {  	v29 =	vcvt.s32.f32 v29;
	v30 =	vnsel vm2, $0x0, v30;
	vm2 =	vgt.s32 v33, $0x0;
	[tilespmem:s16+$0x0] =	vst v27;
	s16 =	smov.u32 s0  }
0x43: {  	v27 =	vcvt.s32.f32 v32;
	v31 =	vmin.u32 v30, $0xFF;
	v32 =	vnsel vm2, $0x0, v33  }
0x44: {  	v30 =	vor.u32 s20, v0;
	v29 =	vmul.f32 v29, v24;
	v31 =	vmul.u32 $0x9, v31  }
.Ltmp2:
0x45: {  	v33 =	vmulhi.u32 $0x38E38E39, v30;
	v27 =	vsub.f32 v28, v27;
	v36 =	vmin.u32 v32, $0xFF;
	(pc) =	sbr.rel @p0 .LBB2_2-.Ltmp2, $4  }
0x46: {  	v35 =	vmul.u32 $0x9, v36;
	v32 =	vtrunc.f32 v29;
	v31 =	vadd.s32 v25, v31;
	v28 =	vmovc v29  }
0x47: {  	v29 =	vshrl.u32 v33, $0x1;
	v36 =	vcvt.f32.s32 v32;
	vm2 =	vlt.f32 v28, v32;
	[tilespmem:s15+$0x0] =	vst v31  }
0x48: {  	v33 =	vmul.u32 $0xFFFFFFF7, v29;
	v35 =	vadd.s32 v25, v35;
	v25 =	vmovc v34;
	v31 =	vsel vm2, $0xFFFFFFFF, v6  }
0x49: {  	s2 =	sadd.s32 $0x10, s2;
	s18 =	smov.u32 s25;
	s0 =	sadd.s32 $0x10, s0;
	v32 =	vadd.s32 v36, v31;
	[tilespmem:s5+$0x0] =	vst v35;
	v31 =	vsub.f32 $1.000000000e+00, v27  }
0x4a: {  	v30 =	vadd.s32 v30, v33  }
0x4b: {  	v33 =	vsub.s32 $0x4, v30  }
0x4c: {  	v26 =	vadd.s32 v26, v32;
	v52 =	vcvt.s32.f32 v32;
	v33 =	vcvt.s32.f32 v33  }
0x4d: {  	v53 =	vmul.f32 v3, v24;
	vm2 =	vgt.s32 v26, $0x0;
	v34 =	vadd.s32 $0x1, v26  }
0x4e: {  	v26 =	vnsel vm2, $0x0, v26;
	vm2 =	vgt.s32 v34, $0x0;
	v33 =	vmul.f32 v33, v24  }
0x4f: {  	v28 =	vsub.f32 v28, v52;
	v26 =	vmin.u32 v26, $0xFF;
	v34 =	vnsel vm2, $0x0, v34  }
0x50: {  	v26 =	vmul.u32 $0x9, v26;
	v54 =	vmin.u32 v34, $0xFF;
	v35 =	vtrunc.f32 v33  }
0x51: {  	[tilespmem:s17+$0x0] =	vst v31;
	v32 =	vmul.u32 $0x9, v54;
	v36 =	vcvt.f32.s32 v35;
	vm2 =	vlt.f32 v33, v35  }
0x52: {  	v56 =	vtrunc.f32 v53;
	[tilespmem:s16+$0x0] =	vst v27;
	v27 =	vsub.f32 $1.000000000e+00, v28;
	v55 =	vsel vm2, $0xFFFFFFFF, v6  }
0x53: {  	v26 =	vadd.s32 v25, v26;
	v25 =	vadd.s32 v25, v32;
	v34 =	vadd.s32 v36, v55  }
0x54: {  	vm2 =	vlt.f32 v53, v56;
	v36 =	vcvt.f32.s32 v56;
	v29 =	vadd.s32 v29, v34  }
0x55: {  	s15 =	sadd.s32 $0x10, s15;
	v57 =	vsel vm2, $0xFFFFFFFF, v6;
	vm2 =	vgt.s32 v29, $0x0;
	v59 =	vadd.s32 $0x1, v29  }
0x56: {  	[tilespmem:s15+$0x0] =	vst v26;
	v26 =	vcvt.s32.f32 v34;
	v29 =	vnsel vm2, $0x0, v29;
	vm2 =	vgt.s32 v59, $0x0  }
0x57: {  	s5 =	sadd.s32 $0x10, s5;
	v58 =	vadd.s32 v36, v57;
	v29 =	vmin.u32 v29, $0xFF;
	v32 =	vnsel vm2, $0x0, v59  }
0x58: {  	[tilespmem:s5+$0x0] =	vst v25;
	v61 =	vadd.s32 v4, v58;
	v25 =	vmul.u32 $0x9, v29;
	v60 =	vmin.u32 v32, $0xFF  }
0x59: {  	[tilespmem:s2+$0x0] =	vst v27;
	v26 =	vsub.f32 v33, v26;
	vm2 =	vgt.s32 v61, $0x0;
	v27 =	vmul.u32 $0x9, v60  }
0x5a: {  	s15 =	sadd.s32 $0x10, s15;
	[tilespmem:s0+$0x0] =	vst v28;
	v62 =	vnsel vm2, $0x0, v61;
	v25 =	vadd.s32 v30, v25  }
0x5b: {  	s5 =	sadd.s32 $0x10, s5;
	v28 =	vmin.u32 v62, $0xFF;
	[tilespmem:s15+$0x0] =	vst v25;
	v25 =	vadd.s32 v30, v27;
	v27 =	vsub.f32 $1.000000000e+00, v26  }
0x5c: {  	s25 =	sadd.s32 $0x10, s2;
	[tilespmem:s5+$0x0] =	vst v25;
	v25 =	vmul.u32 $0x9, v28  }
0x5d: {  	s26 =	sadd.s32 $0x10, s0;
	[tilespmem:s25+$0x0] =	vst v27  }
0x5e: {  	[tilespmem:s26+$0x0] =	vst v26;
	v25 =	vadd.s32 v25, v5  }
0x5f: {  	[tilespmem:$0x2480] =	vst v25  }
0x60: {  	v25 =	vld [tilespmem:$0x2480];
	_ =	sdelay $0x4  }
0x61: {  	v26 =	vshrl.u32 v25, $0x3  }
0x62: {  	v26 =	vmul.u32 $0x90, v26  }
0x63: {  	v25 =	vand.u32 $0x7, v25  }
0x64: {  	v27 =	vcvt.s32.f32 v58;
	v25 =	vor.u32 v25, v26  }
0x65: {  	v26 =	vperm.xlane v25, v1  }
0x66: {  	v27 =	vsub.f32 v53, v27  }
0x67: {  	v26 =	vadd.s32 v7, v26  }
0x68: {  	v63 =	vsub.f32 $1.000000000e+00, v27;
	_ =	sdelay $0x1  }
0x69: {  	v27 =	vsel vm0, v63, v27  }
0x6a: {  	s25 =	simm.s32 $0x0;
	[tilespmem:$0x2580] =	vst v27  }
0x6b: {  	[tilespmem:s19], [sflag:$0x1] =	stream.indirect_vreg.gather [hbm4b:s3+s25], $0x80, v26, vm1, $0xb8;
	[tilespmem:$0x1D680] =	vst v63  }
0x6c: {  	s28 =	simm.s32 $0x2E80  }
0x6d: {  	[tilespmem:s28], [sflag:$0x1] =	stream.indirect_vreg.gather [hbm4b:s7+s25], $0x80, v26, vm1, $0xb8;
	[tilespmem:$0x1D680] =	vst v63  }
0x6e: {  	s29 =	simm.s32 $0x3680  }
0x6f: {  	[tilespmem:s29], [sflag:$0x1] =	stream.indirect_vreg.gather [hbm4b:s8+s25], $0x80, v26, vm1, $0xb8;
	[tilespmem:$0x1D680] =	vst v63  }
0x70: {  	s30 =	simm.s32 $0x3E80  }
0x71: {  	[tilespmem:s30], [sflag:$0x1] =	stream.indirect_vreg.gather [hbm4b:s9+s25], $0x80, v26, vm1, $0xb8;
	[tilespmem:$0x1D680] =	vst v63  }
0x72: {  	s31 =	simm.s32 $0x4680  }
0x73: {  	[tilespmem:s31], [sflag:$0x1] =	stream.indirect_vreg.gather [hbm4b:s10+s25], $0x80, v26, vm1, $0xb8;
	[tilespmem:$0x1D680] =	vst v63  }
0x74: {  	s2 =	simm.s32 $0x4E80  }
0x75: {  	[tilespmem:s2], [sflag:$0x1] =	stream.indirect_vreg.gather [hbm4b:s11+s25], $0x80, v26, vm1, $0xb8;
	[tilespmem:$0x1D680] =	vst v63  }
0x76: {  	s5 =	simm.s32 $0x5680;
	v25 =	vperm.xlane v25, v8  }
0x77: {  	[tilespmem:s5], [sflag:$0x1] =	stream.indirect_vreg.gather [hbm4b:s12+s25], $0x80, v26, vm1, $0xb8;
	[tilespmem:$0x1D680] =	vst v63  }
0x78: {  	s15 =	simm.s32 $0x5E80;
	v25 =	vadd.s32 v7, v25  }
0x79: {  	[tilespmem:s15], [sflag:$0x1] =	stream.indirect_vreg.gather [hbm4b:s13+s25], $0x80, v26, vm1, $0xb8;
	[tilespmem:$0x1D680] =	vst v63  }
0x7a: {  	s16 =	simm.s32 $0x6680  }
0x7b: {  	[tilespmem:s16], [sflag:$0x1] =	stream.indirect_vreg.gather [hbm4b:s14+s25], $0x80, v26, vm1, $0xb8;
	[tilespmem:$0x1D680] =	vst v63  }
0x7c: {  	s17 =	simm.s32 $0x6E80  }
0x7d: {  	[tilespmem:s17], [sflag:$0x1] =	stream.indirect_vreg.gather [hbm4b:s3+s25], $0x80, v25, vm1, $0xb8;
	[tilespmem:$0x1D680] =	vst v63  }
0x7e: {  	s18 =	simm.s32 $0x7680  }
0x7f: {  	[tilespmem:s18], [sflag:$0x1] =	stream.indirect_vreg.gather [hbm4b:s7+s25], $0x80, v25, vm1, $0xb8;
	[tilespmem:$0x1D680] =	vst v63  }
0x80: {  	s20 =	simm.s32 $0x7E80  }
0x81: {  	[tilespmem:s20], [sflag:$0x1] =	stream.indirect_vreg.gather [hbm4b:s8+s25], $0x80, v25, vm1, $0xb8;
	[tilespmem:$0x1D680] =	vst v63  }
0x82: {  	s23 =	simm.s32 $0x8680  }
0x83: {  	[tilespmem:s23], [sflag:$0x1] =	stream.indirect_vreg.gather [hbm4b:s9+s25], $0x80, v25, vm1, $0xb8;
	[tilespmem:$0x1D680] =	vst v63  }
0x84: {  	s26 =	simm.s32 $0x8E80  }
0x85: {  	[tilespmem:s26], [sflag:$0x1] =	stream.indirect_vreg.gather [hbm4b:s10+s25], $0x80, v25, vm1, $0xb8;
	[tilespmem:$0x1D680] =	vst v63  }
0x86: {  	s28 =	simm.s32 $0x9680  }
0x87: {  	[tilespmem:s28], [sflag:$0x1] =	stream.indirect_vreg.gather [hbm4b:s11+s25], $0x80, v25, vm1, $0xb8;
	[tilespmem:$0x1D680] =	vst v63  }
0x88: {  	s29 =	simm.s32 $0x9E80  }
0x89: {  	[tilespmem:s29], [sflag:$0x1] =	stream.indirect_vreg.gather [hbm4b:s12+s25], $0x80, v25, vm1, $0xb8;
	[tilespmem:$0x1D680] =	vst v63  }
.Ltmp3:
0x8a: {  	_ = 	snop;
	(pc) =	sbr.rel .LBB2_4-.Ltmp3, $4  }
0x8b: {  	s30 =	simm.s32 $0xA680  }
0x8c: {  	[tilespmem:s30], [sflag:$0x1] =	stream.indirect_vreg.gather [hbm4b:s13+s25], $0x80, v25, vm1, $0xb8;
	[tilespmem:$0x1D680] =	vst v63  }
0x8d: {  	s31 =	simm.s32 $0xAE80  }
0x8e: {  	[tilespmem:s31], [sflag:$0x1] =	stream.indirect_vreg.gather [hbm4b:s14+s25], $0x80, v25, vm1, $0xb8;
	[tilespmem:$0x1D680] =	vst v63  }
.LBB2_12:
0x8f: {  	s25 =	sadd.s32 $0x1, s25  }
0x90: {  	p0 =	sne.s32 s25, $0x5  }
.Ltmp4:
0x91: {  	_ = 	snop;
	(pc) =	sbr.rel @!p0 .LBB2_13-.Ltmp4, $1  }
0x92: {  	_ =	sdelay $0x3  }
.LBB2_4:
0x93: {  	s26 =	sshllo.u32 s25, $0x1  }
0x94: {  	p1 =	sgt.u32 s26, $0x8  }
.Ltmp5:
0x95: {  	_ = 	snop;
	(pc) =	sbr.rel @p1 .LBB2_6-.Ltmp5, $1  }
0x96: {  	_ =	sdelay $0x3  }
0x97: {  	s0 =	sshll.u32 s26, $0x3  }
0x98: {  	s0 =	sadd.s32 s1, s0  }
0x99: {  	v25 =	vmov s0  }
0x9a: {  	v25 =	vbroadcast v25, $0x0;
	_ =	sdelay $0x1  }
0x9b: {  	v26 =	vor.u32 v1, v25  }
0x9c: {  	v27 =	vmulhi.u32 $0xAAAAAAAB, v26;
	_ =	sdelay $0x1  }
0x9d: {  	v27 =	vshrl.u32 v27, $0x9  }
0x9e: {  	v27 =	vmul.u32 $0x300, v27;
	_ =	sdelay $0x1  }
0x9f: {  	v26 =	vsub.s32 v26, v27  }
0xa0: {  	v27 =	vand.u32 $0xFFFF, v26  }
0xa1: {  	v27 =	vmulhi.u32 $0x1C71C71D, v27;
	_ =	sdelay $0x1  }
0xa2: {  	v28 =	vmul.u32 $0xFFF7, v27;
	_ =	sdelay $0x1  }
0xa3: {  	v26 =	vadd.s32 v26, v28  }
0xa4: {  	v26 =	vand.u32 $0xFFFF, v26  }
0xa5: {  	v63 =	vsub.s32 $0x4, v26  }
0xa6: {  	v28 =	vcvt.s32.f32 v63;
	_ =	sdelay $0x1  }
0xa7: {  	v28 =	vmul.f32 v28, v24;
	_ =	sdelay $0x1  }
0xa8: {  	v29 =	vtrunc.f32 v28  }
0xa9: {  	v30 =	vcvt.f32.s32 v29;
	vm2 =	vlt.f32 v28, v29  }
0xaa: {  	v29 =	vsel vm2, $0xFFFFFFFF, v6  }
0xab: {  	v27 =	vadd.s32 v2, v27;
	v29 =	vadd.s32 v30, v29  }
0xac: {  	v25 =	vmulhi.u32 $0xAAAAAAAB, v25;
	v27 =	vadd.s32 v27, v29  }
0xad: {  	vm2 =	vgt.s32 v27, $0x0  }
0xae: {  	v25 =	vshrl.u32 v25, $0x9;
	v27 =	vnsel vm2, $0x0, v27  }
0xaf: {  	v25 =	vmul.u32 $0x900, v25;
	v27 =	vmin.u32 v27, $0xFF  }
0xb0: {  	v27 =	vmul.u32 $0x9, v27  }
0xb1: {  	v25 =	vor.u32 v26, v25  }
0xb2: {  	v25 =	vadd.s32 v27, v25  }
0xb3: {  	[tilespmem:$0x2500] =	vst v25  }
0xb4: {  	v25 =	vld [tilespmem:$0x2500];
	_ =	sdelay $0x4  }
0xb5: {  	v26 =	vshrl.u32 v25, $0x3  }
0xb6: {  	v26 =	vmul.u32 $0x90, v26  }
0xb7: {  	v25 =	vand.u32 $0x7, v25  }
0xb8: {  	v27 =	vcvt.s32.f32 v29;
	v25 =	vor.u32 v25, v26  }
0xb9: {  	v26 =	vperm.xlane v25, v1  }
0xba: {  	v27 =	vsub.f32 v28, v27  }
0xbb: {  	v26 =	vadd.s32 v7, v26  }
0xbc: {  	v28 =	vsub.f32 $1.000000000e+00, v27;
	_ =	sdelay $0x1  }
0xbd: {  	v27 =	vsel vm0, v28, v27  }
0xbe: {  	[tilespmem:$0x2600] =	vst v27  }
0xbf: {  	[tilespmem:s21], [sflag:$0x2] =	stream.indirect_vreg.gather [hbm4b:s3+s4], $0x80, v26, vm1, $0xb8;
	[tilespmem:$0x1D680] =	vst v63  }
0xc0: {  	s23 =	simm.s32 $0xBE80  }
0xc1: {  	[tilespmem:s23], [sflag:$0x2] =	stream.indirect_vreg.gather [hbm4b:s7+s4], $0x80, v26, vm1, $0xb8;
	[tilespmem:$0x1D680] =	vst v63  }
0xc2: {  	s28 =	simm.s32 $0xC680  }
0xc3: {  	[tilespmem:s28], [sflag:$0x2] =	stream.indirect_vreg.gather [hbm4b:s8+s4], $0x80, v26, vm1, $0xb8;
	[tilespmem:$0x1D680] =	vst v63  }
0xc4: {  	s29 =	simm.s32 $0xCE80  }
0xc5: {  	[tilespmem:s29], [sflag:$0x2] =	stream.indirect_vreg.gather [hbm4b:s9+s4], $0x80, v26, vm1, $0xb8;
	[tilespmem:$0x1D680] =	vst v63  }
0xc6: {  	s30 =	simm.s32 $0xD680  }
0xc7: {  	[tilespmem:s30], [sflag:$0x2] =	stream.indirect_vreg.gather [hbm4b:s10+s4], $0x80, v26, vm1, $0xb8;
	[tilespmem:$0x1D680] =	vst v63  }
0xc8: {  	s31 =	simm.s32 $0xDE80  }
0xc9: {  	[tilespmem:s31], [sflag:$0x2] =	stream.indirect_vreg.gather [hbm4b:s11+s4], $0x80, v26, vm1, $0xb8;
	[tilespmem:$0x1D680] =	vst v63  }
0xca: {  	s2 =	simm.s32 $0xE680;
	v25 =	vperm.xlane v25, v8  }
0xcb: {  	[tilespmem:s2], [sflag:$0x2] =	stream.indirect_vreg.gather [hbm4b:s12+s4], $0x80, v26, vm1, $0xb8;
	[tilespmem:$0x1D680] =	vst v63  }
0xcc: {  	s5 =	simm.s32 $0xEE80;
	v25 =	vadd.s32 v7, v25  }
0xcd: {  	[tilespmem:s5], [sflag:$0x2] =	stream.indirect_vreg.gather [hbm4b:s13+s4], $0x80, v26, vm1, $0xb8;
	[tilespmem:$0x1D680] =	vst v63  }
0xce: {  	s15 =	simm.s32 $0xF680  }
0xcf: {  	[tilespmem:s15], [sflag:$0x2] =	stream.indirect_vreg.gather [hbm4b:s14+s4], $0x80, v26, vm1, $0xb8;
	[tilespmem:$0x1D680] =	vst v63  }
0xd0: {  	s16 =	simm.s32 $0xFE80  }
0xd1: {  	[tilespmem:s16], [sflag:$0x2] =	stream.indirect_vreg.gather [hbm4b:s3+s4], $0x80, v25, vm1, $0xb8;
	[tilespmem:$0x1D680] =	vst v63  }
0xd2: {  	s17 =	simm.s32 $0x10680  }
0xd3: {  	[tilespmem:s17], [sflag:$0x2] =	stream.indirect_vreg.gather [hbm4b:s7+s4], $0x80, v25, vm1, $0xb8;
	[tilespmem:$0x1D680] =	vst v63  }
0xd4: {  	s18 =	simm.s32 $0x10E80  }
0xd5: {  	[tilespmem:s18], [sflag:$0x2] =	stream.indirect_vreg.gather [hbm4b:s8+s4], $0x80, v25, vm1, $0xb8;
	[tilespmem:$0x1D680] =	vst v63  }
0xd6: {  	s20 =	simm.s32 $0x11680  }
0xd7: {  	[tilespmem:s20], [sflag:$0x2] =	stream.indirect_vreg.gather [hbm4b:s9+s4], $0x80, v25, vm1, $0xb8;
	[tilespmem:$0x1D680] =	vst v63  }
0xd8: {  	s23 =	simm.s32 $0x11E80  }
0xd9: {  	[tilespmem:s23], [sflag:$0x2] =	stream.indirect_vreg.gather [hbm4b:s10+s4], $0x80, v25, vm1, $0xb8;
	[tilespmem:$0x1D680] =	vst v63  }
0xda: {  	s28 =	simm.s32 $0x12680  }
0xdb: {  	[tilespmem:s28], [sflag:$0x2] =	stream.indirect_vreg.gather [hbm4b:s11+s4], $0x80, v25, vm1, $0xb8;
	[tilespmem:$0x1D680] =	vst v63  }
0xdc: {  	s29 =	simm.s32 $0x12E80  }
0xdd: {  	[tilespmem:s29], [sflag:$0x2] =	stream.indirect_vreg.gather [hbm4b:s12+s4], $0x80, v25, vm1, $0xb8;
	[tilespmem:$0x1D680] =	vst v63  }
0xde: {  	s30 =	simm.s32 $0x13680  }
0xdf: {  	[tilespmem:s30], [sflag:$0x2] =	stream.indirect_vreg.gather [hbm4b:s13+s4], $0x80, v25, vm1, $0xb8;
	[tilespmem:$0x1D680] =	vst v63  }
0xe0: {  	s31 =	simm.s32 $0x13E80  }
0xe1: {  	[tilespmem:s31], [sflag:$0x2] =	stream.indirect_vreg.gather [hbm4b:s14+s4], $0x80, v25, vm1, $0xb8;
	[tilespmem:$0x1D680] =	vst v63  }
.LBB2_6:
0xe2: {  	_ =	swait.ge [sflag:s22], $0x9000  }
0xe3: {  	p0 =	seq.s32 s25, $0x0;
	[sflag:s22] =	ssyncset.done $0x0  }
0xe4: {  	s0 =	simm.s32 @!p0 $0x3;
	[sflag:s22] =	ssyncadd.s32 $0xFFFF7000  }
0xe5: {  	_ =	swait.ge @!p0 [sflag:s0], $0x4800  }
0xe6: {  	[sflag:s0] =	ssyncset.done @!p0 $0x0  }
0xe7: {  	s28 =	simm.s32 $0x80;
	[sflag:s0] =	ssyncadd.s32 @!p0 $0xFFFFB800  }
0xe8: {  	s15 =	simm.s32 $0x980;
	v25 =	vld [tilespmem:s28+$0x0]  }
0xe9: {  	v26 =	vld [tilespmem:s15+$0x0];
	_ =	sdelay $0x3  }
0xea: {  	v27 =	vshll.u32 v25, $0x3  }
0xeb: {  	v25 =	vand.u32 $0x7F, v25;
	v28 =	vshll.u32 v26, $0x3;
	v27 =	vand.u32 $0xFFFFFC00, v27  }
0xec: {  	v30 =	vor.u32 v25, v27;
	v25 =	vand.u32 $0x7F, v26;
	v26 =	vand.u32 $0xFFFFFC00, v28  }
0xed: {  	v32 =	vor.u32 v25, v26  }
0xee: {  	v25 =	vadd.s32 $0x4800, v30  }
0xef: {  	v26 =	vadd.s32 $0x4800, v32  }
0xf0: {  	v42 =	vld [tilespmem:$0x2580]  }
0xf1: {  	v27 =	vld.idx.msk [tilespmem:v30+s19+$0x0], $0xffff  }
0xf2: {  	v28 =	vld.idx.msk [tilespmem:v32+s19+$0x0], $0xffff  }
0xf3: {  	v33 =	vld.idx.msk [tilespmem:v25+s19+$0x0], $0xffff  }
0xf4: {  	v34 =	vld.idx.msk [tilespmem:v26+s19+$0x0], $0xffff;
	_ =	sdelay $0x1  }
0xf5: {  	s16 =	simm.s32 $0x1280;
	v25 =	vperm.xlane v42, v6;
	v26 =	vperm.xlane v42, v16  }
0xf6: {  	s2 =	simm.s32 $0x1B80;
	v29 =	vld [tilespmem:s16+$0x0]  }
0xf7: {  	v31 =	vld [tilespmem:s2+$0x0];
	v27 =	vmul.f32 v27, v25;
	v33 =	vmul.f32 v33, v26  }
0xf8: {  	v28 =	vmul.f32 v28, v25;
	v34 =	vmul.f32 v34, v26;
	_ =	sdelay $0x1  }
0xf9: {  	v27 =	vadd.f32 v33, v27;
	v28 =	vadd.f32 v34, v28;
	_ =	sdelay $0x1  }
0xfa: {  	v45 =	vor.u32 $0x80, v30;
	v27 =	vmul.f32 v27, v29;
	v28 =	vmul.f32 v28, v31  }
0xfb: {  	s29 =	simm.s32 $0x0;
	v46 =	vadd.s32 $0x4880, v32  }
0xfc: {  	s17 =	sand.u32 $0x70, s29;
	s18 =	sand.u32 $0x7C00, s29;
	v35 =	vadd.s32 $0x4880, v30;
	v27 =	vadd.f32 v28, v27  }
0xfd: {  	s0 =	sor.u32 s17, s18;
	v28 =	vor.u32 $0x80, v32  }
0xfe: {  	[tilespmem:s0+$0x14680] =	vst v27  }
0xff: {  	v33 =	vld.idx.msk [tilespmem:v45+s19+$0x0], $0xffff  }
0x100: {  	v34 =	vld.idx.msk [tilespmem:v46+s19+$0x0], $0xffff  }
0x101: {  	v35 =	vld.idx.msk [tilespmem:v35+s19+$0x0], $0xffff  }
0x102: {  	v36 =	vld.idx.msk [tilespmem:v28+s19+$0x0], $0xffff;
	_ =	sdelay $0x1  }
0x103: {  	v27 =	vperm.xlane v42, v9;
	v28 =	vperm.xlane v42, v17;
	_ =	sdelay $0x1  }
0x104: {  	v33 =	vmul.f32 v33, v27;
	v35 =	vmul.f32 v35, v28  }
0x105: {  	v34 =	vmul.f32 v34, v28;
	v36 =	vmul.f32 v36, v27;
	_ =	sdelay $0x1  }
0x106: {  	v33 =	vadd.f32 v35, v33;
	v34 =	vadd.f32 v34, v36;
	_ =	sdelay $0x1  }
0x107: {  	v47 =	vor.u32 $0x100, v30;
	v33 =	vmul.f32 v33, v29;
	v34 =	vmul.f32 v34, v31  }
0x108: {  	v48 =	vor.u32 $0x100, v32  }
0x109: {  	v49 =	vadd.s32 $0x4900, v30;
	v33 =	vadd.f32 v34, v33  }
0x10a: {  	s15 =	sadd.s32 $0x14680, s0;
	v37 =	vadd.s32 $0x4900, v32  }
0x10b: {  	[tilespmem:s15+$0x80] =	vst v33  }
0x10c: {  	v35 =	vld.idx.msk [tilespmem:v47+s19+$0x0], $0xffff  }
0x10d: {  	v36 =	vld.idx.msk [tilespmem:v48+s19+$0x0], $0xffff  }
0x10e: {  	v38 =	vld.idx.msk [tilespmem:v49+s19+$0x0], $0xffff  }
0x10f: {  	v37 =	vld.idx.msk [tilespmem:v37+s19+$0x0], $0xffff;
	_ =	sdelay $0x1  }
0x110: {  	v33 =	vperm.xlane v42, v10  }
0x111: {  	v34 =	vperm.xlane v42, v18  }
0x112: {  	v36 =	vmul.f32 v36, v33;
	v35 =	vmul.f32 v35, v33  }
0x113: {  	v38 =	vmul.f32 v38, v34;
	v37 =	vmul.f32 v37, v34;
	_ =	sdelay $0x1  }
0x114: {  	v35 =	vadd.f32 v38, v35;
	v36 =	vadd.f32 v37, v36;
	_ =	sdelay $0x1  }
0x115: {  	v50 =	vor.u32 $0x180, v32;
	v35 =	vmul.f32 v35, v29;
	v36 =	vmul.f32 v36, v31  }
0x116: {  	v51 =	vadd.s32 $0x4980, v32  }
0x117: {  	v52 =	vor.u32 $0x180, v30;
	v35 =	vadd.f32 v36, v35  }
0x118: {  	v39 =	vadd.s32 $0x4980, v30  }
0x119: {  	[tilespmem:s15+$0x100] =	vst v35  }
0x11a: {  	v37 =	vld.idx.msk [tilespmem:v50+s19+$0x0], $0xffff  }
0x11b: {  	v38 =	vld.idx.msk [tilespmem:v51+s19+$0x0], $0xffff  }
0x11c: {  	v40 =	vld.idx.msk [tilespmem:v52+s19+$0x0], $0xffff  }
0x11d: {  	v39 =	vld.idx.msk [tilespmem:v39+s19+$0x0], $0xffff;
	_ =	sdelay $0x1  }
0x11e: {  	v36 =	vperm.xlane v42, v19;
	v35 =	vperm.xlane v42, v11;
	_ =	sdelay $0x1  }
0x11f: {  	v37 =	vmul.f32 v37, v35;
	v38 =	vmul.f32 v38, v36  }
0x120: {  	v40 =	vmul.f32 v40, v35;
	v39 =	vmul.f32 v39, v36;
	_ =	sdelay $0x1  }
0x121: {  	v37 =	vadd.f32 v38, v37;
	v53 =	vadd.f32 v39, v40;
	_ =	sdelay $0x1  }
0x122: {  	v54 =	vadd.s32 $0x4A00, v30;
	v37 =	vmul.f32 v37, v31;
	v38 =	vmul.f32 v53, v29  }
0x123: {  	v55 =	vor.u32 $0x200, v32  }
0x124: {  	v56 =	vadd.s32 $0x4A00, v32;
	v37 =	vadd.f32 v37, v38  }
0x125: {  	v41 =	vor.u32 $0x200, v30  }
0x126: {  	[tilespmem:s15+$0x180] =	vst v37  }
0x127: {  	v39 =	vld.idx.msk [tilespmem:v54+s19+$0x0], $0xffff  }
0x128: {  	v40 =	vld.idx.msk [tilespmem:v55+s19+$0x0], $0xffff  }
0x129: {  	v43 =	vld.idx.msk [tilespmem:v56+s19+$0x0], $0xffff  }
0x12a: {  	v41 =	vld.idx.msk [tilespmem:v41+s19+$0x0], $0xffff;
	_ =	sdelay $0x1  }
0x12b: {  	v38 =	vperm.xlane v42, v20;
	v37 =	vperm.xlane v42, v12;
	_ =	sdelay $0x1  }
0x12c: {  	v40 =	vmul.f32 v40, v37;
	v43 =	vmul.f32 v43, v38  }
0x12d: {  	v41 =	vmul.f32 v41, v37;
	v39 =	vmul.f32 v39, v38;
	_ =	sdelay $0x1  }
0x12e: {  	v40 =	vadd.f32 v43, v40;
	v39 =	vadd.f32 v39, v41;
	_ =	sdelay $0x1  }
0x12f: {  	v57 =	vadd.s32 $0x4A80, v32;
	v40 =	vmul.f32 v40, v31;
	v39 =	vmul.f32 v39, v29  }
0x130: {  	v58 =	vor.u32 $0x280, v32  }
0x131: {  	v59 =	vor.u32 $0x280, v30;
	v39 =	vadd.f32 v40, v39  }
0x132: {  	v44 =	vadd.s32 $0x4A80, v30  }
0x133: {  	[tilespmem:s15+$0x200] =	vst v39  }
0x134: {  	v41 =	vld.idx.msk [tilespmem:v57+s19+$0x0], $0xffff  }
0x135: {  	v43 =	vld.idx.msk [tilespmem:v58+s19+$0x0], $0xffff  }
0x136: {  	v45 =	vld.idx.msk [tilespmem:v59+s19+$0x0], $0xffff  }
0x137: {  	v44 =	vld.idx.msk [tilespmem:v44+s19+$0x0], $0xffff;
	_ =	sdelay $0x1  }
0x138: {  	v40 =	vperm.xlane v42, v21;
	v39 =	vperm.xlane v42, v13;
	_ =	sdelay $0x1  }
0x139: {  	v43 =	vmul.f32 v43, v39;
	v41 =	vmul.f32 v41, v40  }
0x13a: {  	v45 =	vmul.f32 v45, v39;
	v44 =	vmul.f32 v44, v40;
	_ =	sdelay $0x1  }
0x13b: {  	v41 =	vadd.f32 v41, v43;
	v60 =	vadd.f32 v44, v45;
	_ =	sdelay $0x1  }
0x13c: {  	v61 =	vadd.s32 $0x4B00, v32;
	v41 =	vmul.f32 v41, v31;
	v43 =	vmul.f32 v60, v29  }
0x13d: {  	v62 =	vor.u32 $0x300, v32  }
0x13e: {  	v63 =	vor.u32 $0x300, v30;
	v41 =	vadd.f32 v41, v43  }
0x13f: {  	v46 =	vadd.s32 $0x4B00, v30  }
0x140: {  	[tilespmem:s15+$0x280] =	vst v41  }
0x141: {  	v41 =	vld.idx.msk [tilespmem:v61+s19+$0x0], $0xffff  }
0x142: {  	v45 =	vld.idx.msk [tilespmem:v62+s19+$0x0], $0xffff  }
0x143: {  	v47 =	vld.idx.msk [tilespmem:v63+s19+$0x0], $0xffff  }
0x144: {  	v46 =	vld.idx.msk [tilespmem:v46+s19+$0x0], $0xffff  }
0x145: {  	v44 =	vperm.xlane v42, v22;
	v43 =	vperm.xlane v42, v14;
	_ =	sdelay $0x1  }
0x146: {  	v45 =	vmul.f32 v45, v43;
	v41 =	vmul.f32 v41, v44  }
0x147: {  	s30 =	sshll.u32 s25, $0x4  }
0x148: {  	s5 =	simm.s32 $0x990;
	s20 =	sand.u32 $0x7, s29;
	s31 =	sadd.s32 s1, s30;
	v47 =	vmul.f32 v47, v43;
	v46 =	vmul.f32 v46, v44;
	v45 =	vadd.f32 v41, v45  }
0x149: {  	s23 =	sshll.u32 s20, $0x4;
	s20 =	simm.s32 $0x0;
	s17 =	simm.s32 $0x1290;
	v41 =	vperm.xlane v42, v15  }
0x14a: {  	s18 =	simm.s32 $0x1B90;
	s2 =	sadd.s32 $0x0, s23;
	s0 =	simm.s32 $0x10;
	v42 =	vperm.xlane v42, v23;
	v46 =	vadd.f32 v46, v47;
	v45 =	vmul.f32 v45, v31  }
.LBB2_7:
0x14b: {  	s29 =	sadd.s32 $0x80, s29  }
0x14c: {  	s20 =	sadd.s32 $0x1, s20;
	s28 =	sadd.s32 $0x10, s28;
	s16 =	smov.u32 s0  }
0x14d: {  	p2 =	sne.s32 s0, $0x8F0;
	s0 =	sadd.s32 $0x10, s0;
	v47 =	vor.u32 $0x380, v30;
	s23 =	sand.u32 $0x7, s20;
	v46 =	vmul.f32 v46, v29  }
0x14e: {  	v48 =	vor.u32 $0x380, v32;
	s23 =	sshll.u32 s23, $0x4  }
0x14f: {  	v32 =	vadd.s32 $0x4B80, v32;
	s23 =	sadd.s32 s23, s29;
	v45 =	vadd.f32 v45, v46;
	_ =	sdelay $0x1  }
0x150: {  	v30 =	vadd.s32 $0x4B80, v30;
	[tilespmem:s15+$0x300] =	vst v45  }
0x151: {  	v45 =	vld.idx.msk [tilespmem:v47+s19+$0x0], $0xffff  }
0x152: {  	v46 =	vld.idx.msk [tilespmem:v48+s19+$0x0], $0xffff  }
0x153: {  	v32 =	vld.idx.msk [tilespmem:v32+s19+$0x0], $0xffff;
	_ =	sdelay $0x1  }
0x154: {  	v30 =	vld.idx.msk [tilespmem:v30+s19+$0x0], $0xffff;
	_ =	sdelay $0x3  }
0x155: {  	v46 =	vmul.f32 v46, v41;
	v32 =	vmul.f32 v32, v42;
	_ =	sdelay $0x1  }
0x156: {  	v45 =	vmul.f32 v45, v41;
	v30 =	vmul.f32 v30, v42;
	v32 =	vadd.f32 v32, v46;
	_ =	sdelay $0x1  }
0x157: {  	v30 =	vadd.f32 v30, v45;
	v31 =	vmul.f32 v32, v31;
	_ =	sdelay $0x1  }
0x158: {  	v29 =	vmul.f32 v30, v29;
	_ =	sdelay $0x1  }
0x159: {  	s15 =	sor.u32 $0x380, s2;
	s2 =	smov.u32 s23;
	v29 =	vadd.f32 v31, v29;
	_ =	sdelay $0x1  }
0x15a: {  	[tilespmem:s15+$0x14680] =	vst v29  }
0x15b: {  	v29 =	vld [tilespmem:s28+$0x0]  }
0x15c: {  	v31 =	vld [tilespmem:s5+$0x0];
	_ =	sdelay $0x3  }
0x15d: {  	v30 =	vshll.u32 v29, $0x3  }
0x15e: {  	v29 =	vand.u32 $0x7F, v29;
	v30 =	vand.u32 $0xFFFFFC00, v30;
	v32 =	vshll.u32 v31, $0x3  }
0x15f: {  	v30 =	vor.u32 v29, v30;
	v29 =	vand.u32 $0x7F, v31;
	v31 =	vand.u32 $0xFFFFFC00, v32  }
0x160: {  	v32 =	vor.u32 v29, v31;
	v29 =	vadd.s32 $0x4800, v30  }
0x161: {  	v31 =	vadd.s32 $0x4800, v32;
	v45 =	vadd.s32 $0x4880, v32;
	_ =	sdelay $0x2  }
0x162: {  	v46 =	vld.idx.msk [tilespmem:v30+s19+$0x0], $0xffff  }
0x163: {  	v47 =	vld.idx.msk [tilespmem:v32+s19+$0x0], $0xffff  }
0x164: {  	v48 =	vld.idx.msk [tilespmem:v29+s19+$0x0], $0xffff  }
0x165: {  	v49 =	vld.idx.msk [tilespmem:v31+s19+$0x0], $0xffff;
	_ =	sdelay $0x2  }
0x166: {  	v29 =	vld [tilespmem:s17+$0x0]  }
0x167: {  	v46 =	vmul.f32 v46, v25  }
0x168: {  	v48 =	vmul.f32 v48, v26;
	v31 =	vld [tilespmem:s18+$0x0]  }
0x169: {  	v47 =	vmul.f32 v47, v25;
	v49 =	vmul.f32 v49, v26  }
0x16a: {  	v46 =	vadd.f32 v48, v46  }
0x16b: {  	v47 =	vadd.f32 v49, v47  }
0x16c: {  	v46 =	vmul.f32 v46, v29  }
0x16d: {  	v48 =	vor.u32 $0x80, v30;
	v47 =	vmul.f32 v47, v31  }
0x16e: {  	v49 =	vadd.s32 $0x4880, v30  }
0x16f: {  	s15 =	sand.u32 $0x70, s16;
	s16 =	sand.u32 $0x7C00, s29;
	v46 =	vadd.f32 v47, v46;
	v47 =	vor.u32 $0x80, v32  }
0x170: {  	s15 =	sor.u32 s15, s16  }
0x171: {  	[tilespmem:s15+$0x14680] =	vst v46  }
0x172: {  	v46 =	vld.idx.msk [tilespmem:v48+s19+$0x0], $0xffff  }
0x173: {  	v45 =	vld.idx.msk [tilespmem:v45+s19+$0x0], $0xffff  }
0x174: {  	v48 =	vld.idx.msk [tilespmem:v49+s19+$0x0], $0xffff  }
0x175: {  	v47 =	vld.idx.msk [tilespmem:v47+s19+$0x0], $0xffff;
	_ =	sdelay $0x3  }
0x176: {  	v46 =	vmul.f32 v46, v27  }
0x177: {  	v48 =	vmul.f32 v48, v28  }
0x178: {  	v45 =	vmul.f32 v45, v28;
	v47 =	vmul.f32 v47, v27  }
0x179: {  	v46 =	vadd.f32 v48, v46  }
0x17a: {  	v45 =	vadd.f32 v45, v47  }
0x17b: {  	v46 =	vmul.f32 v46, v29  }
0x17c: {  	v47 =	vor.u32 $0x100, v30;
	v45 =	vmul.f32 v45, v31  }
0x17d: {  	v48 =	vor.u32 $0x100, v32  }
0x17e: {  	v45 =	vadd.f32 v45, v46;
	v46 =	vadd.s32 $0x4900, v30  }
0x17f: {  	s15 =	sadd.s32 $0x14680, s15;
	v49 =	vadd.s32 $0x4900, v32  }
0x180: {  	[tilespmem:s15+$0x80] =	vst v45  }
0x181: {  	v45 =	vld.idx.msk [tilespmem:v47+s19+$0x0], $0xffff  }
0x182: {  	v47 =	vld.idx.msk [tilespmem:v48+s19+$0x0], $0xffff  }
0x183: {  	v46 =	vld.idx.msk [tilespmem:v46+s19+$0x0], $0xffff  }
0x184: {  	v48 =	vld.idx.msk [tilespmem:v49+s19+$0x0], $0xffff;
	_ =	sdelay $0x3  }
0x185: {  	v47 =	vmul.f32 v47, v33  }
0x186: {  	v45 =	vmul.f32 v45, v33;
	v46 =	vmul.f32 v46, v34  }
0x187: {  	v48 =	vmul.f32 v48, v34  }
0x188: {  	v45 =	vadd.f32 v46, v45  }
0x189: {  	v46 =	vadd.f32 v48, v47  }
0x18a: {  	v45 =	vmul.f32 v45, v29  }
0x18b: {  	v47 =	vor.u32 $0x180, v32;
	v46 =	vmul.f32 v46, v31  }
0x18c: {  	v48 =	vadd.s32 $0x4980, v32  }
0x18d: {  	v45 =	vadd.f32 v46, v45;
	v46 =	vor.u32 $0x180, v30  }
0x18e: {  	v49 =	vadd.s32 $0x4980, v30  }
0x18f: {  	[tilespmem:s15+$0x100] =	vst v45  }
0x190: {  	v45 =	vld.idx.msk [tilespmem:v47+s19+$0x0], $0xffff  }
0x191: {  	v47 =	vld.idx.msk [tilespmem:v48+s19+$0x0], $0xffff  }
0x192: {  	v46 =	vld.idx.msk [tilespmem:v46+s19+$0x0], $0xffff  }
0x193: {  	v48 =	vld.idx.msk [tilespmem:v49+s19+$0x0], $0xffff;
	_ =	sdelay $0x3  }
0x194: {  	v45 =	vmul.f32 v45, v35;
	v47 =	vmul.f32 v47, v36  }
0x195: {  	v46 =	vmul.f32 v46, v35  }
0x196: {  	v48 =	vmul.f32 v48, v36;
	v45 =	vadd.f32 v47, v45;
	_ =	sdelay $0x1  }
0x197: {  	v46 =	vadd.f32 v48, v46;
	v45 =	vmul.f32 v45, v31;
	_ =	sdelay $0x1  }
0x198: {  	v47 =	vadd.s32 $0x4A00, v30;
	v46 =	vmul.f32 v46, v29  }
0x199: {  	v48 =	vor.u32 $0x200, v32  }
0x19a: {  	v45 =	vadd.f32 v45, v46;
	v46 =	vadd.s32 $0x4A00, v32  }
0x19b: {  	v49 =	vor.u32 $0x200, v30  }
0x19c: {  	[tilespmem:s15+$0x180] =	vst v45  }
0x19d: {  	v45 =	vld.idx.msk [tilespmem:v47+s19+$0x0], $0xffff  }
0x19e: {  	v47 =	vld.idx.msk [tilespmem:v48+s19+$0x0], $0xffff  }
0x19f: {  	v46 =	vld.idx.msk [tilespmem:v46+s19+$0x0], $0xffff  }
0x1a0: {  	v48 =	vld.idx.msk [tilespmem:v49+s19+$0x0], $0xffff;
	_ =	sdelay $0x3  }
0x1a1: {  	v47 =	vmul.f32 v47, v37  }
0x1a2: {  	v46 =	vmul.f32 v46, v38  }
0x1a3: {  	v45 =	vmul.f32 v45, v38;
	v48 =	vmul.f32 v48, v37  }
0x1a4: {  	v46 =	vadd.f32 v46, v47  }
0x1a5: {  	v45 =	vadd.f32 v45, v48  }
0x1a6: {  	v46 =	vmul.f32 v46, v31  }
0x1a7: {  	v47 =	vadd.s32 $0x4A80, v32;
	v45 =	vmul.f32 v45, v29  }
0x1a8: {  	v48 =	vor.u32 $0x280, v32  }
0x1a9: {  	v45 =	vadd.f32 v46, v45;
	v46 =	vor.u32 $0x280, v30  }
0x1aa: {  	v49 =	vadd.s32 $0x4A80, v30  }
0x1ab: {  	[tilespmem:s15+$0x200] =	vst v45  }
0x1ac: {  	v45 =	vld.idx.msk [tilespmem:v47+s19+$0x0], $0xffff  }
0x1ad: {  	v47 =	vld.idx.msk [tilespmem:v48+s19+$0x0], $0xffff  }
0x1ae: {  	v46 =	vld.idx.msk [tilespmem:v46+s19+$0x0], $0xffff  }
0x1af: {  	v48 =	vld.idx.msk [tilespmem:v49+s19+$0x0], $0xffff;
	_ =	sdelay $0x3  }
0x1b0: {  	v45 =	vmul.f32 v45, v40;
	v47 =	vmul.f32 v47, v39;
	_ =	sdelay $0x1  }
0x1b1: {  	v46 =	vmul.f32 v46, v39;
	v48 =	vmul.f32 v48, v40;
	v45 =	vadd.f32 v45, v47;
	_ =	sdelay $0x1  }
0x1b2: {  	v46 =	vadd.f32 v48, v46;
	v45 =	vmul.f32 v45, v31;
	_ =	sdelay $0x1  }
0x1b3: {  	v47 =	vadd.s32 $0x4B00, v32;
	v46 =	vmul.f32 v46, v29  }
0x1b4: {  	v48 =	vor.u32 $0x300, v32  }
0x1b5: {  	v45 =	vadd.f32 v45, v46;
	v46 =	vor.u32 $0x300, v30  }
0x1b6: {  	v49 =	vadd.s32 $0x4B00, v30  }
0x1b7: {  	[tilespmem:s15+$0x280] =	vst v45  }
0x1b8: {  	v45 =	vld.idx.msk [tilespmem:v47+s19+$0x0], $0xffff  }
0x1b9: {  	v47 =	vld.idx.msk [tilespmem:v48+s19+$0x0], $0xffff  }
0x1ba: {  	v46 =	vld.idx.msk [tilespmem:v46+s19+$0x0], $0xffff  }
0x1bb: {  	v48 =	vld.idx.msk [tilespmem:v49+s19+$0x0], $0xffff;
	_ =	sdelay $0x3  }
.Ltmp6:
0x1bc: {  	v45 =	vmul.f32 v45, v44;
	v47 =	vmul.f32 v47, v43;
	(pc) =	sbr.rel @p2 .LBB2_7-.Ltmp6, $3  }
0x1bd: {  	v46 =	vmul.f32 v46, v43  }
0x1be: {  	v48 =	vmul.f32 v48, v44;
	v45 =	vadd.f32 v45, v47;
	_ =	sdelay $0x1  }
0x1bf: {  	s5 =	sadd.s32 $0x10, s5;
	s17 =	sadd.s32 $0x10, s17;
	s18 =	sadd.s32 $0x10, s18;
	v46 =	vadd.f32 v48, v46;
	v45 =	vmul.f32 v45, v31  }
0x1c0: {  	_ = 	snop  }
0x1c1: {  	v26 =	vor.u32 $0x380, v30;
	v25 =	vmul.f32 v46, v29  }
0x1c2: {  	v27 =	vor.u32 $0x380, v32  }
0x1c3: {  	v28 =	vadd.s32 $0x4B80, v32;
	v25 =	vadd.f32 v45, v25  }
0x1c4: {  	v62 =	vadd.s32 $0x4B80, v30  }
0x1c5: {  	[tilespmem:s15+$0x300] =	vst v25  }
0x1c6: {  	v25 =	vld.idx.msk [tilespmem:v26+s19+$0x0], $0xffff  }
0x1c7: {  	v26 =	vld.idx.msk [tilespmem:v27+s19+$0x0], $0xffff  }
0x1c8: {  	v27 =	vld.idx.msk [tilespmem:v28+s19+$0x0], $0xffff  }
0x1c9: {  	v63 =	vld.idx.msk [tilespmem:v62+s19+$0x0], $0xffff;
	_ =	sdelay $0x3  }
0x1ca: {  	v26 =	vmul.f32 v26, v41;
	v27 =	vmul.f32 v27, v42  }
0x1cb: {  	v25 =	vmul.f32 v25, v41;
	v28 =	vmul.f32 v63, v42;
	_ =	sdelay $0x1  }
0x1cc: {  	v26 =	vadd.f32 v27, v26;
	v25 =	vadd.f32 v28, v25;
	_ =	sdelay $0x1  }
0x1cd: {  	v26 =	vmul.f32 v26, v31;
	v25 =	vmul.f32 v25, v29  }
.Ltmp7:
0x1ce: {  	s0 =	sshrl.u32 s31, $0x3;
	(pc) =	sbr.rel @p1 .LBB2_12-.Ltmp7, $4  }
0x1cf: {  	s0 =	smul.u32 $0x900, s0;
	v25 =	vadd.f32 v26, v25  }
0x1d0: {  	s2 =	sor.u32 $0x380, s2  }
0x1d1: {  	s31 =	simm.s32 $0x14680;
	s0 =	sadd.s32 s6, s0;
	[tilespmem:s2+$0x14680] =	vst v25  }
0x1d2: {  	[hbm4b:s0+s4] =	stream.linear.scatter [tilespmem:s31], [sflag:$0x3], $0x4800, $0x38;
	[tilespmem:$0x1D680] =	vst v63  }
0x1d3: {  	s0 =	rddreg [dreg:$0x4]  }
0x1d4: {  	s0 =	sadd.s32 s30, s0  }
0x1d5: {  	v25 =	vmov s0  }
0x1d6: {  	v25 =	vbroadcast v25, $0x0;
	_ =	sdelay $0x1  }
0x1d7: {  	v26 =	vor.u32 v1, v25  }
0x1d8: {  	v27 =	vmulhi.u32 $0xAAAAAAAB, v26;
	_ =	sdelay $0x1  }
0x1d9: {  	v27 =	vshrl.u32 v27, $0x9  }
0x1da: {  	v27 =	vmul.u32 $0x300, v27;
	_ =	sdelay $0x1  }
0x1db: {  	v26 =	vsub.s32 v26, v27  }
0x1dc: {  	v27 =	vand.u32 $0xFFFF, v26  }
0x1dd: {  	v27 =	vmulhi.u32 $0x1C71C71D, v27;
	_ =	sdelay $0x1  }
0x1de: {  	v28 =	vmul.u32 $0xFFF7, v27;
	_ =	sdelay $0x1  }
0x1df: {  	v26 =	vadd.s32 v26, v28  }
0x1e0: {  	v26 =	vand.u32 $0xFFFF, v26  }
0x1e1: {  	v28 =	vsub.s32 $0x4, v26  }
0x1e2: {  	v28 =	vcvt.s32.f32 v28;
	_ =	sdelay $0x1  }
0x1e3: {  	v28 =	vmul.f32 v28, v24;
	_ =	sdelay $0x1  }
0x1e4: {  	v29 =	vtrunc.f32 v28  }
0x1e5: {  	v30 =	vcvt.f32.s32 v29;
	vm2 =	vlt.f32 v28, v29  }
0x1e6: {  	v29 =	vsel vm2, $0xFFFFFFFF, v6  }
0x1e7: {  	v27 =	vadd.s32 v2, v27;
	v29 =	vadd.s32 v30, v29  }
0x1e8: {  	v25 =	vmulhi.u32 $0xAAAAAAAB, v25;
	v27 =	vadd.s32 v27, v29  }
0x1e9: {  	vm2 =	vgt.s32 v27, $0x0  }
0x1ea: {  	v25 =	vshrl.u32 v25, $0x9;
	v27 =	vnsel vm2, $0x0, v27  }
0x1eb: {  	v25 =	vmul.u32 $0x900, v25;
	v27 =	vmin.u32 v27, $0xFF  }
0x1ec: {  	v27 =	vmul.u32 $0x9, v27  }
0x1ed: {  	v25 =	vor.u32 v26, v25  }
0x1ee: {  	v25 =	vadd.s32 v27, v25  }
0x1ef: {  	[tilespmem:$0x2480] =	vst v25  }
0x1f0: {  	v25 =	vld [tilespmem:$0x2480];
	_ =	sdelay $0x4  }
0x1f1: {  	v26 =	vshrl.u32 v25, $0x3  }
0x1f2: {  	v26 =	vmul.u32 $0x90, v26  }
0x1f3: {  	v25 =	vand.u32 $0x7, v25  }
0x1f4: {  	v27 =	vcvt.s32.f32 v29;
	v25 =	vor.u32 v25, v26  }
0x1f5: {  	v26 =	vperm.xlane v25, v1  }
0x1f6: {  	v27 =	vsub.f32 v28, v27  }
0x1f7: {  	v26 =	vadd.s32 v7, v26  }
0x1f8: {  	v28 =	vsub.f32 $1.000000000e+00, v27;
	_ =	sdelay $0x1  }
0x1f9: {  	v27 =	vsel vm0, v28, v27  }
0x1fa: {  	[tilespmem:$0x2580] =	vst v27  }
0x1fb: {  	[tilespmem:s19], [sflag:$0x1] =	stream.indirect_vreg.gather [hbm4b:s3+s4], $0x80, v26, vm1, $0xb8;
	[tilespmem:$0x1D680] =	vst v63  }
0x1fc: {  	s23 =	simm.s32 $0x2E80  }
0x1fd: {  	[tilespmem:s23], [sflag:$0x1] =	stream.indirect_vreg.gather [hbm4b:s7+s4], $0x80, v26, vm1, $0xb8;
	[tilespmem:$0x1D680] =	vst v63  }
0x1fe: {  	s30 =	simm.s32 $0x3680  }
0x1ff: {  	[tilespmem:s30], [sflag:$0x1] =	stream.indirect_vreg.gather [hbm4b:s8+s4], $0x80, v26, vm1, $0xb8;
	[tilespmem:$0x1D680] =	vst v63  }
0x200: {  	s31 =	simm.s32 $0x3E80  }
0x201: {  	[tilespmem:s31], [sflag:$0x1] =	stream.indirect_vreg.gather [hbm4b:s9+s4], $0x80, v26, vm1, $0xb8;
	[tilespmem:$0x1D680] =	vst v63  }
0x202: {  	s2 =	simm.s32 $0x4680  }
0x203: {  	[tilespmem:s2], [sflag:$0x1] =	stream.indirect_vreg.gather [hbm4b:s10+s4], $0x80, v26, vm1, $0xb8;
	[tilespmem:$0x1D680] =	vst v63  }
0x204: {  	s5 =	simm.s32 $0x4E80  }
0x205: {  	[tilespmem:s5], [sflag:$0x1] =	stream.indirect_vreg.gather [hbm4b:s11+s4], $0x80, v26, vm1, $0xb8;
	[tilespmem:$0x1D680] =	vst v63  }
0x206: {  	s15 =	simm.s32 $0x5680;
	v25 =	vperm.xlane v25, v8  }
0x207: {  	[tilespmem:s15], [sflag:$0x1] =	stream.indirect_vreg.gather [hbm4b:s12+s4], $0x80, v26, vm1, $0xb8;
	[tilespmem:$0x1D680] =	vst v63  }
0x208: {  	s16 =	simm.s32 $0x5E80;
	v25 =	vadd.s32 v7, v25  }
0x209: {  	[tilespmem:s16], [sflag:$0x1] =	stream.indirect_vreg.gather [hbm4b:s13+s4], $0x80, v26, vm1, $0xb8;
	[tilespmem:$0x1D680] =	vst v63  }
0x20a: {  	s17 =	simm.s32 $0x6680  }
0x20b: {  	[tilespmem:s17], [sflag:$0x1] =	stream.indirect_vreg.gather [hbm4b:s14+s4], $0x80, v26, vm1, $0xb8;
	[tilespmem:$0x1D680] =	vst v63  }
0x20c: {  	s18 =	simm.s32 $0x6E80  }
0x20d: {  	[tilespmem:s18], [sflag:$0x1] =	stream.indirect_vreg.gather [hbm4b:s3+s4], $0x80, v25, vm1, $0xb8;
	[tilespmem:$0x1D680] =	vst v63  }
0x20e: {  	s20 =	simm.s32 $0x7680  }
0x20f: {  	[tilespmem:s20], [sflag:$0x1] =	stream.indirect_vreg.gather [hbm4b:s7+s4], $0x80, v25, vm1, $0xb8;
	[tilespmem:$0x1D680] =	vst v63  }
0x210: {  	s23 =	simm.s32 $0x7E80  }
0x211: {  	[tilespmem:s23], [sflag:$0x1] =	stream.indirect_vreg.gather [hbm4b:s8+s4], $0x80, v25, vm1, $0xb8;
	[tilespmem:$0x1D680] =	vst v63  }
0x212: {  	s30 =	simm.s32 $0x8680  }
0x213: {  	[tilespmem:s30], [sflag:$0x1] =	stream.indirect_vreg.gather [hbm4b:s9+s4], $0x80, v25, vm1, $0xb8;
	[tilespmem:$0x1D680] =	vst v63  }
0x214: {  	s31 =	simm.s32 $0x8E80  }
0x215: {  	[tilespmem:s31], [sflag:$0x1] =	stream.indirect_vreg.gather [hbm4b:s10+s4], $0x80, v25, vm1, $0xb8;
	[tilespmem:$0x1D680] =	vst v63  }
0x216: {  	s2 =	simm.s32 $0x9680  }
0x217: {  	[tilespmem:s2], [sflag:$0x1] =	stream.indirect_vreg.gather [hbm4b:s11+s4], $0x80, v25, vm1, $0xb8;
	[tilespmem:$0x1D680] =	vst v63  }
0x218: {  	s5 =	simm.s32 $0x9E80  }
0x219: {  	[tilespmem:s5], [sflag:$0x1] =	stream.indirect_vreg.gather [hbm4b:s12+s4], $0x80, v25, vm1, $0xb8;
	[tilespmem:$0x1D680] =	vst v63  }
0x21a: {  	s15 =	simm.s32 $0xA680  }
0x21b: {  	[tilespmem:s15], [sflag:$0x1] =	stream.indirect_vreg.gather [hbm4b:s13+s4], $0x80, v25, vm1, $0xb8;
	[tilespmem:$0x1D680] =	vst v63  }
0x21c: {  	s16 =	simm.s32 $0xAE80  }
0x21d: {  	[tilespmem:s16], [sflag:$0x1] =	stream.indirect_vreg.gather [hbm4b:s14+s4], $0x80, v25, vm1, $0xb8;
	[tilespmem:$0x1D680] =	vst v63  }
0x21e: {  	_ =	swait.ge [sflag:s24], $0x9000  }
0x21f: {  	[sflag:s24] =	ssyncset.done $0x0  }
0x220: {  	s0 =	simm.s32 @!p0 $0x4;
	[sflag:s24] =	ssyncadd.s32 $0xFFFF7000  }
0x221: {  	_ =	swait.ge @!p0 [sflag:s0], $0x4800  }
0x222: {  	[sflag:s0] =	ssyncset.done @!p0 $0x0  }
0x223: {  	s28 =	simm.s32 $0x80;
	[sflag:s0] =	ssyncadd.s32 @!p0 $0xFFFFB800  }
0x224: {  	s17 =	simm.s32 $0x980;
	v25 =	vld [tilespmem:s28+$0x0]  }
0x225: {  	v26 =	vld [tilespmem:s17+$0x0];
	_ =	sdelay $0x3  }
0x226: {  	v27 =	vshll.u32 v25, $0x3  }
0x227: {  	v25 =	vand.u32 $0x7F, v25;
	v28 =	vshll.u32 v26, $0x3;
	v27 =	vand.u32 $0xFFFFFC00, v27  }
0x228: {  	v30 =	vor.u32 v25, v27;
	v25 =	vand.u32 $0x7F, v26;
	v26 =	vand.u32 $0xFFFFFC00, v28  }
0x229: {  	v32 =	vor.u32 v25, v26  }
0x22a: {  	v25 =	vadd.s32 $0x4800, v30  }
0x22b: {  	v26 =	vadd.s32 $0x4800, v32  }
0x22c: {  	v42 =	vld [tilespmem:$0x2600]  }
0x22d: {  	v27 =	vld.idx.msk [tilespmem:v30+s21+$0x0], $0xffff  }
0x22e: {  	v28 =	vld.idx.msk [tilespmem:v32+s21+$0x0], $0xffff  }
0x22f: {  	v33 =	vld.idx.msk [tilespmem:v25+s21+$0x0], $0xffff  }
0x230: {  	v34 =	vld.idx.msk [tilespmem:v26+s21+$0x0], $0xffff;
	_ =	sdelay $0x1  }
0x231: {  	s18 =	simm.s32 $0x1280;
	v25 =	vperm.xlane v42, v6;
	v26 =	vperm.xlane v42, v16  }
0x232: {  	s2 =	simm.s32 $0x1B80;
	v29 =	vld [tilespmem:s18+$0x0]  }
0x233: {  	v31 =	vld [tilespmem:s2+$0x0];
	v27 =	vmul.f32 v27, v25;
	v33 =	vmul.f32 v33, v26  }
0x234: {  	v28 =	vmul.f32 v28, v25;
	v34 =	vmul.f32 v34, v26;
	_ =	sdelay $0x1  }
0x235: {  	v27 =	vadd.f32 v33, v27;
	v28 =	vadd.f32 v34, v28;
	_ =	sdelay $0x1  }
0x236: {  	v45 =	vor.u32 $0x80, v30;
	v27 =	vmul.f32 v27, v29;
	v28 =	vmul.f32 v28, v31  }
0x237: {  	s29 =	simm.s32 $0x0;
	v46 =	vadd.s32 $0x4880, v32  }
0x238: {  	s20 =	sand.u32 $0x70, s29;
	s23 =	sand.u32 $0x7C00, s29;
	v35 =	vadd.s32 $0x4880, v30;
	v27 =	vadd.f32 v28, v27  }
0x239: {  	s0 =	sor.u32 s20, s23;
	v28 =	vor.u32 $0x80, v32  }
0x23a: {  	[tilespmem:s0+$0x18E80] =	vst v27  }
0x23b: {  	v33 =	vld.idx.msk [tilespmem:v45+s21+$0x0], $0xffff  }
0x23c: {  	v34 =	vld.idx.msk [tilespmem:v46+s21+$0x0], $0xffff  }
0x23d: {  	v35 =	vld.idx.msk [tilespmem:v35+s21+$0x0], $0xffff  }
0x23e: {  	v36 =	vld.idx.msk [tilespmem:v28+s21+$0x0], $0xffff;
	_ =	sdelay $0x1  }
0x23f: {  	v27 =	vperm.xlane v42, v9;
	v28 =	vperm.xlane v42, v17;
	_ =	sdelay $0x1  }
0x240: {  	v33 =	vmul.f32 v33, v27;
	v35 =	vmul.f32 v35, v28  }
0x241: {  	v34 =	vmul.f32 v34, v28;
	v36 =	vmul.f32 v36, v27;
	_ =	sdelay $0x1  }
0x242: {  	v33 =	vadd.f32 v35, v33;
	v34 =	vadd.f32 v34, v36;
	_ =	sdelay $0x1  }
0x243: {  	v47 =	vor.u32 $0x100, v30;
	v33 =	vmul.f32 v33, v29;
	v34 =	vmul.f32 v34, v31  }
0x244: {  	v48 =	vor.u32 $0x100, v32  }
0x245: {  	v49 =	vadd.s32 $0x4900, v30;
	v33 =	vadd.f32 v34, v33  }
0x246: {  	s15 =	sadd.s32 $0x18E80, s0;
	v37 =	vadd.s32 $0x4900, v32  }
0x247: {  	[tilespmem:s15+$0x80] =	vst v33  }
0x248: {  	v35 =	vld.idx.msk [tilespmem:v47+s21+$0x0], $0xffff  }
0x249: {  	v36 =	vld.idx.msk [tilespmem:v48+s21+$0x0], $0xffff  }
0x24a: {  	v38 =	vld.idx.msk [tilespmem:v49+s21+$0x0], $0xffff  }
0x24b: {  	v37 =	vld.idx.msk [tilespmem:v37+s21+$0x0], $0xffff;
	_ =	sdelay $0x1  }
0x24c: {  	v33 =	vperm.xlane v42, v10  }
0x24d: {  	v34 =	vperm.xlane v42, v18  }
0x24e: {  	v36 =	vmul.f32 v36, v33;
	v35 =	vmul.f32 v35, v33  }
0x24f: {  	v38 =	vmul.f32 v38, v34;
	v37 =	vmul.f32 v37, v34;
	_ =	sdelay $0x1  }
0x250: {  	v35 =	vadd.f32 v38, v35;
	v36 =	vadd.f32 v37, v36;
	_ =	sdelay $0x1  }
0x251: {  	v50 =	vor.u32 $0x180, v32;
	v35 =	vmul.f32 v35, v29;
	v36 =	vmul.f32 v36, v31  }
0x252: {  	v51 =	vadd.s32 $0x4980, v32  }
0x253: {  	v52 =	vor.u32 $0x180, v30;
	v35 =	vadd.f32 v36, v35  }
0x254: {  	v39 =	vadd.s32 $0x4980, v30  }
0x255: {  	[tilespmem:s15+$0x100] =	vst v35  }
0x256: {  	v37 =	vld.idx.msk [tilespmem:v50+s21+$0x0], $0xffff  }
0x257: {  	v38 =	vld.idx.msk [tilespmem:v51+s21+$0x0], $0xffff  }
0x258: {  	v40 =	vld.idx.msk [tilespmem:v52+s21+$0x0], $0xffff  }
0x259: {  	v39 =	vld.idx.msk [tilespmem:v39+s21+$0x0], $0xffff;
	_ =	sdelay $0x1  }
0x25a: {  	v36 =	vperm.xlane v42, v19;
	v35 =	vperm.xlane v42, v11;
	_ =	sdelay $0x1  }
0x25b: {  	v37 =	vmul.f32 v37, v35;
	v38 =	vmul.f32 v38, v36  }
0x25c: {  	v40 =	vmul.f32 v40, v35;
	v39 =	vmul.f32 v39, v36;
	_ =	sdelay $0x1  }
0x25d: {  	v37 =	vadd.f32 v38, v37;
	v53 =	vadd.f32 v39, v40;
	_ =	sdelay $0x1  }
0x25e: {  	v54 =	vadd.s32 $0x4A00, v30;
	v37 =	vmul.f32 v37, v31;
	v38 =	vmul.f32 v53, v29  }
0x25f: {  	v55 =	vor.u32 $0x200, v32  }
0x260: {  	v56 =	vadd.s32 $0x4A00, v32;
	v37 =	vadd.f32 v37, v38  }
0x261: {  	v41 =	vor.u32 $0x200, v30  }
0x262: {  	[tilespmem:s15+$0x180] =	vst v37  }
0x263: {  	v39 =	vld.idx.msk [tilespmem:v54+s21+$0x0], $0xffff  }
0x264: {  	v40 =	vld.idx.msk [tilespmem:v55+s21+$0x0], $0xffff  }
0x265: {  	v43 =	vld.idx.msk [tilespmem:v56+s21+$0x0], $0xffff  }
0x266: {  	v41 =	vld.idx.msk [tilespmem:v41+s21+$0x0], $0xffff;
	_ =	sdelay $0x1  }
0x267: {  	v38 =	vperm.xlane v42, v20;
	v37 =	vperm.xlane v42, v12;
	_ =	sdelay $0x1  }
0x268: {  	v40 =	vmul.f32 v40, v37;
	v43 =	vmul.f32 v43, v38  }
0x269: {  	v41 =	vmul.f32 v41, v37;
	v39 =	vmul.f32 v39, v38;
	_ =	sdelay $0x1  }
0x26a: {  	v40 =	vadd.f32 v43, v40;
	v39 =	vadd.f32 v39, v41;
	_ =	sdelay $0x1  }
0x26b: {  	v57 =	vadd.s32 $0x4A80, v32;
	v40 =	vmul.f32 v40, v31;
	v39 =	vmul.f32 v39, v29  }
0x26c: {  	v58 =	vor.u32 $0x280, v32  }
0x26d: {  	v59 =	vor.u32 $0x280, v30;
	v39 =	vadd.f32 v40, v39  }
0x26e: {  	v44 =	vadd.s32 $0x4A80, v30  }
0x26f: {  	[tilespmem:s15+$0x200] =	vst v39  }
0x270: {  	v41 =	vld.idx.msk [tilespmem:v57+s21+$0x0], $0xffff  }
0x271: {  	v43 =	vld.idx.msk [tilespmem:v58+s21+$0x0], $0xffff  }
0x272: {  	v45 =	vld.idx.msk [tilespmem:v59+s21+$0x0], $0xffff  }
0x273: {  	v44 =	vld.idx.msk [tilespmem:v44+s21+$0x0], $0xffff;
	_ =	sdelay $0x1  }
0x274: {  	v40 =	vperm.xlane v42, v21;
	v39 =	vperm.xlane v42, v13;
	_ =	sdelay $0x1  }
0x275: {  	v43 =	vmul.f32 v43, v39;
	v41 =	vmul.f32 v41, v40  }
0x276: {  	v45 =	vmul.f32 v45, v39;
	v44 =	vmul.f32 v44, v40;
	_ =	sdelay $0x1  }
0x277: {  	v41 =	vadd.f32 v41, v43;
	v60 =	vadd.f32 v44, v45;
	_ =	sdelay $0x1  }
0x278: {  	v61 =	vadd.s32 $0x4B00, v32;
	v41 =	vmul.f32 v41, v31;
	v43 =	vmul.f32 v60, v29  }
0x279: {  	v62 =	vor.u32 $0x300, v32  }
0x27a: {  	v63 =	vor.u32 $0x300, v30;
	v41 =	vadd.f32 v41, v43  }
0x27b: {  	v46 =	vadd.s32 $0x4B00, v30  }
0x27c: {  	[tilespmem:s15+$0x280] =	vst v41  }
0x27d: {  	v41 =	vld.idx.msk [tilespmem:v61+s21+$0x0], $0xffff  }
0x27e: {  	v45 =	vld.idx.msk [tilespmem:v62+s21+$0x0], $0xffff  }
0x27f: {  	v47 =	vld.idx.msk [tilespmem:v63+s21+$0x0], $0xffff  }
0x280: {  	v46 =	vld.idx.msk [tilespmem:v46+s21+$0x0], $0xffff  }
0x281: {  	v44 =	vperm.xlane v42, v22;
	v43 =	vperm.xlane v42, v14;
	_ =	sdelay $0x1  }
0x282: {  	v45 =	vmul.f32 v45, v43;
	v41 =	vmul.f32 v41, v44  }
0x283: {  	s30 =	sand.u32 $0x7, s29  }
0x284: {  	s31 =	sshll.u32 s30, $0x4;
	v47 =	vmul.f32 v47, v43;
	v46 =	vmul.f32 v46, v44;
	v45 =	vadd.f32 v41, v45  }
0x285: {  	s5 =	simm.s32 $0x990;
	s20 =	simm.s32 $0x0;
	s2 =	sadd.s32 $0x0, s31;
	v41 =	vperm.xlane v42, v15  }
0x286: {  	s17 =	simm.s32 $0x1290;
	s18 =	simm.s32 $0x1B90;
	s0 =	simm.s32 $0x10;
	v42 =	vperm.xlane v42, v23;
	v46 =	vadd.f32 v46, v47;
	v45 =	vmul.f32 v45, v31  }
.LBB2_10:
0x287: {  	s29 =	sadd.s32 $0x80, s29  }
0x288: {  	s20 =	sadd.s32 $0x1, s20;
	s28 =	sadd.s32 $0x10, s28;
	s16 =	smov.u32 s0  }
0x289: {  	p0 =	sne.s32 s0, $0x8F0;
	s0 =	sadd.s32 $0x10, s0;
	v47 =	vor.u32 $0x380, v30;
	s23 =	sand.u32 $0x7, s20;
	v46 =	vmul.f32 v46, v29  }
0x28a: {  	v48 =	vor.u32 $0x380, v32;
	s23 =	sshll.u32 s23, $0x4  }
0x28b: {  	v32 =	vadd.s32 $0x4B80, v32;
	s23 =	sadd.s32 s23, s29;
	v45 =	vadd.f32 v45, v46;
	_ =	sdelay $0x1  }
0x28c: {  	v30 =	vadd.s32 $0x4B80, v30;
	[tilespmem:s15+$0x300] =	vst v45  }
0x28d: {  	v45 =	vld.idx.msk [tilespmem:v47+s21+$0x0], $0xffff  }
0x28e: {  	v46 =	vld.idx.msk [tilespmem:v48+s21+$0x0], $0xffff  }
0x28f: {  	v32 =	vld.idx.msk [tilespmem:v32+s21+$0x0], $0xffff;
	_ =	sdelay $0x1  }
0x290: {  	v30 =	vld.idx.msk [tilespmem:v30+s21+$0x0], $0xffff;
	_ =	sdelay $0x3  }
0x291: {  	v46 =	vmul.f32 v46, v41;
	v32 =	vmul.f32 v32, v42;
	_ =	sdelay $0x1  }
0x292: {  	v45 =	vmul.f32 v45, v41;
	v30 =	vmul.f32 v30, v42;
	v32 =	vadd.f32 v32, v46;
	_ =	sdelay $0x1  }
0x293: {  	v30 =	vadd.f32 v30, v45;
	v31 =	vmul.f32 v32, v31;
	_ =	sdelay $0x1  }
0x294: {  	v29 =	vmul.f32 v30, v29;
	_ =	sdelay $0x1  }
0x295: {  	s15 =	sor.u32 $0x380, s2;
	s2 =	smov.u32 s23;
	v29 =	vadd.f32 v31, v29;
	_ =	sdelay $0x1  }
0x296: {  	[tilespmem:s15+$0x18E80] =	vst v29  }
0x297: {  	v29 =	vld [tilespmem:s28+$0x0]  }
0x298: {  	v31 =	vld [tilespmem:s5+$0x0];
	_ =	sdelay $0x3  }
0x299: {  	v30 =	vshll.u32 v29, $0x3  }
0x29a: {  	v29 =	vand.u32 $0x7F, v29;
	v30 =	vand.u32 $0xFFFFFC00, v30;
	v32 =	vshll.u32 v31, $0x3  }
0x29b: {  	v30 =	vor.u32 v29, v30;
	v29 =	vand.u32 $0x7F, v31;
	v31 =	vand.u32 $0xFFFFFC00, v32  }
0x29c: {  	v32 =	vor.u32 v29, v31;
	v29 =	vadd.s32 $0x4800, v30  }
0x29d: {  	v31 =	vadd.s32 $0x4800, v32;
	v45 =	vadd.s32 $0x4880, v32;
	_ =	sdelay $0x2  }
0x29e: {  	v46 =	vld.idx.msk [tilespmem:v30+s21+$0x0], $0xffff  }
0x29f: {  	v47 =	vld.idx.msk [tilespmem:v32+s21+$0x0], $0xffff  }
0x2a0: {  	v48 =	vld.idx.msk [tilespmem:v29+s21+$0x0], $0xffff  }
0x2a1: {  	v49 =	vld.idx.msk [tilespmem:v31+s21+$0x0], $0xffff;
	_ =	sdelay $0x2  }
0x2a2: {  	v29 =	vld [tilespmem:s17+$0x0]  }
0x2a3: {  	v46 =	vmul.f32 v46, v25  }
0x2a4: {  	v48 =	vmul.f32 v48, v26;
	v31 =	vld [tilespmem:s18+$0x0]  }
0x2a5: {  	v47 =	vmul.f32 v47, v25;
	v49 =	vmul.f32 v49, v26  }
0x2a6: {  	v46 =	vadd.f32 v48, v46  }
0x2a7: {  	v47 =	vadd.f32 v49, v47  }
0x2a8: {  	v46 =	vmul.f32 v46, v29  }
0x2a9: {  	v48 =	vor.u32 $0x80, v30;
	v47 =	vmul.f32 v47, v31  }
0x2aa: {  	v49 =	vadd.s32 $0x4880, v30  }
0x2ab: {  	s15 =	sand.u32 $0x70, s16;
	s16 =	sand.u32 $0x7C00, s29;
	v46 =	vadd.f32 v47, v46;
	v47 =	vor.u32 $0x80, v32  }
0x2ac: {  	s15 =	sor.u32 s15, s16  }
0x2ad: {  	[tilespmem:s15+$0x18E80] =	vst v46  }
0x2ae: {  	v46 =	vld.idx.msk [tilespmem:v48+s21+$0x0], $0xffff  }
0x2af: {  	v45 =	vld.idx.msk [tilespmem:v45+s21+$0x0], $0xffff  }
0x2b0: {  	v48 =	vld.idx.msk [tilespmem:v49+s21+$0x0], $0xffff  }
0x2b1: {  	v47 =	vld.idx.msk [tilespmem:v47+s21+$0x0], $0xffff;
	_ =	sdelay $0x3  }
0x2b2: {  	v46 =	vmul.f32 v46, v27  }
0x2b3: {  	v48 =	vmul.f32 v48, v28  }
0x2b4: {  	v45 =	vmul.f32 v45, v28;
	v47 =	vmul.f32 v47, v27  }
0x2b5: {  	v46 =	vadd.f32 v48, v46  }
0x2b6: {  	v45 =	vadd.f32 v45, v47  }
0x2b7: {  	v46 =	vmul.f32 v46, v29  }
0x2b8: {  	v47 =	vor.u32 $0x100, v30;
	v45 =	vmul.f32 v45, v31  }
0x2b9: {  	v48 =	vor.u32 $0x100, v32  }
0x2ba: {  	v45 =	vadd.f32 v45, v46;
	v46 =	vadd.s32 $0x4900, v30  }
0x2bb: {  	s15 =	sadd.s32 $0x18E80, s15;
	v49 =	vadd.s32 $0x4900, v32  }
0x2bc: {  	[tilespmem:s15+$0x80] =	vst v45  }
0x2bd: {  	v45 =	vld.idx.msk [tilespmem:v47+s21+$0x0], $0xffff  }
0x2be: {  	v47 =	vld.idx.msk [tilespmem:v48+s21+$0x0], $0xffff  }
0x2bf: {  	v46 =	vld.idx.msk [tilespmem:v46+s21+$0x0], $0xffff  }
0x2c0: {  	v48 =	vld.idx.msk [tilespmem:v49+s21+$0x0], $0xffff;
	_ =	sdelay $0x3  }
0x2c1: {  	v47 =	vmul.f32 v47, v33  }
0x2c2: {  	v45 =	vmul.f32 v45, v33;
	v46 =	vmul.f32 v46, v34  }
0x2c3: {  	v48 =	vmul.f32 v48, v34  }
0x2c4: {  	v45 =	vadd.f32 v46, v45  }
0x2c5: {  	v46 =	vadd.f32 v48, v47  }
0x2c6: {  	v45 =	vmul.f32 v45, v29  }
0x2c7: {  	v47 =	vor.u32 $0x180, v32;
	v46 =	vmul.f32 v46, v31  }
0x2c8: {  	v48 =	vadd.s32 $0x4980, v32  }
0x2c9: {  	v45 =	vadd.f32 v46, v45;
	v46 =	vor.u32 $0x180, v30  }
0x2ca: {  	v49 =	vadd.s32 $0x4980, v30  }
0x2cb: {  	[tilespmem:s15+$0x100] =	vst v45  }
0x2cc: {  	v45 =	vld.idx.msk [tilespmem:v47+s21+$0x0], $0xffff  }
0x2cd: {  	v47 =	vld.idx.msk [tilespmem:v48+s21+$0x0], $0xffff  }
0x2ce: {  	v46 =	vld.idx.msk [tilespmem:v46+s21+$0x0], $0xffff  }
0x2cf: {  	v48 =	vld.idx.msk [tilespmem:v49+s21+$0x0], $0xffff;
	_ =	sdelay $0x3  }
0x2d0: {  	v45 =	vmul.f32 v45, v35;
	v47 =	vmul.f32 v47, v36  }
0x2d1: {  	v46 =	vmul.f32 v46, v35  }
0x2d2: {  	v48 =	vmul.f32 v48, v36;
	v45 =	vadd.f32 v47, v45;
	_ =	sdelay $0x1  }
0x2d3: {  	v46 =	vadd.f32 v48, v46;
	v45 =	vmul.f32 v45, v31;
	_ =	sdelay $0x1  }
0x2d4: {  	v47 =	vadd.s32 $0x4A00, v30;
	v46 =	vmul.f32 v46, v29  }
0x2d5: {  	v48 =	vor.u32 $0x200, v32  }
0x2d6: {  	v45 =	vadd.f32 v45, v46;
	v46 =	vadd.s32 $0x4A00, v32  }
0x2d7: {  	v49 =	vor.u32 $0x200, v30  }
0x2d8: {  	[tilespmem:s15+$0x180] =	vst v45  }
0x2d9: {  	v45 =	vld.idx.msk [tilespmem:v47+s21+$0x0], $0xffff  }
0x2da: {  	v47 =	vld.idx.msk [tilespmem:v48+s21+$0x0], $0xffff  }
0x2db: {  	v46 =	vld.idx.msk [tilespmem:v46+s21+$0x0], $0xffff  }
0x2dc: {  	v48 =	vld.idx.msk [tilespmem:v49+s21+$0x0], $0xffff;
	_ =	sdelay $0x3  }
0x2dd: {  	v47 =	vmul.f32 v47, v37  }
0x2de: {  	v46 =	vmul.f32 v46, v38  }
0x2df: {  	v45 =	vmul.f32 v45, v38;
	v48 =	vmul.f32 v48, v37  }
0x2e0: {  	v46 =	vadd.f32 v46, v47  }
0x2e1: {  	v45 =	vadd.f32 v45, v48  }
0x2e2: {  	v46 =	vmul.f32 v46, v31  }
0x2e3: {  	v47 =	vadd.s32 $0x4A80, v32;
	v45 =	vmul.f32 v45, v29  }
0x2e4: {  	v48 =	vor.u32 $0x280, v32  }
0x2e5: {  	v45 =	vadd.f32 v46, v45;
	v46 =	vor.u32 $0x280, v30  }
0x2e6: {  	v49 =	vadd.s32 $0x4A80, v30  }
0x2e7: {  	[tilespmem:s15+$0x200] =	vst v45  }
0x2e8: {  	v45 =	vld.idx.msk [tilespmem:v47+s21+$0x0], $0xffff  }
0x2e9: {  	v47 =	vld.idx.msk [tilespmem:v48+s21+$0x0], $0xffff  }
0x2ea: {  	v46 =	vld.idx.msk [tilespmem:v46+s21+$0x0], $0xffff  }
0x2eb: {  	v48 =	vld.idx.msk [tilespmem:v49+s21+$0x0], $0xffff;
	_ =	sdelay $0x3  }
0x2ec: {  	v45 =	vmul.f32 v45, v40;
	v47 =	vmul.f32 v47, v39;
	_ =	sdelay $0x1  }
0x2ed: {  	v46 =	vmul.f32 v46, v39;
	v48 =	vmul.f32 v48, v40;
	v45 =	vadd.f32 v45, v47;
	_ =	sdelay $0x1  }
0x2ee: {  	v46 =	vadd.f32 v48, v46;
	v45 =	vmul.f32 v45, v31;
	_ =	sdelay $0x1  }
0x2ef: {  	v47 =	vadd.s32 $0x4B00, v32;
	v46 =	vmul.f32 v46, v29  }
0x2f0: {  	v48 =	vor.u32 $0x300, v32  }
0x2f1: {  	v45 =	vadd.f32 v45, v46;
	v46 =	vor.u32 $0x300, v30  }
0x2f2: {  	v49 =	vadd.s32 $0x4B00, v30  }
0x2f3: {  	[tilespmem:s15+$0x280] =	vst v45  }
0x2f4: {  	v45 =	vld.idx.msk [tilespmem:v47+s21+$0x0], $0xffff  }
0x2f5: {  	v47 =	vld.idx.msk [tilespmem:v48+s21+$0x0], $0xffff  }
0x2f6: {  	v46 =	vld.idx.msk [tilespmem:v46+s21+$0x0], $0xffff  }
0x2f7: {  	v48 =	vld.idx.msk [tilespmem:v49+s21+$0x0], $0xffff;
	_ =	sdelay $0x3  }
.Ltmp8:
0x2f8: {  	v45 =	vmul.f32 v45, v44;
	v47 =	vmul.f32 v47, v43;
	(pc) =	sbr.rel @p0 .LBB2_10-.Ltmp8, $3  }
0x2f9: {  	v46 =	vmul.f32 v46, v43  }
0x2fa: {  	v48 =	vmul.f32 v48, v44;
	v45 =	vadd.f32 v45, v47;
	_ =	sdelay $0x1  }
0x2fb: {  	s5 =	sadd.s32 $0x10, s5;
	s17 =	sadd.s32 $0x10, s17;
	s18 =	sadd.s32 $0x10, s18;
	v46 =	vadd.f32 v48, v46;
	v45 =	vmul.f32 v45, v31  }
0x2fc: {  	_ = 	snop  }
0x2fd: {  	v26 =	vor.u32 $0x380, v30;
	v25 =	vmul.f32 v46, v29  }
0x2fe: {  	v27 =	vor.u32 $0x380, v32  }
0x2ff: {  	v28 =	vadd.s32 $0x4B80, v32;
	v25 =	vadd.f32 v45, v25  }
0x300: {  	v62 =	vadd.s32 $0x4B80, v30  }
0x301: {  	[tilespmem:s15+$0x300] =	vst v25  }
0x302: {  	v25 =	vld.idx.msk [tilespmem:v26+s21+$0x0], $0xffff  }
0x303: {  	v26 =	vld.idx.msk [tilespmem:v27+s21+$0x0], $0xffff  }
0x304: {  	v27 =	vld.idx.msk [tilespmem:v28+s21+$0x0], $0xffff  }
0x305: {  	v63 =	vld.idx.msk [tilespmem:v62+s21+$0x0], $0xffff;
	_ =	sdelay $0x3  }
0x306: {  	v26 =	vmul.f32 v26, v41;
	v27 =	vmul.f32 v27, v42  }
0x307: {  	v25 =	vmul.f32 v25, v41;
	v28 =	vmul.f32 v63, v42;
	_ =	sdelay $0x1  }
0x308: {  	v26 =	vadd.f32 v27, v26;
	v25 =	vadd.f32 v28, v25;
	_ =	sdelay $0x1  }
0x309: {  	s0 =	rddreg [dreg:$0x5];
	v26 =	vmul.f32 v26, v31;
	v25 =	vmul.f32 v25, v29  }
.Ltmp9:
0x30a: {  	s0 =	sadd.s32 s0, s26;
	(pc) =	sbr.rel .LBB2_12-.Ltmp9, $4  }
0x30b: {  	s0 =	smul.u32 $0x900, s0;
	v25 =	vadd.f32 v26, v25  }
0x30c: {  	s2 =	sor.u32 $0x380, s2  }
0x30d: {  	s31 =	simm.s32 $0x18E80;
	s0 =	sadd.s32 s6, s0;
	[tilespmem:s2+$0x18E80] =	vst v25  }
0x30e: {  	[hbm4b:s0+s4] =	stream.linear.scatter [tilespmem:s31], [sflag:$0x4], $0x4800, $0x38;
	[tilespmem:$0x1D680] =	vst v63  }
.LBB2_14:
0x30f: {  	_ =	sfence.sel $0x180000  }
0x310: {  	[bflag:$0x0] =	sbarrier.arrive $0xFFFF  }
0x311: {  	_ =	strace $0x90000047  }
0x312: {  	s0 =	stileid.u32;
	[bflag:$0x2] =	sbarrier.arrive $0xFFFF  }
0x313: {  	p0 =	sne.s32 s0, $0x0;
	s0 =	rddreg [dreg:$0x2]  }
0x314: {  	s0 =	sadd.s32 @!p0 $0x100000, s0  }
0x315: {  	[sflag:s0] =	ssyncadd.tile.s32 @!p0 $0x1;
	_ =	shalt  }
.Lfunc_end2:
_tile_overlayer_lowered:
.L_overlay_start_2:
0x316: {  	(tag) =	ssettag $0x2  }
0x317: {  	s0 =	rddreg [dreg:$0x0];
	s2 =	stileid.u32  }
0x318: {  	s1 =	rddreg [dreg:$0x1];
	p0 =	sne.s32 s2, $0x0  }
0x319: {  	s3 =	rddreg [dreg:$0x2];
	[bflag:$0x3] =	sbarrier.arrive $0xFFFF;
	s2 =	simm.s32 @!p0 $0x1C05  }
0x31a: {  	[timem:s3], [sflag:s2] =	dma.local @!p0 [hbm:s0], s1  }
0x31b: {  	s0 =	simm.s32 @!p0 $0x5  }
0x31c: {  	_ =	swait.ge @!p0 [sflag:s0], s1  }
0x31d: {  	s1 =	ssub.s32 @!p0 $0x0, s1;
	[sflag:s0] =	ssyncset.done @!p0 $0x0  }
0x31e: {  	[sflag:s0] =	ssyncadd.s32 @!p0 s1  }
0x31f: {  	[bflag:$0x3] =	sbarrier.arrive $0xFFFF  }
0x320: {  	_ =	shalt  }

</sc_bundles>
